<compile_context>
chip_gen: v7x
topology: tpu7x:2x2x1
jax: 0.10.2.dev20260603
libtpu: 0.0.44.dev20260713+nightly
codegen_flags: <defaults>
</compile_context>

<pallas_src>
import functools

import jax
import jax.numpy as jnp
from jax import lax
from jax.experimental import pallas as pl
from jax.experimental.pallas import tpu as pltpu
from jax.experimental.pallas import tpu_sc as plsc

F32 = jnp.float32

_NC = 2
_NS = 16
_LANES = 16


def _deg_call(dst3, ones, zeros16, n, e):
    w = ones.shape[1]
    chunk = dst3.shape[2]
    nch = dst3.shape[1]
    zrows = n // 10

    def body(dst_hbm, ones_hbm, zeros_hbm, out_hbm, idx_d, ones_v, acc_sh, sem):
        c = lax.axis_index("c")
        s = lax.axis_index("s")

        @pl.when(s < 10)
        def _zero():
            pltpu.sync_copy(zeros_hbm.at[pl.ds(s * zrows, zrows)],
                            acc_sh.at[pl.ds(s * zrows, zrows)])

        pltpu.sync_copy(ones_hbm, ones_v)
        pltpu.sync_copy(dst_hbm.at[c * _NS + s], idx_d)
        plsc.subcore_barrier()

        def fire(i, carry):
            pltpu.async_copy(ones_v, acc_sh.at[idx_d.at[i]], sem, add=True)
            return carry

        lax.fori_loop(0, nch, fire, 0)

        def drain(i, carry):
            pltpu.make_async_copy(ones_v, acc_sh.at[idx_d.at[i]], sem).wait()
            return carry

        lax.fori_loop(0, nch, drain, 0)
        plsc.subcore_barrier()

        @pl.when(s < 10)
        def _writeback():
            pltpu.sync_copy(acc_sh.at[pl.ds(s * zrows, zrows)],
                            out_hbm.at[pl.ds(c * n + s * zrows, zrows)])

    kfn = pl.kernel(
        body,
        out_type=jax.ShapeDtypeStruct((_NC * n, w), F32),
        mesh=plsc.VectorSubcoreMesh(core_axis_name="c", subcore_axis_name="s"),
        scratch_types=[
            pltpu.VMEM((nch, chunk), jnp.int32),
            pltpu.VMEM((chunk, w), F32),
            pltpu.VMEM_SHARED((n, w), F32),
            pltpu.SemaphoreType.DMA,
        ],
    )
    return kfn(dst3, ones, zeros16)


def _edge_call(u2, srcs3, dst3, zeros128, n, e):
    chunk = dst3.shape[2]
    nch = dst3.shape[1]
    zrows = n // 10
    half = u2.shape[1]
    ngrp = nch // 3

    def body(u_hbm, src_hbm, dst_hbm, zeros_hbm, out_hbm,
             is0, is1, is2, idst, rows0, rows1, rows2, acc_sh,
             ise0, ise1, ise2, gse0, gse1, gse2, sse0, sse1, sse2):
        c = lax.axis_index("c")
        s = lax.axis_index("s")

        @pl.when(s < 10)
        def _zero():
            pltpu.sync_copy(zeros_hbm.at[pl.ds(s * zrows, zrows)],
                            acc_sh.at[pl.ds(s * zrows, zrows)])

        t = c * _NS + s
        pltpu.sync_copy(dst_hbm.at[s], idst)
        plsc.subcore_barrier()

        isb = (is0, is1, is2)
        rows = (rows0, rows1, rows2)
        isem = (ise0, ise1, ise2)
        gsem = (gse0, gse1, gse2)
        ssem = (sse0, sse1, sse2)

        def idxload(i, b):
            pltpu.async_copy(src_hbm.at[t].at[i], isb[b], isem[b])

        def wait_idx(i, b):
            pltpu.make_async_copy(src_hbm.at[t].at[i], isb[b], isem[b]).wait()

        def gather(i, b):
            pltpu.async_copy(u_hbm.at[isb[b]], rows[b], gsem[b])

        def wait_gather(i, b):
            pltpu.make_async_copy(u_hbm.at[isb[b]], rows[b], gsem[b]).wait()

        def scatter(i, b):
            pltpu.async_copy(rows[b], acc_sh.at[idst.at[i]], ssem[b], add=True)

        def wait_scatter(i, b):
            pltpu.make_async_copy(rows[b], acc_sh.at[idst.at[i]], ssem[b]).wait()

        idxload(0, 0)
        idxload(1, 1)
        wait_idx(0, 0)
        gather(0, 0)
        idxload(2, 2)
        wait_idx(1, 1)
        gather(1, 1)
        wait_gather(0, 0)
        scatter(0, 0)
        idxload(3, 0)
        wait_idx(2, 2)
        gather(2, 2)
        wait_gather(1, 1)
        scatter(1, 1)
        idxload(4, 1)

        def grp(g, carry):
            for b in range(3):
                i = 3 * g + b
                bp = (b + 2) % 3
                wait_idx(i, b)
                wait_scatter(i - 3, b)
                gather(i, b)
                wait_gather(i - 1, bp)
                scatter(i - 1, bp)
                if b == 0:
                    idxload(i + 2, bp)
                else:
                    @pl.when(g < ngrp - 1)
                    def _pf():
                        idxload(i + 2, bp)
            return carry

        lax.fori_loop(1, ngrp, grp, 0)
        wait_gather(nch - 1, (nch - 1) % 3)
        scatter(nch - 1, (nch - 1) % 3)
        wait_scatter(nch - 3, (nch - 3) % 3)
        wait_scatter(nch - 2, (nch - 2) % 3)
        wait_scatter(nch - 1, (nch - 1) % 3)
        plsc.subcore_barrier()

        @pl.when(s < 10)
        def _writeback():
            pltpu.sync_copy(acc_sh.at[pl.ds(s * zrows, zrows)],
                            out_hbm.at[pl.ds(c * n + s * zrows, zrows)])

    kfn = pl.kernel(
        body,
        out_type=jax.ShapeDtypeStruct((_NC * n, half), F32),
        mesh=plsc.VectorSubcoreMesh(core_axis_name="c", subcore_axis_name="s"),
        scratch_types=[
            pltpu.VMEM((chunk,), jnp.int32),
            pltpu.VMEM((chunk,), jnp.int32),
            pltpu.VMEM((chunk,), jnp.int32),
            pltpu.VMEM((nch, chunk), jnp.int32),
            pltpu.VMEM((chunk, half), F32),
            pltpu.VMEM((chunk, half), F32),
            pltpu.VMEM((chunk, half), F32),
            pltpu.VMEM_SHARED((n + 8, half), F32),
            pltpu.SemaphoreType.DMA,
            pltpu.SemaphoreType.DMA,
            pltpu.SemaphoreType.DMA,
            pltpu.SemaphoreType.DMA,
            pltpu.SemaphoreType.DMA,
            pltpu.SemaphoreType.DMA,
            pltpu.SemaphoreType.DMA,
            pltpu.SemaphoreType.DMA,
            pltpu.SemaphoreType.DMA,
        ],
    )
    return kfn(u2, srcs3, dst3, zeros128)


def _deg_terms(cnt_blk):
    deg = 1.0 + cnt_blk[0, :, 0:1] + cnt_blk[1, :, 0:1]
    return lax.rsqrt(deg), 1.0 / deg


def _k1a_body(x_ref, w_ref, h_ref):
    h_ref[...] = jnp.dot(x_ref[...], w_ref[...], preferred_element_type=F32)


def _k1a(x, W1, n, bm):
    grid = (n // bm,)
    d = x.shape[1]
    hdim = W1.shape[1]
    return pl.pallas_call(
        _k1a_body,
        grid=grid,
        in_specs=[
            pl.BlockSpec((bm, d), lambda m: (m, 0)),
            pl.BlockSpec((d, hdim), lambda m: (0, 0)),
        ],
        out_specs=pl.BlockSpec((bm, hdim), lambda m: (m, 0)),
        out_shape=jax.ShapeDtypeStruct((n, hdim), F32),
    )(x, W1)


def _k1b_body(h_ref, cnt_ref, u_ref):
    invs, _ = _deg_terms(cnt_ref[...])
    u = invs * h_ref[...]
    hh = u.shape[1] // 2
    u_ref[0] = u[:, :hh]
    u_ref[1] = u[:, hh:]


def _k1b(h1, cnt3, n, bm):
    grid = (n // bm,)
    hdim = h1.shape[1]
    return pl.pallas_call(
        _k1b_body,
        grid=grid,
        in_specs=[
            pl.BlockSpec((bm, hdim), lambda m: (m, 0)),
            pl.BlockSpec((_NC, bm, 128), lambda m: (0, m, 0)),
        ],
        out_specs=pl.BlockSpec((_NC, bm, hdim // 2), lambda m: (0, m, 0)),
        out_shape=jax.ShapeDtypeStruct((_NC, n, hdim // 2), F32),
    )(h1, cnt3)


def _k2_body(h_ref, s_ref, cnt_ref, b_ref, w_ref, h2_ref, u_ref):
    sfull = jnp.concatenate([s_ref[0], s_ref[1]], axis=1)
    invs, invd = _deg_terms(cnt_ref[...])
    pre = invs * sfull + invd * h_ref[...] + b_ref[...]
    a = jnp.maximum(pre, 0.0)
    h2 = jnp.dot(a, w_ref[...], preferred_element_type=F32)
    h2_ref[...] = h2
    u = invs * h2
    hh = u.shape[1] // 2
    u_ref[0] = u[:, :hh]
    u_ref[1] = u[:, hh:]


def _k2(h1, s3, cnt3, b1, W2, n, bm):
    grid = (n // bm,)
    hdim = h1.shape[1]
    return pl.pallas_call(
        _k2_body,
        grid=grid,
        in_specs=[
            pl.BlockSpec((bm, hdim), lambda m: (m, 0)),
            pl.BlockSpec((_NC, bm, hdim // 2), lambda m: (0, m, 0)),
            pl.BlockSpec((_NC, bm, 128), lambda m: (0, m, 0)),
            pl.BlockSpec((1, hdim), lambda m: (0, 0)),
            pl.BlockSpec((hdim, hdim), lambda m: (0, 0)),
        ],
        out_specs=[
            pl.BlockSpec((bm, hdim), lambda m: (m, 0)),
            pl.BlockSpec((_NC, bm, hdim // 2), lambda m: (0, m, 0)),
        ],
        out_shape=[
            jax.ShapeDtypeStruct((n, hdim), F32),
            jax.ShapeDtypeStruct((_NC, n, hdim // 2), F32),
        ],
    )(h1, s3, cnt3, b1, W2)


def _k3_body(h_ref, s_ref, cnt_ref, b_ref, wc_ref, bc_ref, z_ref, y_ref):
    sfull = jnp.concatenate([s_ref[0], s_ref[1]], axis=1)
    invs, invd = _deg_terms(cnt_ref[...])
    z = invs * sfull + invd * h_ref[...] + b_ref[...]
    z_ref[...] = z
    y_ref[...] = jnp.dot(z, wc_ref[...], preferred_element_type=F32) + bc_ref[...]


def _k3(h2, s3, cnt3, b2, Wc, bc, n, bm):
    grid = (n // bm,)
    hdim = h2.shape[1]
    return pl.pallas_call(
        _k3_body,
        grid=grid,
        in_specs=[
            pl.BlockSpec((bm, hdim), lambda m: (m, 0)),
            pl.BlockSpec((_NC, bm, hdim // 2), lambda m: (0, m, 0)),
            pl.BlockSpec((_NC, bm, 128), lambda m: (0, m, 0)),
            pl.BlockSpec((1, hdim), lambda m: (0, 0)),
            pl.BlockSpec((hdim, 1), lambda m: (0, 0)),
            pl.BlockSpec((1, 1), lambda m: (0, 0)),
        ],
        out_specs=[
            pl.BlockSpec((bm, hdim), lambda m: (m, 0)),
            pl.BlockSpec((bm, 1), lambda m: (m, 0)),
        ],
        out_shape=[
            jax.ShapeDtypeStruct((n, hdim), F32),
            jax.ShapeDtypeStruct((n, 1), F32),
        ],
    )(h2, s3, cnt3, b2, Wc, bc)


def kernel(x, edge_index, W1, b1, W2, b2, Wc, bc):
    n, d = x.shape
    hdim = W1.shape[1]
    e = edge_index.shape[1]
    half = hdim // 2
    bm = 2000

    src = edge_index[0]
    dst = edge_index[1]
    dst3_deg = dst.reshape(_NC * _NS, e // (_NC * _NS * 100), 100)
    ones = jnp.ones((100, half), F32)
    zeros128 = jnp.zeros((n, half), F32)

    ept = e // _NS
    ck = 88
    pad = (-ept) % (3 * ck)
    src_r = jnp.pad(src.reshape(_NS, ept), ((0, 0), (0, pad)))
    srcs3 = jnp.stack([src_r, src_r + n]).reshape(_NC * _NS, (ept + pad) // ck, ck)
    dst3 = jnp.pad(dst.reshape(_NS, ept), ((0, 0), (0, pad)),
                   constant_values=n).reshape(_NS, (ept + pad) // ck, ck)

    cnt = _deg_call(dst3_deg, ones, zeros128, n, e)
    cnt3 = cnt.reshape(_NC, n, half)

    h1 = _k1a(x, W1, n, bm)
    u1 = _k1b(h1, cnt3, n, bm)
    s1 = _edge_call(u1.reshape(_NC * n, half), srcs3, dst3, zeros128, n, e)
    h2, u2 = _k2(h1, s1.reshape(_NC, n, half), cnt3, b1.reshape(1, hdim), W2, n, bm)
    s2 = _edge_call(u2.reshape(_NC * n, half), srcs3, dst3, zeros128, n, e)
    z, y = _k3(h2, s2.reshape(_NC, n, half), cnt3, b2.reshape(1, hdim),
               Wc, bc.reshape(1, 1), n, bm)
    return (z, y)

# --- scband reference (transcript-rebuilt; emitter-appended) ---
"""Pipeline reference for scband-wrapped-gnn-5978594476033 (READ-ONLY COPY).

The authoritative reference and input builder live on the scoring server;
editing this copy changes nothing except your own understanding.
"""

import jax, jax.numpy as jnp
import numpy as np

N = 10000
E = 160000
D = 256
H = 256


def setup_inputs(seed: int = 0) -> dict:
    key = jax.random.key(seed)
    ks = jax.random.split(key, 9)
    x = jax.random.normal(ks[0], (N, D), dtype=jnp.float32)
    edge_index = jax.random.randint(ks[1], (2, E), 0, N, dtype=jnp.int32)
    # GCNBody: two GraphConv layers (input_dim -> hidden_dim -> hidden_dim)
    W1 = jax.random.normal(ks[2], (D, H), dtype=jnp.float32) * (1.0 / np.sqrt(D))
    b1 = jnp.zeros((H,), dtype=jnp.float32)
    W2 = jax.random.normal(ks[3], (H, H), dtype=jnp.float32) * (1.0 / np.sqrt(H))
    b2 = jnp.zeros((H,), dtype=jnp.float32)
    # sensitivity classifier: Linear(hidden_dim, 1)
    Wc = jax.random.normal(ks[4], (H, 1), dtype=jnp.float32) * (1.0 / np.sqrt(H))
    bc = jnp.zeros((1,), dtype=jnp.float32)
    return {"x": x, "edge_index": edge_index, "W1": W1, "b1": b1,
            "W2": W2, "b2": b2, "Wc": Wc, "bc": bc}


def _gcn_layer(x, src, dst, W, b):
    # GCN with symmetric normalization and self-loops:
    # h = D^{-1/2} (A + I) D^{-1/2} X W + b
    n = x.shape[0]
    h = x @ W
    deg = jnp.zeros((n,), jnp.float32).at[dst].add(1.0) + 1.0  # +1 for self-loop
    inv_sqrt = jax.lax.rsqrt(deg)
    coef = inv_sqrt[src] * inv_sqrt[dst]
    msg = h[src] * coef[:, None]  # gather over src
    agg = jnp.zeros_like(h).at[dst].add(msg)  # scatter-add over dst
    agg = agg + h * (1.0 / deg)[:, None]  # self-loop contribution
    return agg + b


def reference(x, edge_index, W1, b1, W2, b2, Wc, bc):
    src = edge_index[0]
    dst = edge_index[1]
    h = jax.nn.relu(_gcn_layer(x, src, dst, W1, b1))
    z = _gcn_layer(h, src, dst, W2, b2)  # GNN logits (pre-classifier)
    y = z @ Wc + bc  # sensitivity classifier output
    return (z, y)

if __name__ == "__main__":
    import jax
    _d = setup_inputs()
    print(jax.jit(kernel)(*tuple(_d.values())))

</pallas_src>

<mosaic_0001>
#map = affine_map<(d0, d1) -> (0, 0)>
#map1 = affine_map<(d0, d1) -> (0, 0, 0)>
module attributes {stable_mosaic.version = 14 : i64} {
  func.func @body(%arg0: i32, %arg1: i32, %arg2: memref<20000x128xf32, #tpu.memory_space<hbm>>, %arg3: memref<32x114x88xi32, #tpu.memory_space<hbm>>, %arg4: memref<16x114x88xi32, #tpu.memory_space<hbm>>, %arg5: memref<10000x128xf32, #tpu.memory_space<hbm>>, %arg6: memref<20000x128xf32, #tpu.memory_space<hbm>>, %arg7: memref<88xi32, #tpu.memory_space<vmem>>, %arg8: memref<88xi32, #tpu.memory_space<vmem>>, %arg9: memref<88xi32, #tpu.memory_space<vmem>>, %arg10: memref<114x88xi32, #tpu.memory_space<vmem>>, %arg11: memref<88x128xf32, #tpu.memory_space<vmem>>, %arg12: memref<88x128xf32, #tpu.memory_space<vmem>>, %arg13: memref<88x128xf32, #tpu.memory_space<vmem>>, %arg14: memref<10008x128xf32, #tpu.memory_space<vmem_shared>>, %arg15: memref<!tpu.dma_semaphore, #tpu.memory_space<semaphore_mem>>, %arg16: memref<!tpu.dma_semaphore, #tpu.memory_space<semaphore_mem>>, %arg17: memref<!tpu.dma_semaphore, #tpu.memory_space<semaphore_mem>>, %arg18: memref<!tpu.dma_semaphore, #tpu.memory_space<semaphore_mem>>, %arg19: memref<!tpu.dma_semaphore, #tpu.memory_space<semaphore_mem>>, %arg20: memref<!tpu.dma_semaphore, #tpu.memory_space<semaphore_mem>>, %arg21: memref<!tpu.dma_semaphore, #tpu.memory_space<semaphore_mem>>, %arg22: memref<!tpu.dma_semaphore, #tpu.memory_space<semaphore_mem>>, %arg23: memref<!tpu.dma_semaphore, #tpu.memory_space<semaphore_mem>>) attributes {dimension_semantics = [#tpu.dimension_semantics<core_parallel>, #tpu.dimension_semantics<subcore_parallel>], iteration_bounds = array<i64: 2, 16>, scalar_prefetch = 0 : i64, scratch_operands = 17 : i64, tpu.core_type = #tpu.core_type<sc_vector_subcore>, window_params = [{transform_indices = #map}, {transform_indices = #map1}, {transform_indices = #map1}, {transform_indices = #map}, {transform_indices = #map}]} {
    %lt3A = arith.constant 10 : i32
    %lt3A_0 = arith.cmpi slt, %arg1, %lt3A : i32
    %convert_element_type3A = arith.extui %lt3A_0 : i1 to i32
    %cond3A = arith.constant 0 : i32
    %cond3A_1 = arith.cmpi ne, %convert_element_type3A, %cond3A : i32
    scf.if %cond3A_1 {
      %mul3A_192 = arith.constant 1000 : i32
      %mul3A_193 = arith.muli %arg1, %mul3A_192 : i32
      %mul3A_194 = arith.constant 1000 : i32
      %mul3A_195 = arith.muli %arg1, %mul3A_194 : i32
      "tpu.region"() ({
        %run_scoped3A = tpu.sem_alloc : memref<!tpu.dma_semaphore, #tpu.memory_space<semaphore_mem>>
        %dma_start3A_196 = arith.constant 0 : i32
        %dma_start3A_197 = tpu.memref_slice %arg14[%mul3A_195, %dma_start3A_196] : memref<10008x128xf32, #tpu.memory_space<vmem_shared>> -> memref<1000x128xf32, #tpu.memory_space<vmem_shared>>
        %dma_start3A_198 = arith.constant 0 : i32
        %dma_start3A_199 = tpu.memref_slice %arg5[%mul3A_193, %dma_start3A_198] : memref<10000x128xf32, #tpu.memory_space<hbm>> -> memref<1000x128xf32, #tpu.memory_space<hbm>>
        tpu.enqueue_dma source(%dma_start3A_199 : memref<1000x128xf32, #tpu.memory_space<hbm>>) target(%dma_start3A_197 : memref<1000x128xf32, #tpu.memory_space<vmem_shared>>) target_semaphore(%run_scoped3A : memref<!tpu.dma_semaphore, #tpu.memory_space<semaphore_mem>>)
        %dma_wait3A_200 = arith.constant 0 : i32
        %dma_wait3A_201 = tpu.memref_slice %arg14[%mul3A_195, %dma_wait3A_200] : memref<10008x128xf32, #tpu.memory_space<vmem_shared>> -> memref<1000x128xf32, #tpu.memory_space<vmem_shared>>
        %dma_wait3A_202 = arith.constant 0 : i32
        %dma_wait3A_203 = tpu.memref_slice %arg5[%mul3A_193, %dma_wait3A_202] : memref<10000x128xf32, #tpu.memory_space<hbm>> -> memref<1000x128xf32, #tpu.memory_space<hbm>>
        tpu.wait_dma2 semaphore(%run_scoped3A : memref<!tpu.dma_semaphore, #tpu.memory_space<semaphore_mem>>) src(%dma_wait3A_203 : memref<1000x128xf32, #tpu.memory_space<hbm>>) dst(%dma_wait3A_201 : memref<1000x128xf32, #tpu.memory_space<vmem_shared>>)
        tpu.yield
      }) : () -> ()
    } else {
    }
    %mul3A = arith.constant 16 : i32
    %mul3A_2 = arith.muli %arg0, %mul3A : i32
    %add3A = arith.addi %mul3A_2, %arg1 : i32
    "tpu.region"() ({
      %run_scoped3A = tpu.sem_alloc : memref<!tpu.dma_semaphore, #tpu.memory_space<semaphore_mem>>
      %dma_start3A_192 = arith.constant 0 : i32
      %dma_start3A_193 = arith.constant 0 : i32
      %dma_start3A_194 = tpu.memref_slice %arg4[%arg1, %dma_start3A_192, %dma_start3A_193] : memref<16x114x88xi32, #tpu.memory_space<hbm>> -> memref<1x114x88xi32, #tpu.memory_space<hbm>>
      %dma_start3A_195 = tpu.memref_squeeze %dma_start3A_194 : memref<1x114x88xi32, #tpu.memory_space<hbm>> -> memref<114x88xi32, #tpu.memory_space<hbm>>
      %dma_start3A_196 = arith.constant 0 : i32
      %dma_start3A_197 = arith.constant 0 : i32
      %dma_start3A_198 = tpu.memref_slice %arg4[%arg1, %dma_start3A_196, %dma_start3A_197] : memref<16x114x88xi32, #tpu.memory_space<hbm>> -> memref<1x114x88xi32, #tpu.memory_space<hbm>>
      %dma_start3A_199 = tpu.memref_squeeze %dma_start3A_198 : memref<1x114x88xi32, #tpu.memory_space<hbm>> -> memref<114x88xi32, #tpu.memory_space<hbm>>
      tpu.enqueue_dma source(%dma_start3A_199 : memref<114x88xi32, #tpu.memory_space<hbm>>) target(%arg10 : memref<114x88xi32, #tpu.memory_space<vmem>>) target_semaphore(%run_scoped3A : memref<!tpu.dma_semaphore, #tpu.memory_space<semaphore_mem>>)
      %dma_wait3A_200 = arith.constant 0 : i32
      %dma_wait3A_201 = arith.constant 0 : i32
      %dma_wait3A_202 = tpu.memref_slice %arg4[%arg1, %dma_wait3A_200, %dma_wait3A_201] : memref<16x114x88xi32, #tpu.memory_space<hbm>> -> memref<1x114x88xi32, #tpu.memory_space<hbm>>
      %dma_wait3A_203 = tpu.memref_squeeze %dma_wait3A_202 : memref<1x114x88xi32, #tpu.memory_space<hbm>> -> memref<114x88xi32, #tpu.memory_space<hbm>>
      %dma_wait3A_204 = arith.constant 0 : i32
      %dma_wait3A_205 = arith.constant 0 : i32
      %dma_wait3A_206 = tpu.memref_slice %arg4[%arg1, %dma_wait3A_204, %dma_wait3A_205] : memref<16x114x88xi32, #tpu.memory_space<hbm>> -> memref<1x114x88xi32, #tpu.memory_space<hbm>>
      %dma_wait3A_207 = tpu.memref_squeeze %dma_wait3A_206 : memref<1x114x88xi32, #tpu.memory_space<hbm>> -> memref<114x88xi32, #tpu.memory_space<hbm>>
      tpu.wait_dma2 semaphore(%run_scoped3A : memref<!tpu.dma_semaphore, #tpu.memory_space<semaphore_mem>>) src(%dma_wait3A_207 : memref<114x88xi32, #tpu.memory_space<hbm>>) dst(%arg10 : memref<114x88xi32, #tpu.memory_space<vmem>>)
      tpu.yield
    }) : () -> ()
    %barrier3A = arith.constant 0 : index
    tpu.barrier barrier_id(%barrier3A)
    %dma_start3A = arith.constant 0 : i32
    %dma_start3A_3 = arith.constant 0 : i32
    %dma_start3A_4 = arith.constant 0 : i32
    %dma_start3A_5 = tpu.memref_slice %arg3[%add3A, %dma_start3A_3, %dma_start3A_4] : memref<32x114x88xi32, #tpu.memory_space<hbm>> -> memref<1x114x88xi32, #tpu.memory_space<hbm>>
    %dma_start3A_6 = tpu.memref_squeeze %dma_start3A_5 : memref<1x114x88xi32, #tpu.memory_space<hbm>> -> memref<114x88xi32, #tpu.memory_space<hbm>>
    %dma_start3A_7 = arith.constant 0 : i32
    %dma_start3A_8 = tpu.memref_slice %dma_start3A_6[%dma_start3A, %dma_start3A_7] : memref<114x88xi32, #tpu.memory_space<hbm>> -> memref<1x88xi32, #tpu.memory_space<hbm>>
    %dma_start3A_9 = tpu.memref_squeeze %dma_start3A_8 : memref<1x88xi32, #tpu.memory_space<hbm>> -> memref<88xi32, #tpu.memory_space<hbm>>
    %dma_start3A_10 = arith.constant 0 : i32
    %dma_start3A_11 = arith.constant 0 : i32
    %dma_start3A_12 = tpu.memref_slice %arg3[%add3A, %dma_start3A_10, %dma_start3A_11] : memref<32x114x88xi32, #tpu.memory_space<hbm>> -> memref<1x114x88xi32, #tpu.memory_space<hbm>>
    %dma_start3A_13 = tpu.memref_squeeze %dma_start3A_12 : memref<1x114x88xi32, #tpu.memory_space<hbm>> -> memref<114x88xi32, #tpu.memory_space<hbm>>
    %dma_start3A_14 = arith.constant 0 : i32
    %dma_start3A_15 = tpu.memref_slice %dma_start3A_13[%dma_start3A, %dma_start3A_14] : memref<114x88xi32, #tpu.memory_space<hbm>> -> memref<1x88xi32, #tpu.memory_space<hbm>>
    %dma_start3A_16 = tpu.memref_squeeze %dma_start3A_15 : memref<1x88xi32, #tpu.memory_space<hbm>> -> memref<88xi32, #tpu.memory_space<hbm>>
    tpu.enqueue_dma source(%dma_start3A_16 : memref<88xi32, #tpu.memory_space<hbm>>) target(%arg7 : memref<88xi32, #tpu.memory_space<vmem>>) target_semaphore(%arg15 : memref<!tpu.dma_semaphore, #tpu.memory_space<semaphore_mem>>)
    %dma_start3A_17 = arith.constant 1 : i32
    %dma_start3A_18 = arith.constant 0 : i32
    %dma_start3A_19 = arith.constant 0 : i32
    %dma_start3A_20 = tpu.memref_slice %arg3[%add3A, %dma_start3A_18, %dma_start3A_19] : memref<32x114x88xi32, #tpu.memory_space<hbm>> -> memref<1x114x88xi32, #tpu.memory_space<hbm>>
    %dma_start3A_21 = tpu.memref_squeeze %dma_start3A_20 : memref<1x114x88xi32, #tpu.memory_space<hbm>> -> memref<114x88xi32, #tpu.memory_space<hbm>>
    %dma_start3A_22 = arith.constant 0 : i32
    %dma_start3A_23 = tpu.memref_slice %dma_start3A_21[%dma_start3A_17, %dma_start3A_22] : memref<114x88xi32, #tpu.memory_space<hbm>> -> memref<1x88xi32, #tpu.memory_space<hbm>>
    %dma_start3A_24 = tpu.memref_squeeze %dma_start3A_23 : memref<1x88xi32, #tpu.memory_space<hbm>> -> memref<88xi32, #tpu.memory_space<hbm>>
    %dma_start3A_25 = arith.constant 0 : i32
    %dma_start3A_26 = arith.constant 0 : i32
    %dma_start3A_27 = tpu.memref_slice %arg3[%add3A, %dma_start3A_25, %dma_start3A_26] : memref<32x114x88xi32, #tpu.memory_space<hbm>> -> memref<1x114x88xi32, #tpu.memory_space<hbm>>
    %dma_start3A_28 = tpu.memref_squeeze %dma_start3A_27 : memref<1x114x88xi32, #tpu.memory_space<hbm>> -> memref<114x88xi32, #tpu.memory_space<hbm>>
    %dma_start3A_29 = arith.constant 0 : i32
    %dma_start3A_30 = tpu.memref_slice %dma_start3A_28[%dma_start3A_17, %dma_start3A_29] : memref<114x88xi32, #tpu.memory_space<hbm>> -> memref<1x88xi32, #tpu.memory_space<hbm>>
    %dma_start3A_31 = tpu.memref_squeeze %dma_start3A_30 : memref<1x88xi32, #tpu.memory_space<hbm>> -> memref<88xi32, #tpu.memory_space<hbm>>
    tpu.enqueue_dma source(%dma_start3A_31 : memref<88xi32, #tpu.memory_space<hbm>>) target(%arg8 : memref<88xi32, #tpu.memory_space<vmem>>) target_semaphore(%arg16 : memref<!tpu.dma_semaphore, #tpu.memory_space<semaphore_mem>>)
    %dma_wait3A = arith.constant 0 : i32
    %dma_wait3A_32 = arith.constant 0 : i32
    %dma_wait3A_33 = arith.constant 0 : i32
    %dma_wait3A_34 = tpu.memref_slice %arg3[%add3A, %dma_wait3A_32, %dma_wait3A_33] : memref<32x114x88xi32, #tpu.memory_space<hbm>> -> memref<1x114x88xi32, #tpu.memory_space<hbm>>
    %dma_wait3A_35 = tpu.memref_squeeze %dma_wait3A_34 : memref<1x114x88xi32, #tpu.memory_space<hbm>> -> memref<114x88xi32, #tpu.memory_space<hbm>>
    %dma_wait3A_36 = arith.constant 0 : i32
    %dma_wait3A_37 = tpu.memref_slice %dma_wait3A_35[%dma_wait3A, %dma_wait3A_36] : memref<114x88xi32, #tpu.memory_space<hbm>> -> memref<1x88xi32, #tpu.memory_space<hbm>>
    %dma_wait3A_38 = tpu.memref_squeeze %dma_wait3A_37 : memref<1x88xi32, #tpu.memory_space<hbm>> -> memref<88xi32, #tpu.memory_space<hbm>>
    %dma_wait3A_39 = arith.constant 0 : i32
    %dma_wait3A_40 = arith.constant 0 : i32
    %dma_wait3A_41 = tpu.memref_slice %arg3[%add3A, %dma_wait3A_39, %dma_wait3A_40] : memref<32x114x88xi32, #tpu.memory_space<hbm>> -> memref<1x114x88xi32, #tpu.memory_space<hbm>>
    %dma_wait3A_42 = tpu.memref_squeeze %dma_wait3A_41 : memref<1x114x88xi32, #tpu.memory_space<hbm>> -> memref<114x88xi32, #tpu.memory_space<hbm>>
    %dma_wait3A_43 = arith.constant 0 : i32
    %dma_wait3A_44 = tpu.memref_slice %dma_wait3A_42[%dma_wait3A, %dma_wait3A_43] : memref<114x88xi32, #tpu.memory_space<hbm>> -> memref<1x88xi32, #tpu.memory_space<hbm>>
    %dma_wait3A_45 = tpu.memref_squeeze %dma_wait3A_44 : memref<1x88xi32, #tpu.memory_space<hbm>> -> memref<88xi32, #tpu.memory_space<hbm>>
    tpu.wait_dma2 semaphore(%arg15 : memref<!tpu.dma_semaphore, #tpu.memory_space<semaphore_mem>>) src(%dma_wait3A_45 : memref<88xi32, #tpu.memory_space<hbm>>) dst(%arg7 : memref<88xi32, #tpu.memory_space<vmem>>)
    %dma_start3A_46 = arith.constant 0 : i32
    %dma_start3A_47 = arith.constant 0 : i32
    %dma_start3A_48 = tpu.memref_slice %arg2[%dma_start3A_46, %dma_start3A_47] : memref<20000x128xf32, #tpu.memory_space<hbm>> -> memref<20000x128xf32, #tpu.memory_space<hbm>>
    tpu.enqueue_indirect_dma source(%dma_start3A_48 : memref<20000x128xf32, #tpu.memory_space<hbm>>) target(%arg11 : memref<88x128xf32, #tpu.memory_space<vmem>>) offsets(%arg7 : memref<88xi32, #tpu.memory_space<vmem>>) semaphore(%arg18 : memref<!tpu.dma_semaphore, #tpu.memory_space<semaphore_mem>>)
    %dma_start3A_49 = arith.constant 2 : i32
    %dma_start3A_50 = arith.constant 0 : i32
    %dma_start3A_51 = arith.constant 0 : i32
    %dma_start3A_52 = tpu.memref_slice %arg3[%add3A, %dma_start3A_50, %dma_start3A_51] : memref<32x114x88xi32, #tpu.memory_space<hbm>> -> memref<1x114x88xi32, #tpu.memory_space<hbm>>
    %dma_start3A_53 = tpu.memref_squeeze %dma_start3A_52 : memref<1x114x88xi32, #tpu.memory_space<hbm>> -> memref<114x88xi32, #tpu.memory_space<hbm>>
    %dma_start3A_54 = arith.constant 0 : i32
    %dma_start3A_55 = tpu.memref_slice %dma_start3A_53[%dma_start3A_49, %dma_start3A_54] : memref<114x88xi32, #tpu.memory_space<hbm>> -> memref<1x88xi32, #tpu.memory_space<hbm>>
    %dma_start3A_56 = tpu.memref_squeeze %dma_start3A_55 : memref<1x88xi32, #tpu.memory_space<hbm>> -> memref<88xi32, #tpu.memory_space<hbm>>
    %dma_start3A_57 = arith.constant 0 : i32
    %dma_start3A_58 = arith.constant 0 : i32
    %dma_start3A_59 = tpu.memref_slice %arg3[%add3A, %dma_start3A_57, %dma_start3A_58] : memref<32x114x88xi32, #tpu.memory_space<hbm>> -> memref<1x114x88xi32, #tpu.memory_space<hbm>>
    %dma_start3A_60 = tpu.memref_squeeze %dma_start3A_59 : memref<1x114x88xi32, #tpu.memory_space<hbm>> -> memref<114x88xi32, #tpu.memory_space<hbm>>
    %dma_start3A_61 = arith.constant 0 : i32
    %dma_start3A_62 = tpu.memref_slice %dma_start3A_60[%dma_start3A_49, %dma_start3A_61] : memref<114x88xi32, #tpu.memory_space<hbm>> -> memref<1x88xi32, #tpu.memory_space<hbm>>
    %dma_start3A_63 = tpu.memref_squeeze %dma_start3A_62 : memref<1x88xi32, #tpu.memory_space<hbm>> -> memref<88xi32, #tpu.memory_space<hbm>>
    tpu.enqueue_dma source(%dma_start3A_63 : memref<88xi32, #tpu.memory_space<hbm>>) target(%arg9 : memref<88xi32, #tpu.memory_space<vmem>>) target_semaphore(%arg17 : memref<!tpu.dma_semaphore, #tpu.memory_space<semaphore_mem>>)
    %dma_wait3A_64 = arith.constant 1 : i32
    %dma_wait3A_65 = arith.constant 0 : i32
    %dma_wait3A_66 = arith.constant 0 : i32
    %dma_wait3A_67 = tpu.memref_slice %arg3[%add3A, %dma_wait3A_65, %dma_wait3A_66] : memref<32x114x88xi32, #tpu.memory_space<hbm>> -> memref<1x114x88xi32, #tpu.memory_space<hbm>>
    %dma_wait3A_68 = tpu.memref_squeeze %dma_wait3A_67 : memref<1x114x88xi32, #tpu.memory_space<hbm>> -> memref<114x88xi32, #tpu.memory_space<hbm>>
    %dma_wait3A_69 = arith.constant 0 : i32
    %dma_wait3A_70 = tpu.memref_slice %dma_wait3A_68[%dma_wait3A_64, %dma_wait3A_69] : memref<114x88xi32, #tpu.memory_space<hbm>> -> memref<1x88xi32, #tpu.memory_space<hbm>>
    %dma_wait3A_71 = tpu.memref_squeeze %dma_wait3A_70 : memref<1x88xi32, #tpu.memory_space<hbm>> -> memref<88xi32, #tpu.memory_space<hbm>>
    %dma_wait3A_72 = arith.constant 0 : i32
    %dma_wait3A_73 = arith.constant 0 : i32
    %dma_wait3A_74 = tpu.memref_slice %arg3[%add3A, %dma_wait3A_72, %dma_wait3A_73] : memref<32x114x88xi32, #tpu.memory_space<hbm>> -> memref<1x114x88xi32, #tpu.memory_space<hbm>>
    %dma_wait3A_75 = tpu.memref_squeeze %dma_wait3A_74 : memref<1x114x88xi32, #tpu.memory_space<hbm>> -> memref<114x88xi32, #tpu.memory_space<hbm>>
    %dma_wait3A_76 = arith.constant 0 : i32
    %dma_wait3A_77 = tpu.memref_slice %dma_wait3A_75[%dma_wait3A_64, %dma_wait3A_76] : memref<114x88xi32, #tpu.memory_space<hbm>> -> memref<1x88xi32, #tpu.memory_space<hbm>>
    %dma_wait3A_78 = tpu.memref_squeeze %dma_wait3A_77 : memref<1x88xi32, #tpu.memory_space<hbm>> -> memref<88xi32, #tpu.memory_space<hbm>>
    tpu.wait_dma2 semaphore(%arg16 : memref<!tpu.dma_semaphore, #tpu.memory_space<semaphore_mem>>) src(%dma_wait3A_78 : memref<88xi32, #tpu.memory_space<hbm>>) dst(%arg8 : memref<88xi32, #tpu.memory_space<vmem>>)
    %dma_start3A_79 = arith.constant 0 : i32
    %dma_start3A_80 = arith.constant 0 : i32
    %dma_start3A_81 = tpu.memref_slice %arg2[%dma_start3A_79, %dma_start3A_80] : memref<20000x128xf32, #tpu.memory_space<hbm>> -> memref<20000x128xf32, #tpu.memory_space<hbm>>
    tpu.enqueue_indirect_dma source(%dma_start3A_81 : memref<20000x128xf32, #tpu.memory_space<hbm>>) target(%arg12 : memref<88x128xf32, #tpu.memory_space<vmem>>) offsets(%arg8 : memref<88xi32, #tpu.memory_space<vmem>>) semaphore(%arg19 : memref<!tpu.dma_semaphore, #tpu.memory_space<semaphore_mem>>)
    %dma_wait3A_82 = arith.constant 0 : i32
    %dma_wait3A_83 = arith.constant 0 : i32
    %dma_wait3A_84 = tpu.memref_slice %arg2[%dma_wait3A_82, %dma_wait3A_83] : memref<20000x128xf32, #tpu.memory_space<hbm>> -> memref<20000x128xf32, #tpu.memory_space<hbm>>
    tpu.wait_indirect_dma semaphore(%arg18 : memref<!tpu.dma_semaphore, #tpu.memory_space<semaphore_mem>>) src(%dma_wait3A_84 : memref<20000x128xf32, #tpu.memory_space<hbm>>) dst(%arg11 : memref<88x128xf32, #tpu.memory_space<vmem>>)
    %dma_start3A_85 = arith.constant 0 : i32
    %dma_start3A_86 = arith.constant 0 : i32
    %dma_start3A_87 = tpu.memref_slice %arg10[%dma_start3A_85, %dma_start3A_86] : memref<114x88xi32, #tpu.memory_space<vmem>> -> memref<1x88xi32, #tpu.memory_space<vmem>>
    %dma_start3A_88 = tpu.memref_squeeze %dma_start3A_87 : memref<1x88xi32, #tpu.memory_space<vmem>> -> memref<88xi32, #tpu.memory_space<vmem>>
    %dma_start3A_89 = arith.constant 0 : i32
    %dma_start3A_90 = arith.constant 0 : i32
    %dma_start3A_91 = tpu.memref_slice %arg14[%dma_start3A_89, %dma_start3A_90] : memref<10008x128xf32, #tpu.memory_space<vmem_shared>> -> memref<10008x128xf32, #tpu.memory_space<vmem_shared>>
    tpu.enqueue_indirect_dma source(%arg11 : memref<88x128xf32, #tpu.memory_space<vmem>>) target(%dma_start3A_91 : memref<10008x128xf32, #tpu.memory_space<vmem_shared>>) offsets(%dma_start3A_88 : memref<88xi32, #tpu.memory_space<vmem>>) semaphore(%arg21 : memref<!tpu.dma_semaphore, #tpu.memory_space<semaphore_mem>>) {add = true}
    %dma_start3A_92 = arith.constant 3 : i32
    %dma_start3A_93 = arith.constant 0 : i32
    %dma_start3A_94 = arith.constant 0 : i32
    %dma_start3A_95 = tpu.memref_slice %arg3[%add3A, %dma_start3A_93, %dma_start3A_94] : memref<32x114x88xi32, #tpu.memory_space<hbm>> -> memref<1x114x88xi32, #tpu.memory_space<hbm>>
    %dma_start3A_96 = tpu.memref_squeeze %dma_start3A_95 : memref<1x114x88xi32, #tpu.memory_space<hbm>> -> memref<114x88xi32, #tpu.memory_space<hbm>>
    %dma_start3A_97 = arith.constant 0 : i32
    %dma_start3A_98 = tpu.memref_slice %dma_start3A_96[%dma_start3A_92, %dma_start3A_97] : memref<114x88xi32, #tpu.memory_space<hbm>> -> memref<1x88xi32, #tpu.memory_space<hbm>>
    %dma_start3A_99 = tpu.memref_squeeze %dma_start3A_98 : memref<1x88xi32, #tpu.memory_space<hbm>> -> memref<88xi32, #tpu.memory_space<hbm>>
    %dma_start3A_100 = arith.constant 0 : i32
    %dma_start3A_101 = arith.constant 0 : i32
    %dma_start3A_102 = tpu.memref_slice %arg3[%add3A, %dma_start3A_100, %dma_start3A_101] : memref<32x114x88xi32, #tpu.memory_space<hbm>> -> memref<1x114x88xi32, #tpu.memory_space<hbm>>
    %dma_start3A_103 = tpu.memref_squeeze %dma_start3A_102 : memref<1x114x88xi32, #tpu.memory_space<hbm>> -> memref<114x88xi32, #tpu.memory_space<hbm>>
    %dma_start3A_104 = arith.constant 0 : i32
    %dma_start3A_105 = tpu.memref_slice %dma_start3A_103[%dma_start3A_92, %dma_start3A_104] : memref<114x88xi32, #tpu.memory_space<hbm>> -> memref<1x88xi32, #tpu.memory_space<hbm>>
    %dma_start3A_106 = tpu.memref_squeeze %dma_start3A_105 : memref<1x88xi32, #tpu.memory_space<hbm>> -> memref<88xi32, #tpu.memory_space<hbm>>
    tpu.enqueue_dma source(%dma_start3A_106 : memref<88xi32, #tpu.memory_space<hbm>>) target(%arg7 : memref<88xi32, #tpu.memory_space<vmem>>) target_semaphore(%arg15 : memref<!tpu.dma_semaphore, #tpu.memory_space<semaphore_mem>>)
    %dma_wait3A_107 = arith.constant 2 : i32
    %dma_wait3A_108 = arith.constant 0 : i32
    %dma_wait3A_109 = arith.constant 0 : i32
    %dma_wait3A_110 = tpu.memref_slice %arg3[%add3A, %dma_wait3A_108, %dma_wait3A_109] : memref<32x114x88xi32, #tpu.memory_space<hbm>> -> memref<1x114x88xi32, #tpu.memory_space<hbm>>
    %dma_wait3A_111 = tpu.memref_squeeze %dma_wait3A_110 : memref<1x114x88xi32, #tpu.memory_space<hbm>> -> memref<114x88xi32, #tpu.memory_space<hbm>>
    %dma_wait3A_112 = arith.constant 0 : i32
    %dma_wait3A_113 = tpu.memref_slice %dma_wait3A_111[%dma_wait3A_107, %dma_wait3A_112] : memref<114x88xi32, #tpu.memory_space<hbm>> -> memref<1x88xi32, #tpu.memory_space<hbm>>
    %dma_wait3A_114 = tpu.memref_squeeze %dma_wait3A_113 : memref<1x88xi32, #tpu.memory_space<hbm>> -> memref<88xi32, #tpu.memory_space<hbm>>
    %dma_wait3A_115 = arith.constant 0 : i32
    %dma_wait3A_116 = arith.constant 0 : i32
    %dma_wait3A_117 = tpu.memref_slice %arg3[%add3A, %dma_wait3A_115, %dma_wait3A_116] : memref<32x114x88xi32, #tpu.memory_space<hbm>> -> memref<1x114x88xi32, #tpu.memory_space<hbm>>
    %dma_wait3A_118 = tpu.memref_squeeze %dma_wait3A_117 : memref<1x114x88xi32, #tpu.memory_space<hbm>> -> memref<114x88xi32, #tpu.memory_space<hbm>>
    %dma_wait3A_119 = arith.constant 0 : i32
    %dma_wait3A_120 = tpu.memref_slice %dma_wait3A_118[%dma_wait3A_107, %dma_wait3A_119] : memref<114x88xi32, #tpu.memory_space<hbm>> -> memref<1x88xi32, #tpu.memory_space<hbm>>
    %dma_wait3A_121 = tpu.memref_squeeze %dma_wait3A_120 : memref<1x88xi32, #tpu.memory_space<hbm>> -> memref<88xi32, #tpu.memory_space<hbm>>
    tpu.wait_dma2 semaphore(%arg17 : memref<!tpu.dma_semaphore, #tpu.memory_space<semaphore_mem>>) src(%dma_wait3A_121 : memref<88xi32, #tpu.memory_space<hbm>>) dst(%arg9 : memref<88xi32, #tpu.memory_space<vmem>>)
    %dma_start3A_122 = arith.constant 0 : i32
    %dma_start3A_123 = arith.constant 0 : i32
    %dma_start3A_124 = tpu.memref_slice %arg2[%dma_start3A_122, %dma_start3A_123] : memref<20000x128xf32, #tpu.memory_space<hbm>> -> memref<20000x128xf32, #tpu.memory_space<hbm>>
    tpu.enqueue_indirect_dma source(%dma_start3A_124 : memref<20000x128xf32, #tpu.memory_space<hbm>>) target(%arg13 : memref<88x128xf32, #tpu.memory_space<vmem>>) offsets(%arg9 : memref<88xi32, #tpu.memory_space<vmem>>) semaphore(%arg20 : memref<!tpu.dma_semaphore, #tpu.memory_space<semaphore_mem>>)
    %dma_wait3A_125 = arith.constant 0 : i32
    %dma_wait3A_126 = arith.constant 0 : i32
    %dma_wait3A_127 = tpu.memref_slice %arg2[%dma_wait3A_125, %dma_wait3A_126] : memref<20000x128xf32, #tpu.memory_space<hbm>> -> memref<20000x128xf32, #tpu.memory_space<hbm>>
    tpu.wait_indirect_dma semaphore(%arg19 : memref<!tpu.dma_semaphore, #tpu.memory_space<semaphore_mem>>) src(%dma_wait3A_127 : memref<20000x128xf32, #tpu.memory_space<hbm>>) dst(%arg12 : memref<88x128xf32, #tpu.memory_space<vmem>>)
    %dma_start3A_128 = arith.constant 1 : i32
    %dma_start3A_129 = arith.constant 0 : i32
    %dma_start3A_130 = tpu.memref_slice %arg10[%dma_start3A_128, %dma_start3A_129] : memref<114x88xi32, #tpu.memory_space<vmem>> -> memref<1x88xi32, #tpu.memory_space<vmem>>
    %dma_start3A_131 = tpu.memref_squeeze %dma_start3A_130 : memref<1x88xi32, #tpu.memory_space<vmem>> -> memref<88xi32, #tpu.memory_space<vmem>>
    %dma_start3A_132 = arith.constant 0 : i32
    %dma_start3A_133 = arith.constant 0 : i32
    %dma_start3A_134 = tpu.memref_slice %arg14[%dma_start3A_132, %dma_start3A_133] : memref<10008x128xf32, #tpu.memory_space<vmem_shared>> -> memref<10008x128xf32, #tpu.memory_space<vmem_shared>>
    tpu.enqueue_indirect_dma source(%arg12 : memref<88x128xf32, #tpu.memory_space<vmem>>) target(%dma_start3A_134 : memref<10008x128xf32, #tpu.memory_space<vmem_shared>>) offsets(%dma_start3A_131 : memref<88xi32, #tpu.memory_space<vmem>>) semaphore(%arg22 : memref<!tpu.dma_semaphore, #tpu.memory_space<semaphore_mem>>) {add = true}
    %dma_start3A_135 = arith.constant 4 : i32
    %dma_start3A_136 = arith.constant 0 : i32
    %dma_start3A_137 = arith.constant 0 : i32
    %dma_start3A_138 = tpu.memref_slice %arg3[%add3A, %dma_start3A_136, %dma_start3A_137] : memref<32x114x88xi32, #tpu.memory_space<hbm>> -> memref<1x114x88xi32, #tpu.memory_space<hbm>>
    %dma_start3A_139 = tpu.memref_squeeze %dma_start3A_138 : memref<1x114x88xi32, #tpu.memory_space<hbm>> -> memref<114x88xi32, #tpu.memory_space<hbm>>
    %dma_start3A_140 = arith.constant 0 : i32
    %dma_start3A_141 = tpu.memref_slice %dma_start3A_139[%dma_start3A_135, %dma_start3A_140] : memref<114x88xi32, #tpu.memory_space<hbm>> -> memref<1x88xi32, #tpu.memory_space<hbm>>
    %dma_start3A_142 = tpu.memref_squeeze %dma_start3A_141 : memref<1x88xi32, #tpu.memory_space<hbm>> -> memref<88xi32, #tpu.memory_space<hbm>>
    %dma_start3A_143 = arith.constant 0 : i32
    %dma_start3A_144 = arith.constant 0 : i32
    %dma_start3A_145 = tpu.memref_slice %arg3[%add3A, %dma_start3A_143, %dma_start3A_144] : memref<32x114x88xi32, #tpu.memory_space<hbm>> -> memref<1x114x88xi32, #tpu.memory_space<hbm>>
    %dma_start3A_146 = tpu.memref_squeeze %dma_start3A_145 : memref<1x114x88xi32, #tpu.memory_space<hbm>> -> memref<114x88xi32, #tpu.memory_space<hbm>>
    %dma_start3A_147 = arith.constant 0 : i32
    %dma_start3A_148 = tpu.memref_slice %dma_start3A_146[%dma_start3A_135, %dma_start3A_147] : memref<114x88xi32, #tpu.memory_space<hbm>> -> memref<1x88xi32, #tpu.memory_space<hbm>>
    %dma_start3A_149 = tpu.memref_squeeze %dma_start3A_148 : memref<1x88xi32, #tpu.memory_space<hbm>> -> memref<88xi32, #tpu.memory_space<hbm>>
    tpu.enqueue_dma source(%dma_start3A_149 : memref<88xi32, #tpu.memory_space<hbm>>) target(%arg8 : memref<88xi32, #tpu.memory_space<vmem>>) target_semaphore(%arg16 : memref<!tpu.dma_semaphore, #tpu.memory_space<semaphore_mem>>)
    %scan3A = arith.constant 0 : i32
    %scan3A_150 = arith.constant 1 : i32
    %scan3A_151 = arith.constant 37 : i32
    %scan3A_152 = arith.addi %scan3A_150, %scan3A_151 : i32
    %scan3A_153 = arith.constant 1 : i32
    scf.for %scan3A_192 = %scan3A_150 to %scan3A_152 step %scan3A_153  : i32 {
      %mul3A_193 = arith.constant 3 : i32
      %mul3A_194 = arith.muli %mul3A_193, %scan3A_192 : i32
      %add3A_195 = arith.constant 0 : i32
      %add3A_196 = arith.addi %mul3A_194, %add3A_195 : i32
      %dma_wait3A_197 = arith.constant 0 : i32
      %dma_wait3A_198 = arith.constant 0 : i32
      %dma_wait3A_199 = tpu.memref_slice %arg3[%add3A, %dma_wait3A_197, %dma_wait3A_198] : memref<32x114x88xi32, #tpu.memory_space<hbm>> -> memref<1x114x88xi32, #tpu.memory_space<hbm>>
      %dma_wait3A_200 = tpu.memref_squeeze %dma_wait3A_199 : memref<1x114x88xi32, #tpu.memory_space<hbm>> -> memref<114x88xi32, #tpu.memory_space<hbm>>
      %dma_wait3A_201 = arith.constant 0 : i32
      %dma_wait3A_202 = tpu.memref_slice %dma_wait3A_200[%add3A_196, %dma_wait3A_201] : memref<114x88xi32, #tpu.memory_space<hbm>> -> memref<1x88xi32, #tpu.memory_space<hbm>>
      %dma_wait3A_203 = tpu.memref_squeeze %dma_wait3A_202 : memref<1x88xi32, #tpu.memory_space<hbm>> -> memref<88xi32, #tpu.memory_space<hbm>>
      %dma_wait3A_204 = arith.constant 0 : i32
      %dma_wait3A_205 = arith.constant 0 : i32
      %dma_wait3A_206 = tpu.memref_slice %arg3[%add3A, %dma_wait3A_204, %dma_wait3A_205] : memref<32x114x88xi32, #tpu.memory_space<hbm>> -> memref<1x114x88xi32, #tpu.memory_space<hbm>>
      %dma_wait3A_207 = tpu.memref_squeeze %dma_wait3A_206 : memref<1x114x88xi32, #tpu.memory_space<hbm>> -> memref<114x88xi32, #tpu.memory_space<hbm>>
      %dma_wait3A_208 = arith.constant 0 : i32
      %dma_wait3A_209 = tpu.memref_slice %dma_wait3A_207[%add3A_196, %dma_wait3A_208] : memref<114x88xi32, #tpu.memory_space<hbm>> -> memref<1x88xi32, #tpu.memory_space<hbm>>
      %dma_wait3A_210 = tpu.memref_squeeze %dma_wait3A_209 : memref<1x88xi32, #tpu.memory_space<hbm>> -> memref<88xi32, #tpu.memory_space<hbm>>
      tpu.wait_dma2 semaphore(%arg15 : memref<!tpu.dma_semaphore, #tpu.memory_space<semaphore_mem>>) src(%dma_wait3A_210 : memref<88xi32, #tpu.memory_space<hbm>>) dst(%arg7 : memref<88xi32, #tpu.memory_space<vmem>>)
      %sub3A = arith.constant 3 : i32
      %sub3A_211 = arith.subi %add3A_196, %sub3A : i32
      %dma_wait3A_212 = arith.constant 0 : i32
      %dma_wait3A_213 = tpu.memref_slice %arg10[%sub3A_211, %dma_wait3A_212] : memref<114x88xi32, #tpu.memory_space<vmem>> -> memref<1x88xi32, #tpu.memory_space<vmem>>
      %dma_wait3A_214 = tpu.memref_squeeze %dma_wait3A_213 : memref<1x88xi32, #tpu.memory_space<vmem>> -> memref<88xi32, #tpu.memory_space<vmem>>
      %dma_wait3A_215 = arith.constant 0 : i32
      %dma_wait3A_216 = arith.constant 0 : i32
      %dma_wait3A_217 = tpu.memref_slice %arg14[%dma_wait3A_215, %dma_wait3A_216] : memref<10008x128xf32, #tpu.memory_space<vmem_shared>> -> memref<10008x128xf32, #tpu.memory_space<vmem_shared>>
      tpu.wait_indirect_dma semaphore(%arg21 : memref<!tpu.dma_semaphore, #tpu.memory_space<semaphore_mem>>) src(%arg11 : memref<88x128xf32, #tpu.memory_space<vmem>>) dst(%dma_wait3A_217 : memref<10008x128xf32, #tpu.memory_space<vmem_shared>>)
      %dma_start3A_218 = arith.constant 0 : i32
      %dma_start3A_219 = arith.constant 0 : i32
      %dma_start3A_220 = tpu.memref_slice %arg2[%dma_start3A_218, %dma_start3A_219] : memref<20000x128xf32, #tpu.memory_space<hbm>> -> memref<20000x128xf32, #tpu.memory_space<hbm>>
      tpu.enqueue_indirect_dma source(%dma_start3A_220 : memref<20000x128xf32, #tpu.memory_space<hbm>>) target(%arg11 : memref<88x128xf32, #tpu.memory_space<vmem>>) offsets(%arg7 : memref<88xi32, #tpu.memory_space<vmem>>) semaphore(%arg18 : memref<!tpu.dma_semaphore, #tpu.memory_space<semaphore_mem>>)
      %sub3A_221 = arith.constant 1 : i32
      %sub3A_222 = arith.subi %add3A_196, %sub3A_221 : i32
      %dma_wait3A_223 = arith.constant 0 : i32
      %dma_wait3A_224 = arith.constant 0 : i32
      %dma_wait3A_225 = tpu.memref_slice %arg2[%dma_wait3A_223, %dma_wait3A_224] : memref<20000x128xf32, #tpu.memory_space<hbm>> -> memref<20000x128xf32, #tpu.memory_space<hbm>>
      tpu.wait_indirect_dma semaphore(%arg20 : memref<!tpu.dma_semaphore, #tpu.memory_space<semaphore_mem>>) src(%dma_wait3A_225 : memref<20000x128xf32, #tpu.memory_space<hbm>>) dst(%arg13 : memref<88x128xf32, #tpu.memory_space<vmem>>)
      %sub3A_226 = arith.constant 1 : i32
      %sub3A_227 = arith.subi %add3A_196, %sub3A_226 : i32
      %dma_start3A_228 = arith.constant 0 : i32
      %dma_start3A_229 = tpu.memref_slice %arg10[%sub3A_227, %dma_start3A_228] : memref<114x88xi32, #tpu.memory_space<vmem>> -> memref<1x88xi32, #tpu.memory_space<vmem>>
      %dma_start3A_230 = tpu.memref_squeeze %dma_start3A_229 : memref<1x88xi32, #tpu.memory_space<vmem>> -> memref<88xi32, #tpu.memory_space<vmem>>
      %dma_start3A_231 = arith.constant 0 : i32
      %dma_start3A_232 = arith.constant 0 : i32
      %dma_start3A_233 = tpu.memref_slice %arg14[%dma_start3A_231, %dma_start3A_232] : memref<10008x128xf32, #tpu.memory_space<vmem_shared>> -> memref<10008x128xf32, #tpu.memory_space<vmem_shared>>
      tpu.enqueue_indirect_dma source(%arg13 : memref<88x128xf32, #tpu.memory_space<vmem>>) target(%dma_start3A_233 : memref<10008x128xf32, #tpu.memory_space<vmem_shared>>) offsets(%dma_start3A_230 : memref<88xi32, #tpu.memory_space<vmem>>) semaphore(%arg23 : memref<!tpu.dma_semaphore, #tpu.memory_space<semaphore_mem>>) {add = true}
      %add3A_234 = arith.constant 2 : i32
      %add3A_235 = arith.addi %add3A_196, %add3A_234 : i32
      %dma_start3A_236 = arith.constant 0 : i32
      %dma_start3A_237 = arith.constant 0 : i32
      %dma_start3A_238 = tpu.memref_slice %arg3[%add3A, %dma_start3A_236, %dma_start3A_237] : memref<32x114x88xi32, #tpu.memory_space<hbm>> -> memref<1x114x88xi32, #tpu.memory_space<hbm>>
      %dma_start3A_239 = tpu.memref_squeeze %dma_start3A_238 : memref<1x114x88xi32, #tpu.memory_space<hbm>> -> memref<114x88xi32, #tpu.memory_space<hbm>>
      %dma_start3A_240 = arith.constant 0 : i32
      %dma_start3A_241 = tpu.memref_slice %dma_start3A_239[%add3A_235, %dma_start3A_240] : memref<114x88xi32, #tpu.memory_space<hbm>> -> memref<1x88xi32, #tpu.memory_space<hbm>>
      %dma_start3A_242 = tpu.memref_squeeze %dma_start3A_241 : memref<1x88xi32, #tpu.memory_space<hbm>> -> memref<88xi32, #tpu.memory_space<hbm>>
      %dma_start3A_243 = arith.constant 0 : i32
      %dma_start3A_244 = arith.constant 0 : i32
      %dma_start3A_245 = tpu.memref_slice %arg3[%add3A, %dma_start3A_243, %dma_start3A_244] : memref<32x114x88xi32, #tpu.memory_space<hbm>> -> memref<1x114x88xi32, #tpu.memory_space<hbm>>
      %dma_start3A_246 = tpu.memref_squeeze %dma_start3A_245 : memref<1x114x88xi32, #tpu.memory_space<hbm>> -> memref<114x88xi32, #tpu.memory_space<hbm>>
      %dma_start3A_247 = arith.constant 0 : i32
      %dma_start3A_248 = tpu.memref_slice %dma_start3A_246[%add3A_235, %dma_start3A_247] : memref<114x88xi32, #tpu.memory_space<hbm>> -> memref<1x88xi32, #tpu.memory_space<hbm>>
      %dma_start3A_249 = tpu.memref_squeeze %dma_start3A_248 : memref<1x88xi32, #tpu.memory_space<hbm>> -> memref<88xi32, #tpu.memory_space<hbm>>
      tpu.enqueue_dma source(%dma_start3A_249 : memref<88xi32, #tpu.memory_space<hbm>>) target(%arg9 : memref<88xi32, #tpu.memory_space<vmem>>) target_semaphore(%arg17 : memref<!tpu.dma_semaphore, #tpu.memory_space<semaphore_mem>>)
      %mul3A_250 = arith.constant 3 : i32
      %mul3A_251 = arith.muli %mul3A_250, %scan3A_192 : i32
      %add3A_252 = arith.constant 1 : i32
      %add3A_253 = arith.addi %mul3A_251, %add3A_252 : i32
      %dma_wait3A_254 = arith.constant 0 : i32
      %dma_wait3A_255 = arith.constant 0 : i32
      %dma_wait3A_256 = tpu.memref_slice %arg3[%add3A, %dma_wait3A_254, %dma_wait3A_255] : memref<32x114x88xi32, #tpu.memory_space<hbm>> -> memref<1x114x88xi32, #tpu.memory_space<hbm>>
      %dma_wait3A_257 = tpu.memref_squeeze %dma_wait3A_256 : memref<1x114x88xi32, #tpu.memory_space<hbm>> -> memref<114x88xi32, #tpu.memory_space<hbm>>
      %dma_wait3A_258 = arith.constant 0 : i32
      %dma_wait3A_259 = tpu.memref_slice %dma_wait3A_257[%add3A_253, %dma_wait3A_258] : memref<114x88xi32, #tpu.memory_space<hbm>> -> memref<1x88xi32, #tpu.memory_space<hbm>>
      %dma_wait3A_260 = tpu.memref_squeeze %dma_wait3A_259 : memref<1x88xi32, #tpu.memory_space<hbm>> -> memref<88xi32, #tpu.memory_space<hbm>>
      %dma_wait3A_261 = arith.constant 0 : i32
      %dma_wait3A_262 = arith.constant 0 : i32
      %dma_wait3A_263 = tpu.memref_slice %arg3[%add3A, %dma_wait3A_261, %dma_wait3A_262] : memref<32x114x88xi32, #tpu.memory_space<hbm>> -> memref<1x114x88xi32, #tpu.memory_space<hbm>>
      %dma_wait3A_264 = tpu.memref_squeeze %dma_wait3A_263 : memref<1x114x88xi32, #tpu.memory_space<hbm>> -> memref<114x88xi32, #tpu.memory_space<hbm>>
      %dma_wait3A_265 = arith.constant 0 : i32
      %dma_wait3A_266 = tpu.memref_slice %dma_wait3A_264[%add3A_253, %dma_wait3A_265] : memref<114x88xi32, #tpu.memory_space<hbm>> -> memref<1x88xi32, #tpu.memory_space<hbm>>
      %dma_wait3A_267 = tpu.memref_squeeze %dma_wait3A_266 : memref<1x88xi32, #tpu.memory_space<hbm>> -> memref<88xi32, #tpu.memory_space<hbm>>
      tpu.wait_dma2 semaphore(%arg16 : memref<!tpu.dma_semaphore, #tpu.memory_space<semaphore_mem>>) src(%dma_wait3A_267 : memref<88xi32, #tpu.memory_space<hbm>>) dst(%arg8 : memref<88xi32, #tpu.memory_space<vmem>>)
      %sub3A_268 = arith.constant 3 : i32
      %sub3A_269 = arith.subi %add3A_253, %sub3A_268 : i32
      %dma_wait3A_270 = arith.constant 0 : i32
      %dma_wait3A_271 = tpu.memref_slice %arg10[%sub3A_269, %dma_wait3A_270] : memref<114x88xi32, #tpu.memory_space<vmem>> -> memref<1x88xi32, #tpu.memory_space<vmem>>
      %dma_wait3A_272 = tpu.memref_squeeze %dma_wait3A_271 : memref<1x88xi32, #tpu.memory_space<vmem>> -> memref<88xi32, #tpu.memory_space<vmem>>
      %dma_wait3A_273 = arith.constant 0 : i32
      %dma_wait3A_274 = arith.constant 0 : i32
      %dma_wait3A_275 = tpu.memref_slice %arg14[%dma_wait3A_273, %dma_wait3A_274] : memref<10008x128xf32, #tpu.memory_space<vmem_shared>> -> memref<10008x128xf32, #tpu.memory_space<vmem_shared>>
      tpu.wait_indirect_dma semaphore(%arg22 : memref<!tpu.dma_semaphore, #tpu.memory_space<semaphore_mem>>) src(%arg12 : memref<88x128xf32, #tpu.memory_space<vmem>>) dst(%dma_wait3A_275 : memref<10008x128xf32, #tpu.memory_space<vmem_shared>>)
      %dma_start3A_276 = arith.constant 0 : i32
      %dma_start3A_277 = arith.constant 0 : i32
      %dma_start3A_278 = tpu.memref_slice %arg2[%dma_start3A_276, %dma_start3A_277] : memref<20000x128xf32, #tpu.memory_space<hbm>> -> memref<20000x128xf32, #tpu.memory_space<hbm>>
      tpu.enqueue_indirect_dma source(%dma_start3A_278 : memref<20000x128xf32, #tpu.memory_space<hbm>>) target(%arg12 : memref<88x128xf32, #tpu.memory_space<vmem>>) offsets(%arg8 : memref<88xi32, #tpu.memory_space<vmem>>) semaphore(%arg19 : memref<!tpu.dma_semaphore, #tpu.memory_space<semaphore_mem>>)
      %sub3A_279 = arith.constant 1 : i32
      %sub3A_280 = arith.subi %add3A_253, %sub3A_279 : i32
      %dma_wait3A_281 = arith.constant 0 : i32
      %dma_wait3A_282 = arith.constant 0 : i32
      %dma_wait3A_283 = tpu.memref_slice %arg2[%dma_wait3A_281, %dma_wait3A_282] : memref<20000x128xf32, #tpu.memory_space<hbm>> -> memref<20000x128xf32, #tpu.memory_space<hbm>>
      tpu.wait_indirect_dma semaphore(%arg18 : memref<!tpu.dma_semaphore, #tpu.memory_space<semaphore_mem>>) src(%dma_wait3A_283 : memref<20000x128xf32, #tpu.memory_space<hbm>>) dst(%arg11 : memref<88x128xf32, #tpu.memory_space<vmem>>)
      %sub3A_284 = arith.constant 1 : i32
      %sub3A_285 = arith.subi %add3A_253, %sub3A_284 : i32
      %dma_start3A_286 = arith.constant 0 : i32
      %dma_start3A_287 = tpu.memref_slice %arg10[%sub3A_285, %dma_start3A_286] : memref<114x88xi32, #tpu.memory_space<vmem>> -> memref<1x88xi32, #tpu.memory_space<vmem>>
      %dma_start3A_288 = tpu.memref_squeeze %dma_start3A_287 : memref<1x88xi32, #tpu.memory_space<vmem>> -> memref<88xi32, #tpu.memory_space<vmem>>
      %dma_start3A_289 = arith.constant 0 : i32
      %dma_start3A_290 = arith.constant 0 : i32
      %dma_start3A_291 = tpu.memref_slice %arg14[%dma_start3A_289, %dma_start3A_290] : memref<10008x128xf32, #tpu.memory_space<vmem_shared>> -> memref<10008x128xf32, #tpu.memory_space<vmem_shared>>
      tpu.enqueue_indirect_dma source(%arg11 : memref<88x128xf32, #tpu.memory_space<vmem>>) target(%dma_start3A_291 : memref<10008x128xf32, #tpu.memory_space<vmem_shared>>) offsets(%dma_start3A_288 : memref<88xi32, #tpu.memory_space<vmem>>) semaphore(%arg21 : memref<!tpu.dma_semaphore, #tpu.memory_space<semaphore_mem>>) {add = true}
      %lt3A_292 = arith.constant 37 : i32
      %lt3A_293 = arith.cmpi slt, %scan3A_192, %lt3A_292 : i32
      %convert_element_type3A_294 = arith.extui %lt3A_293 : i1 to i32
      %cond3A_295 = arith.constant 0 : i32
      %cond3A_296 = arith.cmpi ne, %convert_element_type3A_294, %cond3A_295 : i32
      scf.if %cond3A_296 {
        %add3A_344 = arith.constant 2 : i32
        %add3A_345 = arith.addi %add3A_253, %add3A_344 : i32
        %dma_start3A_346 = arith.constant 0 : i32
        %dma_start3A_347 = arith.constant 0 : i32
        %dma_start3A_348 = tpu.memref_slice %arg3[%add3A, %dma_start3A_346, %dma_start3A_347] : memref<32x114x88xi32, #tpu.memory_space<hbm>> -> memref<1x114x88xi32, #tpu.memory_space<hbm>>
        %dma_start3A_349 = tpu.memref_squeeze %dma_start3A_348 : memref<1x114x88xi32, #tpu.memory_space<hbm>> -> memref<114x88xi32, #tpu.memory_space<hbm>>
        %dma_start3A_350 = arith.constant 0 : i32
        %dma_start3A_351 = tpu.memref_slice %dma_start3A_349[%add3A_345, %dma_start3A_350] : memref<114x88xi32, #tpu.memory_space<hbm>> -> memref<1x88xi32, #tpu.memory_space<hbm>>
        %dma_start3A_352 = tpu.memref_squeeze %dma_start3A_351 : memref<1x88xi32, #tpu.memory_space<hbm>> -> memref<88xi32, #tpu.memory_space<hbm>>
        %dma_start3A_353 = arith.constant 0 : i32
        %dma_start3A_354 = arith.constant 0 : i32
        %dma_start3A_355 = tpu.memref_slice %arg3[%add3A, %dma_start3A_353, %dma_start3A_354] : memref<32x114x88xi32, #tpu.memory_space<hbm>> -> memref<1x114x88xi32, #tpu.memory_space<hbm>>
        %dma_start3A_356 = tpu.memref_squeeze %dma_start3A_355 : memref<1x114x88xi32, #tpu.memory_space<hbm>> -> memref<114x88xi32, #tpu.memory_space<hbm>>
        %dma_start3A_357 = arith.constant 0 : i32
        %dma_start3A_358 = tpu.memref_slice %dma_start3A_356[%add3A_345, %dma_start3A_357] : memref<114x88xi32, #tpu.memory_space<hbm>> -> memref<1x88xi32, #tpu.memory_space<hbm>>
        %dma_start3A_359 = tpu.memref_squeeze %dma_start3A_358 : memref<1x88xi32, #tpu.memory_space<hbm>> -> memref<88xi32, #tpu.memory_space<hbm>>
        tpu.enqueue_dma source(%dma_start3A_359 : memref<88xi32, #tpu.memory_space<hbm>>) target(%arg7 : memref<88xi32, #tpu.memory_space<vmem>>) target_semaphore(%arg15 : memref<!tpu.dma_semaphore, #tpu.memory_space<semaphore_mem>>)
      } else {
      }
      %mul3A_297 = arith.constant 3 : i32
      %mul3A_298 = arith.muli %mul3A_297, %scan3A_192 : i32
      %add3A_299 = arith.constant 2 : i32
      %add3A_300 = arith.addi %mul3A_298, %add3A_299 : i32
      %dma_wait3A_301 = arith.constant 0 : i32
      %dma_wait3A_302 = arith.constant 0 : i32
      %dma_wait3A_303 = tpu.memref_slice %arg3[%add3A, %dma_wait3A_301, %dma_wait3A_302] : memref<32x114x88xi32, #tpu.memory_space<hbm>> -> memref<1x114x88xi32, #tpu.memory_space<hbm>>
      %dma_wait3A_304 = tpu.memref_squeeze %dma_wait3A_303 : memref<1x114x88xi32, #tpu.memory_space<hbm>> -> memref<114x88xi32, #tpu.memory_space<hbm>>
      %dma_wait3A_305 = arith.constant 0 : i32
      %dma_wait3A_306 = tpu.memref_slice %dma_wait3A_304[%add3A_300, %dma_wait3A_305] : memref<114x88xi32, #tpu.memory_space<hbm>> -> memref<1x88xi32, #tpu.memory_space<hbm>>
      %dma_wait3A_307 = tpu.memref_squeeze %dma_wait3A_306 : memref<1x88xi32, #tpu.memory_space<hbm>> -> memref<88xi32, #tpu.memory_space<hbm>>
      %dma_wait3A_308 = arith.constant 0 : i32
      %dma_wait3A_309 = arith.constant 0 : i32
      %dma_wait3A_310 = tpu.memref_slice %arg3[%add3A, %dma_wait3A_308, %dma_wait3A_309] : memref<32x114x88xi32, #tpu.memory_space<hbm>> -> memref<1x114x88xi32, #tpu.memory_space<hbm>>
      %dma_wait3A_311 = tpu.memref_squeeze %dma_wait3A_310 : memref<1x114x88xi32, #tpu.memory_space<hbm>> -> memref<114x88xi32, #tpu.memory_space<hbm>>
      %dma_wait3A_312 = arith.constant 0 : i32
      %dma_wait3A_313 = tpu.memref_slice %dma_wait3A_311[%add3A_300, %dma_wait3A_312] : memref<114x88xi32, #tpu.memory_space<hbm>> -> memref<1x88xi32, #tpu.memory_space<hbm>>
      %dma_wait3A_314 = tpu.memref_squeeze %dma_wait3A_313 : memref<1x88xi32, #tpu.memory_space<hbm>> -> memref<88xi32, #tpu.memory_space<hbm>>
      tpu.wait_dma2 semaphore(%arg17 : memref<!tpu.dma_semaphore, #tpu.memory_space<semaphore_mem>>) src(%dma_wait3A_314 : memref<88xi32, #tpu.memory_space<hbm>>) dst(%arg9 : memref<88xi32, #tpu.memory_space<vmem>>)
      %sub3A_315 = arith.constant 3 : i32
      %sub3A_316 = arith.subi %add3A_300, %sub3A_315 : i32
      %dma_wait3A_317 = arith.constant 0 : i32
      %dma_wait3A_318 = tpu.memref_slice %arg10[%sub3A_316, %dma_wait3A_317] : memref<114x88xi32, #tpu.memory_space<vmem>> -> memref<1x88xi32, #tpu.memory_space<vmem>>
      %dma_wait3A_319 = tpu.memref_squeeze %dma_wait3A_318 : memref<1x88xi32, #tpu.memory_space<vmem>> -> memref<88xi32, #tpu.memory_space<vmem>>
      %dma_wait3A_320 = arith.constant 0 : i32
      %dma_wait3A_321 = arith.constant 0 : i32
      %dma_wait3A_322 = tpu.memref_slice %arg14[%dma_wait3A_320, %dma_wait3A_321] : memref<10008x128xf32, #tpu.memory_space<vmem_shared>> -> memref<10008x128xf32, #tpu.memory_space<vmem_shared>>
      tpu.wait_indirect_dma semaphore(%arg23 : memref<!tpu.dma_semaphore, #tpu.memory_space<semaphore_mem>>) src(%arg13 : memref<88x128xf32, #tpu.memory_space<vmem>>) dst(%dma_wait3A_322 : memref<10008x128xf32, #tpu.memory_space<vmem_shared>>)
      %dma_start3A_323 = arith.constant 0 : i32
      %dma_start3A_324 = arith.constant 0 : i32
      %dma_start3A_325 = tpu.memref_slice %arg2[%dma_start3A_323, %dma_start3A_324] : memref<20000x128xf32, #tpu.memory_space<hbm>> -> memref<20000x128xf32, #tpu.memory_space<hbm>>
      tpu.enqueue_indirect_dma source(%dma_start3A_325 : memref<20000x128xf32, #tpu.memory_space<hbm>>) target(%arg13 : memref<88x128xf32, #tpu.memory_space<vmem>>) offsets(%arg9 : memref<88xi32, #tpu.memory_space<vmem>>) semaphore(%arg20 : memref<!tpu.dma_semaphore, #tpu.memory_space<semaphore_mem>>)
      %sub3A_326 = arith.constant 1 : i32
      %sub3A_327 = arith.subi %add3A_300, %sub3A_326 : i32
      %dma_wait3A_328 = arith.constant 0 : i32
      %dma_wait3A_329 = arith.constant 0 : i32
      %dma_wait3A_330 = tpu.memref_slice %arg2[%dma_wait3A_328, %dma_wait3A_329] : memref<20000x128xf32, #tpu.memory_space<hbm>> -> memref<20000x128xf32, #tpu.memory_space<hbm>>
      tpu.wait_indirect_dma semaphore(%arg19 : memref<!tpu.dma_semaphore, #tpu.memory_space<semaphore_mem>>) src(%dma_wait3A_330 : memref<20000x128xf32, #tpu.memory_space<hbm>>) dst(%arg12 : memref<88x128xf32, #tpu.memory_space<vmem>>)
      %sub3A_331 = arith.constant 1 : i32
      %sub3A_332 = arith.subi %add3A_300, %sub3A_331 : i32
      %dma_start3A_333 = arith.constant 0 : i32
      %dma_start3A_334 = tpu.memref_slice %arg10[%sub3A_332, %dma_start3A_333] : memref<114x88xi32, #tpu.memory_space<vmem>> -> memref<1x88xi32, #tpu.memory_space<vmem>>
      %dma_start3A_335 = tpu.memref_squeeze %dma_start3A_334 : memref<1x88xi32, #tpu.memory_space<vmem>> -> memref<88xi32, #tpu.memory_space<vmem>>
      %dma_start3A_336 = arith.constant 0 : i32
      %dma_start3A_337 = arith.constant 0 : i32
      %dma_start3A_338 = tpu.memref_slice %arg14[%dma_start3A_336, %dma_start3A_337] : memref<10008x128xf32, #tpu.memory_space<vmem_shared>> -> memref<10008x128xf32, #tpu.memory_space<vmem_shared>>
      tpu.enqueue_indirect_dma source(%arg12 : memref<88x128xf32, #tpu.memory_space<vmem>>) target(%dma_start3A_338 : memref<10008x128xf32, #tpu.memory_space<vmem_shared>>) offsets(%dma_start3A_335 : memref<88xi32, #tpu.memory_space<vmem>>) semaphore(%arg22 : memref<!tpu.dma_semaphore, #tpu.memory_space<semaphore_mem>>) {add = true}
      %lt3A_339 = arith.constant 37 : i32
      %lt3A_340 = arith.cmpi slt, %scan3A_192, %lt3A_339 : i32
      %convert_element_type3A_341 = arith.extui %lt3A_340 : i1 to i32
      %cond3A_342 = arith.constant 0 : i32
      %cond3A_343 = arith.cmpi ne, %convert_element_type3A_341, %cond3A_342 : i32
      scf.if %cond3A_343 {
        %add3A_344 = arith.constant 2 : i32
        %add3A_345 = arith.addi %add3A_300, %add3A_344 : i32
        %dma_start3A_346 = arith.constant 0 : i32
        %dma_start3A_347 = arith.constant 0 : i32
        %dma_start3A_348 = tpu.memref_slice %arg3[%add3A, %dma_start3A_346, %dma_start3A_347] : memref<32x114x88xi32, #tpu.memory_space<hbm>> -> memref<1x114x88xi32, #tpu.memory_space<hbm>>
        %dma_start3A_349 = tpu.memref_squeeze %dma_start3A_348 : memref<1x114x88xi32, #tpu.memory_space<hbm>> -> memref<114x88xi32, #tpu.memory_space<hbm>>
        %dma_start3A_350 = arith.constant 0 : i32
        %dma_start3A_351 = tpu.memref_slice %dma_start3A_349[%add3A_345, %dma_start3A_350] : memref<114x88xi32, #tpu.memory_space<hbm>> -> memref<1x88xi32, #tpu.memory_space<hbm>>
        %dma_start3A_352 = tpu.memref_squeeze %dma_start3A_351 : memref<1x88xi32, #tpu.memory_space<hbm>> -> memref<88xi32, #tpu.memory_space<hbm>>
        %dma_start3A_353 = arith.constant 0 : i32
        %dma_start3A_354 = arith.constant 0 : i32
        %dma_start3A_355 = tpu.memref_slice %arg3[%add3A, %dma_start3A_353, %dma_start3A_354] : memref<32x114x88xi32, #tpu.memory_space<hbm>> -> memref<1x114x88xi32, #tpu.memory_space<hbm>>
        %dma_start3A_356 = tpu.memref_squeeze %dma_start3A_355 : memref<1x114x88xi32, #tpu.memory_space<hbm>> -> memref<114x88xi32, #tpu.memory_space<hbm>>
        %dma_start3A_357 = arith.constant 0 : i32
        %dma_start3A_358 = tpu.memref_slice %dma_start3A_356[%add3A_345, %dma_start3A_357] : memref<114x88xi32, #tpu.memory_space<hbm>> -> memref<1x88xi32, #tpu.memory_space<hbm>>
        %dma_start3A_359 = tpu.memref_squeeze %dma_start3A_358 : memref<1x88xi32, #tpu.memory_space<hbm>> -> memref<88xi32, #tpu.memory_space<hbm>>
        tpu.enqueue_dma source(%dma_start3A_359 : memref<88xi32, #tpu.memory_space<hbm>>) target(%arg8 : memref<88xi32, #tpu.memory_space<vmem>>) target_semaphore(%arg16 : memref<!tpu.dma_semaphore, #tpu.memory_space<semaphore_mem>>)
      } else {
      }
    }
    %scan3A_154 = arith.constant 37 : i32
    %dma_wait3A_155 = arith.constant 0 : i32
    %dma_wait3A_156 = arith.constant 0 : i32
    %dma_wait3A_157 = tpu.memref_slice %arg2[%dma_wait3A_155, %dma_wait3A_156] : memref<20000x128xf32, #tpu.memory_space<hbm>> -> memref<20000x128xf32, #tpu.memory_space<hbm>>
    tpu.wait_indirect_dma semaphore(%arg20 : memref<!tpu.dma_semaphore, #tpu.memory_space<semaphore_mem>>) src(%dma_wait3A_157 : memref<20000x128xf32, #tpu.memory_space<hbm>>) dst(%arg13 : memref<88x128xf32, #tpu.memory_space<vmem>>)
    %dma_start3A_158 = arith.constant 113 : i32
    %dma_start3A_159 = arith.constant 0 : i32
    %dma_start3A_160 = tpu.memref_slice %arg10[%dma_start3A_158, %dma_start3A_159] : memref<114x88xi32, #tpu.memory_space<vmem>> -> memref<1x88xi32, #tpu.memory_space<vmem>>
    %dma_start3A_161 = tpu.memref_squeeze %dma_start3A_160 : memref<1x88xi32, #tpu.memory_space<vmem>> -> memref<88xi32, #tpu.memory_space<vmem>>
    %dma_start3A_162 = arith.constant 0 : i32
    %dma_start3A_163 = arith.constant 0 : i32
    %dma_start3A_164 = tpu.memref_slice %arg14[%dma_start3A_162, %dma_start3A_163] : memref<10008x128xf32, #tpu.memory_space<vmem_shared>> -> memref<10008x128xf32, #tpu.memory_space<vmem_shared>>
    tpu.enqueue_indirect_dma source(%arg13 : memref<88x128xf32, #tpu.memory_space<vmem>>) target(%dma_start3A_164 : memref<10008x128xf32, #tpu.memory_space<vmem_shared>>) offsets(%dma_start3A_161 : memref<88xi32, #tpu.memory_space<vmem>>) semaphore(%arg23 : memref<!tpu.dma_semaphore, #tpu.memory_space<semaphore_mem>>) {add = true}
    %dma_wait3A_165 = arith.constant 111 : i32
    %dma_wait3A_166 = arith.constant 0 : i32
    %dma_wait3A_167 = tpu.memref_slice %arg10[%dma_wait3A_165, %dma_wait3A_166] : memref<114x88xi32, #tpu.memory_space<vmem>> -> memref<1x88xi32, #tpu.memory_space<vmem>>
    %dma_wait3A_168 = tpu.memref_squeeze %dma_wait3A_167 : memref<1x88xi32, #tpu.memory_space<vmem>> -> memref<88xi32, #tpu.memory_space<vmem>>
    %dma_wait3A_169 = arith.constant 0 : i32
    %dma_wait3A_170 = arith.constant 0 : i32
    %dma_wait3A_171 = tpu.memref_slice %arg14[%dma_wait3A_169, %dma_wait3A_170] : memref<10008x128xf32, #tpu.memory_space<vmem_shared>> -> memref<10008x128xf32, #tpu.memory_space<vmem_shared>>
    tpu.wait_indirect_dma semaphore(%arg21 : memref<!tpu.dma_semaphore, #tpu.memory_space<semaphore_mem>>) src(%arg11 : memref<88x128xf32, #tpu.memory_space<vmem>>) dst(%dma_wait3A_171 : memref<10008x128xf32, #tpu.memory_space<vmem_shared>>)
    %dma_wait3A_172 = arith.constant 112 : i32
    %dma_wait3A_173 = arith.constant 0 : i32
    %dma_wait3A_174 = tpu.memref_slice %arg10[%dma_wait3A_172, %dma_wait3A_173] : memref<114x88xi32, #tpu.memory_space<vmem>> -> memref<1x88xi32, #tpu.memory_space<vmem>>
    %dma_wait3A_175 = tpu.memref_squeeze %dma_wait3A_174 : memref<1x88xi32, #tpu.memory_space<vmem>> -> memref<88xi32, #tpu.memory_space<vmem>>
    %dma_wait3A_176 = arith.constant 0 : i32
    %dma_wait3A_177 = arith.constant 0 : i32
    %dma_wait3A_178 = tpu.memref_slice %arg14[%dma_wait3A_176, %dma_wait3A_177] : memref<10008x128xf32, #tpu.memory_space<vmem_shared>> -> memref<10008x128xf32, #tpu.memory_space<vmem_shared>>
    tpu.wait_indirect_dma semaphore(%arg22 : memref<!tpu.dma_semaphore, #tpu.memory_space<semaphore_mem>>) src(%arg12 : memref<88x128xf32, #tpu.memory_space<vmem>>) dst(%dma_wait3A_178 : memref<10008x128xf32, #tpu.memory_space<vmem_shared>>)
    %dma_wait3A_179 = arith.constant 113 : i32
    %dma_wait3A_180 = arith.constant 0 : i32
    %dma_wait3A_181 = tpu.memref_slice %arg10[%dma_wait3A_179, %dma_wait3A_180] : memref<114x88xi32, #tpu.memory_space<vmem>> -> memref<1x88xi32, #tpu.memory_space<vmem>>
    %dma_wait3A_182 = tpu.memref_squeeze %dma_wait3A_181 : memref<1x88xi32, #tpu.memory_space<vmem>> -> memref<88xi32, #tpu.memory_space<vmem>>
    %dma_wait3A_183 = arith.constant 0 : i32
    %dma_wait3A_184 = arith.constant 0 : i32
    %dma_wait3A_185 = tpu.memref_slice %arg14[%dma_wait3A_183, %dma_wait3A_184] : memref<10008x128xf32, #tpu.memory_space<vmem_shared>> -> memref<10008x128xf32, #tpu.memory_space<vmem_shared>>
    tpu.wait_indirect_dma semaphore(%arg23 : memref<!tpu.dma_semaphore, #tpu.memory_space<semaphore_mem>>) src(%arg13 : memref<88x128xf32, #tpu.memory_space<vmem>>) dst(%dma_wait3A_185 : memref<10008x128xf32, #tpu.memory_space<vmem_shared>>)
    %barrier3A_186 = arith.constant 0 : index
    tpu.barrier barrier_id(%barrier3A_186)
    %lt3A_187 = arith.constant 10 : i32
    %lt3A_188 = arith.cmpi slt, %arg1, %lt3A_187 : i32
    %convert_element_type3A_189 = arith.extui %lt3A_188 : i1 to i32
    %cond3A_190 = arith.constant 0 : i32
    %cond3A_191 = arith.cmpi ne, %convert_element_type3A_189, %cond3A_190 : i32
    scf.if %cond3A_191 {
      %mul3A_192 = arith.constant 1000 : i32
      %mul3A_193 = arith.muli %arg1, %mul3A_192 : i32
      %mul3A_194 = arith.constant 10000 : i32
      %mul3A_195 = arith.muli %arg0, %mul3A_194 : i32
      %mul3A_196 = arith.constant 1000 : i32
      %mul3A_197 = arith.muli %arg1, %mul3A_196 : i32
      %add3A_198 = arith.addi %mul3A_195, %mul3A_197 : i32
      "tpu.region"() ({
        %run_scoped3A = tpu.sem_alloc : memref<!tpu.dma_semaphore, #tpu.memory_space<semaphore_mem>>
        %dma_start3A_199 = arith.constant 0 : i32
        %dma_start3A_200 = tpu.memref_slice %arg6[%add3A_198, %dma_start3A_199] : memref<20000x128xf32, #tpu.memory_space<hbm>> -> memref<1000x128xf32, #tpu.memory_space<hbm>>
        %dma_start3A_201 = arith.constant 0 : i32
        %dma_start3A_202 = tpu.memref_slice %arg14[%mul3A_193, %dma_start3A_201] : memref<10008x128xf32, #tpu.memory_space<vmem_shared>> -> memref<1000x128xf32, #tpu.memory_space<vmem_shared>>
        tpu.enqueue_dma source(%dma_start3A_202 : memref<1000x128xf32, #tpu.memory_space<vmem_shared>>) target(%dma_start3A_200 : memref<1000x128xf32, #tpu.memory_space<hbm>>) target_semaphore(%run_scoped3A : memref<!tpu.dma_semaphore, #tpu.memory_space<semaphore_mem>>)
        %dma_wait3A_203 = arith.constant 0 : i32
        %dma_wait3A_204 = tpu.memref_slice %arg6[%add3A_198, %dma_wait3A_203] : memref<20000x128xf32, #tpu.memory_space<hbm>> -> memref<1000x128xf32, #tpu.memory_space<hbm>>
        %dma_wait3A_205 = arith.constant 0 : i32
        %dma_wait3A_206 = tpu.memref_slice %arg14[%mul3A_193, %dma_wait3A_205] : memref<10008x128xf32, #tpu.memory_space<vmem_shared>> -> memref<1000x128xf32, #tpu.memory_space<vmem_shared>>
        tpu.wait_dma2 semaphore(%run_scoped3A : memref<!tpu.dma_semaphore, #tpu.memory_space<semaphore_mem>>) src(%dma_wait3A_206 : memref<1000x128xf32, #tpu.memory_space<vmem_shared>>) dst(%dma_wait3A_204 : memref<1000x128xf32, #tpu.memory_space<hbm>>)
        tpu.yield
      }) : () -> ()
    } else {
    }
    return
  }
}

#map = affine_map<(d0, d1) -> (0, 0)>
#map1 = affine_map<(d0, d1) -> (0, 0, 0)>
module attributes {stable_mosaic.version = 14 : i64} {
  func.func @body(%arg0: i32, %arg1: i32, %arg2: memref<20000x128xf32, #tpu.memory_space<hbm>>, %arg3: memref<32x114x88xi32, #tpu.memory_space<hbm>>, %arg4: memref<16x114x88xi32, #tpu.memory_space<hbm>>, %arg5: memref<10000x128xf32, #tpu.memory_space<hbm>>, %arg6: memref<20000x128xf32, #tpu.memory_space<hbm>>, %arg7: memref<88xi32, #tpu.memory_space<vmem>>, %arg8: memref<88xi32, #tpu.memory_space<vmem>>, %arg9: memref<88xi32, #tpu.memory_space<vmem>>, %arg10: memref<114x88xi32, #tpu.memory_space<vmem>>, %arg11: memref<88x128xf32, #tpu.memory_space<vmem>>, %arg12: memref<88x128xf32, #tpu.memory_space<vmem>>, %arg13: memref<88x128xf32, #tpu.memory_space<vmem>>, %arg14: memref<10008x128xf32, #tpu.memory_space<vmem_shared>>, %arg15: memref<!tpu.dma_semaphore, #tpu.memory_space<semaphore_mem>>, %arg16: memref<!tpu.dma_semaphore, #tpu.memory_space<semaphore_mem>>, %arg17: memref<!tpu.dma_semaphore, #tpu.memory_space<semaphore_mem>>, %arg18: memref<!tpu.dma_semaphore, #tpu.memory_space<semaphore_mem>>, %arg19: memref<!tpu.dma_semaphore, #tpu.memory_space<semaphore_mem>>, %arg20: memref<!tpu.dma_semaphore, #tpu.memory_space<semaphore_mem>>, %arg21: memref<!tpu.dma_semaphore, #tpu.memory_space<semaphore_mem>>, %arg22: memref<!tpu.dma_semaphore, #tpu.memory_space<semaphore_mem>>, %arg23: memref<!tpu.dma_semaphore, #tpu.memory_space<semaphore_mem>>) attributes {dimension_semantics = [#tpu.dimension_semantics<core_parallel>, #tpu.dimension_semantics<subcore_parallel>], iteration_bounds = array<i64: 2, 16>, scalar_prefetch = 0 : i64, scratch_operands = 17 : i64, tpu.core_type = #tpu.core_type<sc_vector_subcore>, window_params = [{transform_indices = #map}, {transform_indices = #map1}, {transform_indices = #map1}, {transform_indices = #map}, {transform_indices = #map}]} {
    %lt3A = arith.constant 10 : i32
    %lt3A_0 = arith.cmpi slt, %arg1, %lt3A : i32
    %convert_element_type3A = arith.extui %lt3A_0 : i1 to i32
    %cond3A = arith.constant 0 : i32
    %cond3A_1 = arith.cmpi ne, %convert_element_type3A, %cond3A : i32
    scf.if %cond3A_1 {
      %mul3A_192 = arith.constant 1000 : i32
      %mul3A_193 = arith.muli %arg1, %mul3A_192 : i32
      %mul3A_194 = arith.constant 1000 : i32
      %mul3A_195 = arith.muli %arg1, %mul3A_194 : i32
      "tpu.region"() ({
        %run_scoped3A = tpu.sem_alloc : memref<!tpu.dma_semaphore, #tpu.memory_space<semaphore_mem>>
        %dma_start3A_196 = arith.constant 0 : i32
        %dma_start3A_197 = tpu.memref_slice %arg14[%mul3A_195, %dma_start3A_196] : memref<10008x128xf32, #tpu.memory_space<vmem_shared>> -> memref<1000x128xf32, #tpu.memory_space<vmem_shared>>
        %dma_start3A_198 = arith.constant 0 : i32
        %dma_start3A_199 = tpu.memref_slice %arg5[%mul3A_193, %dma_start3A_198] : memref<10000x128xf32, #tpu.memory_space<hbm>> -> memref<1000x128xf32, #tpu.memory_space<hbm>>
        tpu.enqueue_dma source(%dma_start3A_199 : memref<1000x128xf32, #tpu.memory_space<hbm>>) target(%dma_start3A_197 : memref<1000x128xf32, #tpu.memory_space<vmem_shared>>) target_semaphore(%run_scoped3A : memref<!tpu.dma_semaphore, #tpu.memory_space<semaphore_mem>>)
        %dma_wait3A_200 = arith.constant 0 : i32
        %dma_wait3A_201 = tpu.memref_slice %arg14[%mul3A_195, %dma_wait3A_200] : memref<10008x128xf32, #tpu.memory_space<vmem_shared>> -> memref<1000x128xf32, #tpu.memory_space<vmem_shared>>
        %dma_wait3A_202 = arith.constant 0 : i32
        %dma_wait3A_203 = tpu.memref_slice %arg5[%mul3A_193, %dma_wait3A_202] : memref<10000x128xf32, #tpu.memory_space<hbm>> -> memref<1000x128xf32, #tpu.memory_space<hbm>>
        tpu.wait_dma2 semaphore(%run_scoped3A : memref<!tpu.dma_semaphore, #tpu.memory_space<semaphore_mem>>) src(%dma_wait3A_203 : memref<1000x128xf32, #tpu.memory_space<hbm>>) dst(%dma_wait3A_201 : memref<1000x128xf32, #tpu.memory_space<vmem_shared>>)
        tpu.yield
      }) : () -> ()
    } else {
    }
    %mul3A = arith.constant 16 : i32
    %mul3A_2 = arith.muli %arg0, %mul3A : i32
    %add3A = arith.addi %mul3A_2, %arg1 : i32
    "tpu.region"() ({
      %run_scoped3A = tpu.sem_alloc : memref<!tpu.dma_semaphore, #tpu.memory_space<semaphore_mem>>
      %dma_start3A_192 = arith.constant 0 : i32
      %dma_start3A_193 = arith.constant 0 : i32
      %dma_start3A_194 = tpu.memref_slice %arg4[%arg1, %dma_start3A_192, %dma_start3A_193] : memref<16x114x88xi32, #tpu.memory_space<hbm>> -> memref<1x114x88xi32, #tpu.memory_space<hbm>>
      %dma_start3A_195 = tpu.memref_squeeze %dma_start3A_194 : memref<1x114x88xi32, #tpu.memory_space<hbm>> -> memref<114x88xi32, #tpu.memory_space<hbm>>
      %dma_start3A_196 = arith.constant 0 : i32
      %dma_start3A_197 = arith.constant 0 : i32
      %dma_start3A_198 = tpu.memref_slice %arg4[%arg1, %dma_start3A_196, %dma_start3A_197] : memref<16x114x88xi32, #tpu.memory_space<hbm>> -> memref<1x114x88xi32, #tpu.memory_space<hbm>>
      %dma_start3A_199 = tpu.memref_squeeze %dma_start3A_198 : memref<1x114x88xi32, #tpu.memory_space<hbm>> -> memref<114x88xi32, #tpu.memory_space<hbm>>
      tpu.enqueue_dma source(%dma_start3A_199 : memref<114x88xi32, #tpu.memory_space<hbm>>) target(%arg10 : memref<114x88xi32, #tpu.memory_space<vmem>>) target_semaphore(%run_scoped3A : memref<!tpu.dma_semaphore, #tpu.memory_space<semaphore_mem>>)
      %dma_wait3A_200 = arith.constant 0 : i32
      %dma_wait3A_201 = arith.constant 0 : i32
      %dma_wait3A_202 = tpu.memref_slice %arg4[%arg1, %dma_wait3A_200, %dma_wait3A_201] : memref<16x114x88xi32, #tpu.memory_space<hbm>> -> memref<1x114x88xi32, #tpu.memory_space<hbm>>
      %dma_wait3A_203 = tpu.memref_squeeze %dma_wait3A_202 : memref<1x114x88xi32, #tpu.memory_space<hbm>> -> memref<114x88xi32, #tpu.memory_space<hbm>>
      %dma_wait3A_204 = arith.constant 0 : i32
      %dma_wait3A_205 = arith.constant 0 : i32
      %dma_wait3A_206 = tpu.memref_slice %arg4[%arg1, %dma_wait3A_204, %dma_wait3A_205] : memref<16x114x88xi32, #tpu.memory_space<hbm>> -> memref<1x114x88xi32, #tpu.memory_space<hbm>>
      %dma_wait3A_207 = tpu.memref_squeeze %dma_wait3A_206 : memref<1x114x88xi32, #tpu.memory_space<hbm>> -> memref<114x88xi32, #tpu.memory_space<hbm>>
      tpu.wait_dma2 semaphore(%run_scoped3A : memref<!tpu.dma_semaphore, #tpu.memory_space<semaphore_mem>>) src(%dma_wait3A_207 : memref<114x88xi32, #tpu.memory_space<hbm>>) dst(%arg10 : memref<114x88xi32, #tpu.memory_space<vmem>>)
      tpu.yield
    }) : () -> ()
    %barrier3A = arith.constant 0 : index
    tpu.barrier barrier_id(%barrier3A)
    %dma_start3A = arith.constant 0 : i32
    %dma_start3A_3 = arith.constant 0 : i32
    %dma_start3A_4 = arith.constant 0 : i32
    %dma_start3A_5 = tpu.memref_slice %arg3[%add3A, %dma_start3A_3, %dma_start3A_4] : memref<32x114x88xi32, #tpu.memory_space<hbm>> -> memref<1x114x88xi32, #tpu.memory_space<hbm>>
    %dma_start3A_6 = tpu.memref_squeeze %dma_start3A_5 : memref<1x114x88xi32, #tpu.memory_space<hbm>> -> memref<114x88xi32, #tpu.memory_space<hbm>>
    %dma_start3A_7 = arith.constant 0 : i32
    %dma_start3A_8 = tpu.memref_slice %dma_start3A_6[%dma_start3A, %dma_start3A_7] : memref<114x88xi32, #tpu.memory_space<hbm>> -> memref<1x88xi32, #tpu.memory_space<hbm>>
    %dma_start3A_9 = tpu.memref_squeeze %dma_start3A_8 : memref<1x88xi32, #tpu.memory_space<hbm>> -> memref<88xi32, #tpu.memory_space<hbm>>
    %dma_start3A_10 = arith.constant 0 : i32
    %dma_start3A_11 = arith.constant 0 : i32
    %dma_start3A_12 = tpu.memref_slice %arg3[%add3A, %dma_start3A_10, %dma_start3A_11] : memref<32x114x88xi32, #tpu.memory_space<hbm>> -> memref<1x114x88xi32, #tpu.memory_space<hbm>>
    %dma_start3A_13 = tpu.memref_squeeze %dma_start3A_12 : memref<1x114x88xi32, #tpu.memory_space<hbm>> -> memref<114x88xi32, #tpu.memory_space<hbm>>
    %dma_start3A_14 = arith.constant 0 : i32
    %dma_start3A_15 = tpu.memref_slice %dma_start3A_13[%dma_start3A, %dma_start3A_14] : memref<114x88xi32, #tpu.memory_space<hbm>> -> memref<1x88xi32, #tpu.memory_space<hbm>>
    %dma_start3A_16 = tpu.memref_squeeze %dma_start3A_15 : memref<1x88xi32, #tpu.memory_space<hbm>> -> memref<88xi32, #tpu.memory_space<hbm>>
    tpu.enqueue_dma source(%dma_start3A_16 : memref<88xi32, #tpu.memory_space<hbm>>) target(%arg7 : memref<88xi32, #tpu.memory_space<vmem>>) target_semaphore(%arg15 : memref<!tpu.dma_semaphore, #tpu.memory_space<semaphore_mem>>)
    %dma_start3A_17 = arith.constant 1 : i32
    %dma_start3A_18 = arith.constant 0 : i32
    %dma_start3A_19 = arith.constant 0 : i32
    %dma_start3A_20 = tpu.memref_slice %arg3[%add3A, %dma_start3A_18, %dma_start3A_19] : memref<32x114x88xi32, #tpu.memory_space<hbm>> -> memref<1x114x88xi32, #tpu.memory_space<hbm>>
    %dma_start3A_21 = tpu.memref_squeeze %dma_start3A_20 : memref<1x114x88xi32, #tpu.memory_space<hbm>> -> memref<114x88xi32, #tpu.memory_space<hbm>>
    %dma_start3A_22 = arith.constant 0 : i32
    %dma_start3A_23 = tpu.memref_slice %dma_start3A_21[%dma_start3A_17, %dma_start3A_22] : memref<114x88xi32, #tpu.memory_space<hbm>> -> memref<1x88xi32, #tpu.memory_space<hbm>>
    %dma_start3A_24 = tpu.memref_squeeze %dma_start3A_23 : memref<1x88xi32, #tpu.memory_space<hbm>> -> memref<88xi32, #tpu.memory_space<hbm>>
    %dma_start3A_25 = arith.constant 0 : i32
    %dma_start3A_26 = arith.constant 0 : i32
    %dma_start3A_27 = tpu.memref_slice %arg3[%add3A, %dma_start3A_25, %dma_start3A_26] : memref<32x114x88xi32, #tpu.memory_space<hbm>> -> memref<1x114x88xi32, #tpu.memory_space<hbm>>
    %dma_start3A_28 = tpu.memref_squeeze %dma_start3A_27 : memref<1x114x88xi32, #tpu.memory_space<hbm>> -> memref<114x88xi32, #tpu.memory_space<hbm>>
    %dma_start3A_29 = arith.constant 0 : i32
    %dma_start3A_30 = tpu.memref_slice %dma_start3A_28[%dma_start3A_17, %dma_start3A_29] : memref<114x88xi32, #tpu.memory_space<hbm>> -> memref<1x88xi32, #tpu.memory_space<hbm>>
    %dma_start3A_31 = tpu.memref_squeeze %dma_start3A_30 : memref<1x88xi32, #tpu.memory_space<hbm>> -> memref<88xi32, #tpu.memory_space<hbm>>
    tpu.enqueue_dma source(%dma_start3A_31 : memref<88xi32, #tpu.memory_space<hbm>>) target(%arg8 : memref<88xi32, #tpu.memory_space<vmem>>) target_semaphore(%arg16 : memref<!tpu.dma_semaphore, #tpu.memory_space<semaphore_mem>>)
    %dma_wait3A = arith.constant 0 : i32
    %dma_wait3A_32 = arith.constant 0 : i32
    %dma_wait3A_33 = arith.constant 0 : i32
    %dma_wait3A_34 = tpu.memref_slice %arg3[%add3A, %dma_wait3A_32, %dma_wait3A_33] : memref<32x114x88xi32, #tpu.memory_space<hbm>> -> memref<1x114x88xi32, #tpu.memory_space<hbm>>
    %dma_wait3A_35 = tpu.memref_squeeze %dma_wait3A_34 : memref<1x114x88xi32, #tpu.memory_space<hbm>> -> memref<114x88xi32, #tpu.memory_space<hbm>>
    %dma_wait3A_36 = arith.constant 0 : i32
    %dma_wait3A_37 = tpu.memref_slice %dma_wait3A_35[%dma_wait3A, %dma_wait3A_36] : memref<114x88xi32, #tpu.memory_space<hbm>> -> memref<1x88xi32, #tpu.memory_space<hbm>>
    %dma_wait3A_38 = tpu.memref_squeeze %dma_wait3A_37 : memref<1x88xi32, #tpu.memory_space<hbm>> -> memref<88xi32, #tpu.memory_space<hbm>>
    %dma_wait3A_39 = arith.constant 0 : i32
    %dma_wait3A_40 = arith.constant 0 : i32
    %dma_wait3A_41 = tpu.memref_slice %arg3[%add3A, %dma_wait3A_39, %dma_wait3A_40] : memref<32x114x88xi32, #tpu.memory_space<hbm>> -> memref<1x114x88xi32, #tpu.memory_space<hbm>>
    %dma_wait3A_42 = tpu.memref_squeeze %dma_wait3A_41 : memref<1x114x88xi32, #tpu.memory_space<hbm>> -> memref<114x88xi32, #tpu.memory_space<hbm>>
    %dma_wait3A_43 = arith.constant 0 : i32
    %dma_wait3A_44 = tpu.memref_slice %dma_wait3A_42[%dma_wait3A, %dma_wait3A_43] : memref<114x88xi32, #tpu.memory_space<hbm>> -> memref<1x88xi32, #tpu.memory_space<hbm>>
    %dma_wait3A_45 = tpu.memref_squeeze %dma_wait3A_44 : memref<1x88xi32, #tpu.memory_space<hbm>> -> memref<88xi32, #tpu.memory_space<hbm>>
    tpu.wait_dma2 semaphore(%arg15 : memref<!tpu.dma_semaphore, #tpu.memory_space<semaphore_mem>>) src(%dma_wait3A_45 : memref<88xi32, #tpu.memory_space<hbm>>) dst(%arg7 : memref<88xi32, #tpu.memory_space<vmem>>)
    %dma_start3A_46 = arith.constant 0 : i32
    %dma_start3A_47 = arith.constant 0 : i32
    %dma_start3A_48 = tpu.memref_slice %arg2[%dma_start3A_46, %dma_start3A_47] : memref<20000x128xf32, #tpu.memory_space<hbm>> -> memref<20000x128xf32, #tpu.memory_space<hbm>>
    tpu.enqueue_indirect_dma source(%dma_start3A_48 : memref<20000x128xf32, #tpu.memory_space<hbm>>) target(%arg11 : memref<88x128xf32, #tpu.memory_space<vmem>>) offsets(%arg7 : memref<88xi32, #tpu.memory_space<vmem>>) semaphore(%arg18 : memref<!tpu.dma_semaphore, #tpu.memory_space<semaphore_mem>>)
    %dma_start3A_49 = arith.constant 2 : i32
    %dma_start3A_50 = arith.constant 0 : i32
    %dma_start3A_51 = arith.constant 0 : i32
    %dma_start3A_52 = tpu.memref_slice %arg3[%add3A, %dma_start3A_50, %dma_start3A_51] : memref<32x114x88xi32, #tpu.memory_space<hbm>> -> memref<1x114x88xi32, #tpu.memory_space<hbm>>
    %dma_start3A_53 = tpu.memref_squeeze %dma_start3A_52 : memref<1x114x88xi32, #tpu.memory_space<hbm>> -> memref<114x88xi32, #tpu.memory_space<hbm>>
    %dma_start3A_54 = arith.constant 0 : i32
    %dma_start3A_55 = tpu.memref_slice %dma_start3A_53[%dma_start3A_49, %dma_start3A_54] : memref<114x88xi32, #tpu.memory_space<hbm>> -> memref<1x88xi32, #tpu.memory_space<hbm>>
    %dma_start3A_56 = tpu.memref_squeeze %dma_start3A_55 : memref<1x88xi32, #tpu.memory_space<hbm>> -> memref<88xi32, #tpu.memory_space<hbm>>
    %dma_start3A_57 = arith.constant 0 : i32
    %dma_start3A_58 = arith.constant 0 : i32
    %dma_start3A_59 = tpu.memref_slice %arg3[%add3A, %dma_start3A_57, %dma_start3A_58] : memref<32x114x88xi32, #tpu.memory_space<hbm>> -> memref<1x114x88xi32, #tpu.memory_space<hbm>>
    %dma_start3A_60 = tpu.memref_squeeze %dma_start3A_59 : memref<1x114x88xi32, #tpu.memory_space<hbm>> -> memref<114x88xi32, #tpu.memory_space<hbm>>
    %dma_start3A_61 = arith.constant 0 : i32
    %dma_start3A_62 = tpu.memref_slice %dma_start3A_60[%dma_start3A_49, %dma_start3A_61] : memref<114x88xi32, #tpu.memory_space<hbm>> -> memref<1x88xi32, #tpu.memory_space<hbm>>
    %dma_start3A_63 = tpu.memref_squeeze %dma_start3A_62 : memref<1x88xi32, #tpu.memory_space<hbm>> -> memref<88xi32, #tpu.memory_space<hbm>>
    tpu.enqueue_dma source(%dma_start3A_63 : memref<88xi32, #tpu.memory_space<hbm>>) target(%arg9 : memref<88xi32, #tpu.memory_space<vmem>>) target_semaphore(%arg17 : memref<!tpu.dma_semaphore, #tpu.memory_space<semaphore_mem>>)
    %dma_wait3A_64 = arith.constant 1 : i32
    %dma_wait3A_65 = arith.constant 0 : i32
    %dma_wait3A_66 = arith.constant 0 : i32
    %dma_wait3A_67 = tpu.memref_slice %arg3[%add3A, %dma_wait3A_65, %dma_wait3A_66] : memref<32x114x88xi32, #tpu.memory_space<hbm>> -> memref<1x114x88xi32, #tpu.memory_space<hbm>>
    %dma_wait3A_68 = tpu.memref_squeeze %dma_wait3A_67 : memref<1x114x88xi32, #tpu.memory_space<hbm>> -> memref<114x88xi32, #tpu.memory_space<hbm>>
    %dma_wait3A_69 = arith.constant 0 : i32
    %dma_wait3A_70 = tpu.memref_slice %dma_wait3A_68[%dma_wait3A_64, %dma_wait3A_69] : memref<114x88xi32, #tpu.memory_space<hbm>> -> memref<1x88xi32, #tpu.memory_space<hbm>>
    %dma_wait3A_71 = tpu.memref_squeeze %dma_wait3A_70 : memref<1x88xi32, #tpu.memory_space<hbm>> -> memref<88xi32, #tpu.memory_space<hbm>>
    %dma_wait3A_72 = arith.constant 0 : i32
    %dma_wait3A_73 = arith.constant 0 : i32
    %dma_wait3A_74 = tpu.memref_slice %arg3[%add3A, %dma_wait3A_72, %dma_wait3A_73] : memref<32x114x88xi32, #tpu.memory_space<hbm>> -> memref<1x114x88xi32, #tpu.memory_space<hbm>>
    %dma_wait3A_75 = tpu.memref_squeeze %dma_wait3A_74 : memref<1x114x88xi32, #tpu.memory_space<hbm>> -> memref<114x88xi32, #tpu.memory_space<hbm>>
    %dma_wait3A_76 = arith.constant 0 : i32
    %dma_wait3A_77 = tpu.memref_slice %dma_wait3A_75[%dma_wait3A_64, %dma_wait3A_76] : memref<114x88xi32, #tpu.memory_space<hbm>> -> memref<1x88xi32, #tpu.memory_space<hbm>>
    %dma_wait3A_78 = tpu.memref_squeeze %dma_wait3A_77 : memref<1x88xi32, #tpu.memory_space<hbm>> -> memref<88xi32, #tpu.memory_space<hbm>>
    tpu.wait_dma2 semaphore(%arg16 : memref<!tpu.dma_semaphore, #tpu.memory_space<semaphore_mem>>) src(%dma_wait3A_78 : memref<88xi32, #tpu.memory_space<hbm>>) dst(%arg8 : memref<88xi32, #tpu.memory_space<vmem>>)
    %dma_start3A_79 = arith.constant 0 : i32
    %dma_start3A_80 = arith.constant 0 : i32
    %dma_start3A_81 = tpu.memref_slice %arg2[%dma_start3A_79, %dma_start3A_80] : memref<20000x128xf32, #tpu.memory_space<hbm>> -> memref<20000x128xf32, #tpu.memory_space<hbm>>
    tpu.enqueue_indirect_dma source(%dma_start3A_81 : memref<20000x128xf32, #tpu.memory_space<hbm>>) target(%arg12 : memref<88x128xf32, #tpu.memory_space<vmem>>) offsets(%arg8 : memref<88xi32, #tpu.memory_space<vmem>>) semaphore(%arg19 : memref<!tpu.dma_semaphore, #tpu.memory_space<semaphore_mem>>)
    %dma_wait3A_82 = arith.constant 0 : i32
    %dma_wait3A_83 = arith.constant 0 : i32
    %dma_wait3A_84 = tpu.memref_slice %arg2[%dma_wait3A_82, %dma_wait3A_83] : memref<20000x128xf32, #tpu.memory_space<hbm>> -> memref<20000x128xf32, #tpu.memory_space<hbm>>
    tpu.wait_indirect_dma semaphore(%arg18 : memref<!tpu.dma_semaphore, #tpu.memory_space<semaphore_mem>>) src(%dma_wait3A_84 : memref<20000x128xf32, #tpu.memory_space<hbm>>) dst(%arg11 : memref<88x128xf32, #tpu.memory_space<vmem>>)
    %dma_start3A_85 = arith.constant 0 : i32
    %dma_start3A_86 = arith.constant 0 : i32
    %dma_start3A_87 = tpu.memref_slice %arg10[%dma_start3A_85, %dma_start3A_86] : memref<114x88xi32, #tpu.memory_space<vmem>> -> memref<1x88xi32, #tpu.memory_space<vmem>>
    %dma_start3A_88 = tpu.memref_squeeze %dma_start3A_87 : memref<1x88xi32, #tpu.memory_space<vmem>> -> memref<88xi32, #tpu.memory_space<vmem>>
    %dma_start3A_89 = arith.constant 0 : i32
    %dma_start3A_90 = arith.constant 0 : i32
    %dma_start3A_91 = tpu.memref_slice %arg14[%dma_start3A_89, %dma_start3A_90] : memref<10008x128xf32, #tpu.memory_space<vmem_shared>> -> memref<10008x128xf32, #tpu.memory_space<vmem_shared>>
    tpu.enqueue_indirect_dma source(%arg11 : memref<88x128xf32, #tpu.memory_space<vmem>>) target(%dma_start3A_91 : memref<10008x128xf32, #tpu.memory_space<vmem_shared>>) offsets(%dma_start3A_88 : memref<88xi32, #tpu.memory_space<vmem>>) semaphore(%arg21 : memref<!tpu.dma_semaphore, #tpu.memory_space<semaphore_mem>>) {add = true}
    %dma_start3A_92 = arith.constant 3 : i32
    %dma_start3A_93 = arith.constant 0 : i32
    %dma_start3A_94 = arith.constant 0 : i32
    %dma_start3A_95 = tpu.memref_slice %arg3[%add3A, %dma_start3A_93, %dma_start3A_94] : memref<32x114x88xi32, #tpu.memory_space<hbm>> -> memref<1x114x88xi32, #tpu.memory_space<hbm>>
    %dma_start3A_96 = tpu.memref_squeeze %dma_start3A_95 : memref<1x114x88xi32, #tpu.memory_space<hbm>> -> memref<114x88xi32, #tpu.memory_space<hbm>>
    %dma_start3A_97 = arith.constant 0 : i32
    %dma_start3A_98 = tpu.memref_slice %dma_start3A_96[%dma_start3A_92, %dma_start3A_97] : memref<114x88xi32, #tpu.memory_space<hbm>> -> memref<1x88xi32, #tpu.memory_space<hbm>>
    %dma_start3A_99 = tpu.memref_squeeze %dma_start3A_98 : memref<1x88xi32, #tpu.memory_space<hbm>> -> memref<88xi32, #tpu.memory_space<hbm>>
    %dma_start3A_100 = arith.constant 0 : i32
    %dma_start3A_101 = arith.constant 0 : i32
    %dma_start3A_102 = tpu.memref_slice %arg3[%add3A, %dma_start3A_100, %dma_start3A_101] : memref<32x114x88xi32, #tpu.memory_space<hbm>> -> memref<1x114x88xi32, #tpu.memory_space<hbm>>
    %dma_start3A_103 = tpu.memref_squeeze %dma_start3A_102 : memref<1x114x88xi32, #tpu.memory_space<hbm>> -> memref<114x88xi32, #tpu.memory_space<hbm>>
    %dma_start3A_104 = arith.constant 0 : i32
    %dma_start3A_105 = tpu.memref_slice %dma_start3A_103[%dma_start3A_92, %dma_start3A_104] : memref<114x88xi32, #tpu.memory_space<hbm>> -> memref<1x88xi32, #tpu.memory_space<hbm>>
    %dma_start3A_106 = tpu.memref_squeeze %dma_start3A_105 : memref<1x88xi32, #tpu.memory_space<hbm>> -> memref<88xi32, #tpu.memory_space<hbm>>
    tpu.enqueue_dma source(%dma_start3A_106 : memref<88xi32, #tpu.memory_space<hbm>>) target(%arg7 : memref<88xi32, #tpu.memory_space<vmem>>) target_semaphore(%arg15 : memref<!tpu.dma_semaphore, #tpu.memory_space<semaphore_mem>>)
    %dma_wait3A_107 = arith.constant 2 : i32
    %dma_wait3A_108 = arith.constant 0 : i32
    %dma_wait3A_109 = arith.constant 0 : i32
    %dma_wait3A_110 = tpu.memref_slice %arg3[%add3A, %dma_wait3A_108, %dma_wait3A_109] : memref<32x114x88xi32, #tpu.memory_space<hbm>> -> memref<1x114x88xi32, #tpu.memory_space<hbm>>
    %dma_wait3A_111 = tpu.memref_squeeze %dma_wait3A_110 : memref<1x114x88xi32, #tpu.memory_space<hbm>> -> memref<114x88xi32, #tpu.memory_space<hbm>>
    %dma_wait3A_112 = arith.constant 0 : i32
    %dma_wait3A_113 = tpu.memref_slice %dma_wait3A_111[%dma_wait3A_107, %dma_wait3A_112] : memref<114x88xi32, #tpu.memory_space<hbm>> -> memref<1x88xi32, #tpu.memory_space<hbm>>
    %dma_wait3A_114 = tpu.memref_squeeze %dma_wait3A_113 : memref<1x88xi32, #tpu.memory_space<hbm>> -> memref<88xi32, #tpu.memory_space<hbm>>
    %dma_wait3A_115 = arith.constant 0 : i32
    %dma_wait3A_116 = arith.constant 0 : i32
    %dma_wait3A_117 = tpu.memref_slice %arg3[%add3A, %dma_wait3A_115, %dma_wait3A_116] : memref<32x114x88xi32, #tpu.memory_space<hbm>> -> memref<1x114x88xi32, #tpu.memory_space<hbm>>
    %dma_wait3A_118 = tpu.memref_squeeze %dma_wait3A_117 : memref<1x114x88xi32, #tpu.memory_space<hbm>> -> memref<114x88xi32, #tpu.memory_space<hbm>>
    %dma_wait3A_119 = arith.constant 0 : i32
    %dma_wait3A_120 = tpu.memref_slice %dma_wait3A_118[%dma_wait3A_107, %dma_wait3A_119] : memref<114x88xi32, #tpu.memory_space<hbm>> -> memref<1x88xi32, #tpu.memory_space<hbm>>
    %dma_wait3A_121 = tpu.memref_squeeze %dma_wait3A_120 : memref<1x88xi32, #tpu.memory_space<hbm>> -> memref<88xi32, #tpu.memory_space<hbm>>
    tpu.wait_dma2 semaphore(%arg17 : memref<!tpu.dma_semaphore, #tpu.memory_space<semaphore_mem>>) src(%dma_wait3A_121 : memref<88xi32, #tpu.memory_space<hbm>>) dst(%arg9 : memref<88xi32, #tpu.memory_space<vmem>>)
    %dma_start3A_122 = arith.constant 0 : i32
    %dma_start3A_123 = arith.constant 0 : i32
    %dma_start3A_124 = tpu.memref_slice %arg2[%dma_start3A_122, %dma_start3A_123] : memref<20000x128xf32, #tpu.memory_space<hbm>> -> memref<20000x128xf32, #tpu.memory_space<hbm>>
    tpu.enqueue_indirect_dma source(%dma_start3A_124 : memref<20000x128xf32, #tpu.memory_space<hbm>>) target(%arg13 : memref<88x128xf32, #tpu.memory_space<vmem>>) offsets(%arg9 : memref<88xi32, #tpu.memory_space<vmem>>) semaphore(%arg20 : memref<!tpu.dma_semaphore, #tpu.memory_space<semaphore_mem>>)
    %dma_wait3A_125 = arith.constant 0 : i32
    %dma_wait3A_126 = arith.constant 0 : i32
    %dma_wait3A_127 = tpu.memref_slice %arg2[%dma_wait3A_125, %dma_wait3A_126] : memref<20000x128xf32, #tpu.memory_space<hbm>> -> memref<20000x128xf32, #tpu.memory_space<hbm>>
    tpu.wait_indirect_dma semaphore(%arg19 : memref<!tpu.dma_semaphore, #tpu.memory_space<semaphore_mem>>) src(%dma_wait3A_127 : memref<20000x128xf32, #tpu.memory_space<hbm>>) dst(%arg12 : memref<88x128xf32, #tpu.memory_space<vmem>>)
    %dma_start3A_128 = arith.constant 1 : i32
    %dma_start3A_129 = arith.constant 0 : i32
    %dma_start3A_130 = tpu.memref_slice %arg10[%dma_start3A_128, %dma_start3A_129] : memref<114x88xi32, #tpu.memory_space<vmem>> -> memref<1x88xi32, #tpu.memory_space<vmem>>
    %dma_start3A_131 = tpu.memref_squeeze %dma_start3A_130 : memref<1x88xi32, #tpu.memory_space<vmem>> -> memref<88xi32, #tpu.memory_space<vmem>>
    %dma_start3A_132 = arith.constant 0 : i32
    %dma_start3A_133 = arith.constant 0 : i32
    %dma_start3A_134 = tpu.memref_slice %arg14[%dma_start3A_132, %dma_start3A_133] : memref<10008x128xf32, #tpu.memory_space<vmem_shared>> -> memref<10008x128xf32, #tpu.memory_space<vmem_shared>>
    tpu.enqueue_indirect_dma source(%arg12 : memref<88x128xf32, #tpu.memory_space<vmem>>) target(%dma_start3A_134 : memref<10008x128xf32, #tpu.memory_space<vmem_shared>>) offsets(%dma_start3A_131 : memref<88xi32, #tpu.memory_space<vmem>>) semaphore(%arg22 : memref<!tpu.dma_semaphore, #tpu.memory_space<semaphore_mem>>) {add = true}
    %dma_start3A_135 = arith.constant 4 : i32
    %dma_start3A_136 = arith.constant 0 : i32
    %dma_start3A_137 = arith.constant 0 : i32
    %dma_start3A_138 = tpu.memref_slice %arg3[%add3A, %dma_start3A_136, %dma_start3A_137] : memref<32x114x88xi32, #tpu.memory_space<hbm>> -> memref<1x114x88xi32, #tpu.memory_space<hbm>>
    %dma_start3A_139 = tpu.memref_squeeze %dma_start3A_138 : memref<1x114x88xi32, #tpu.memory_space<hbm>> -> memref<114x88xi32, #tpu.memory_space<hbm>>
    %dma_start3A_140 = arith.constant 0 : i32
    %dma_start3A_141 = tpu.memref_slice %dma_start3A_139[%dma_start3A_135, %dma_start3A_140] : memref<114x88xi32, #tpu.memory_space<hbm>> -> memref<1x88xi32, #tpu.memory_space<hbm>>
    %dma_start3A_142 = tpu.memref_squeeze %dma_start3A_141 : memref<1x88xi32, #tpu.memory_space<hbm>> -> memref<88xi32, #tpu.memory_space<hbm>>
    %dma_start3A_143 = arith.constant 0 : i32
    %dma_start3A_144 = arith.constant 0 : i32
    %dma_start3A_145 = tpu.memref_slice %arg3[%add3A, %dma_start3A_143, %dma_start3A_144] : memref<32x114x88xi32, #tpu.memory_space<hbm>> -> memref<1x114x88xi32, #tpu.memory_space<hbm>>
    %dma_start3A_146 = tpu.memref_squeeze %dma_start3A_145 : memref<1x114x88xi32, #tpu.memory_space<hbm>> -> memref<114x88xi32, #tpu.memory_space<hbm>>
    %dma_start3A_147 = arith.constant 0 : i32
    %dma_start3A_148 = tpu.memref_slice %dma_start3A_146[%dma_start3A_135, %dma_start3A_147] : memref<114x88xi32, #tpu.memory_space<hbm>> -> memref<1x88xi32, #tpu.memory_space<hbm>>
    %dma_start3A_149 = tpu.memref_squeeze %dma_start3A_148 : memref<1x88xi32, #tpu.memory_space<hbm>> -> memref<88xi32, #tpu.memory_space<hbm>>
    tpu.enqueue_dma source(%dma_start3A_149 : memref<88xi32, #tpu.memory_space<hbm>>) target(%arg8 : memref<88xi32, #tpu.memory_space<vmem>>) target_semaphore(%arg16 : memref<!tpu.dma_semaphore, #tpu.memory_space<semaphore_mem>>)
    %scan3A = arith.constant 0 : i32
    %scan3A_150 = arith.constant 1 : i32
    %scan3A_151 = arith.constant 37 : i32
    %scan3A_152 = arith.addi %scan3A_150, %scan3A_151 : i32
    %scan3A_153 = arith.constant 1 : i32
    scf.for %scan3A_192 = %scan3A_150 to %scan3A_152 step %scan3A_153  : i32 {
      %mul3A_193 = arith.constant 3 : i32
      %mul3A_194 = arith.muli %mul3A_193, %scan3A_192 : i32
      %add3A_195 = arith.constant 0 : i32
      %add3A_196 = arith.addi %mul3A_194, %add3A_195 : i32
      %dma_wait3A_197 = arith.constant 0 : i32
      %dma_wait3A_198 = arith.constant 0 : i32
      %dma_wait3A_199 = tpu.memref_slice %arg3[%add3A, %dma_wait3A_197, %dma_wait3A_198] : memref<32x114x88xi32, #tpu.memory_space<hbm>> -> memref<1x114x88xi32, #tpu.memory_space<hbm>>
      %dma_wait3A_200 = tpu.memref_squeeze %dma_wait3A_199 : memref<1x114x88xi32, #tpu.memory_space<hbm>> -> memref<114x88xi32, #tpu.memory_space<hbm>>
      %dma_wait3A_201 = arith.constant 0 : i32
      %dma_wait3A_202 = tpu.memref_slice %dma_wait3A_200[%add3A_196, %dma_wait3A_201] : memref<114x88xi32, #tpu.memory_space<hbm>> -> memref<1x88xi32, #tpu.memory_space<hbm>>
      %dma_wait3A_203 = tpu.memref_squeeze %dma_wait3A_202 : memref<1x88xi32, #tpu.memory_space<hbm>> -> memref<88xi32, #tpu.memory_space<hbm>>
      %dma_wait3A_204 = arith.constant 0 : i32
      %dma_wait3A_205 = arith.constant 0 : i32
      %dma_wait3A_206 = tpu.memref_slice %arg3[%add3A, %dma_wait3A_204, %dma_wait3A_205] : memref<32x114x88xi32, #tpu.memory_space<hbm>> -> memref<1x114x88xi32, #tpu.memory_space<hbm>>
      %dma_wait3A_207 = tpu.memref_squeeze %dma_wait3A_206 : memref<1x114x88xi32, #tpu.memory_space<hbm>> -> memref<114x88xi32, #tpu.memory_space<hbm>>
      %dma_wait3A_208 = arith.constant 0 : i32
      %dma_wait3A_209 = tpu.memref_slice %dma_wait3A_207[%add3A_196, %dma_wait3A_208] : memref<114x88xi32, #tpu.memory_space<hbm>> -> memref<1x88xi32, #tpu.memory_space<hbm>>
      %dma_wait3A_210 = tpu.memref_squeeze %dma_wait3A_209 : memref<1x88xi32, #tpu.memory_space<hbm>> -> memref<88xi32, #tpu.memory_space<hbm>>
      tpu.wait_dma2 semaphore(%arg15 : memref<!tpu.dma_semaphore, #tpu.memory_space<semaphore_mem>>) src(%dma_wait3A_210 : memref<88xi32, #tpu.memory_space<hbm>>) dst(%arg7 : memref<88xi32, #tpu.memory_space<vmem>>)
      %sub3A = arith.constant 3 : i32
      %sub3A_211 = arith.subi %add3A_196, %sub3A : i32
      %dma_wait3A_212 = arith.constant 0 : i32
      %dma_wait3A_213 = tpu.memref_slice %arg10[%sub3A_211, %dma_wait3A_212] : memref<114x88xi32, #tpu.memory_space<vmem>> -> memref<1x88xi32, #tpu.memory_space<vmem>>
      %dma_wait3A_214 = tpu.memref_squeeze %dma_wait3A_213 : memref<1x88xi32, #tpu.memory_space<vmem>> -> memref<88xi32, #tpu.memory_space<vmem>>
      %dma_wait3A_215 = arith.constant 0 : i32
      %dma_wait3A_216 = arith.constant 0 : i32
      %dma_wait3A_217 = tpu.memref_slice %arg14[%dma_wait3A_215, %dma_wait3A_216] : memref<10008x128xf32, #tpu.memory_space<vmem_shared>> -> memref<10008x128xf32, #tpu.memory_space<vmem_shared>>
      tpu.wait_indirect_dma semaphore(%arg21 : memref<!tpu.dma_semaphore, #tpu.memory_space<semaphore_mem>>) src(%arg11 : memref<88x128xf32, #tpu.memory_space<vmem>>) dst(%dma_wait3A_217 : memref<10008x128xf32, #tpu.memory_space<vmem_shared>>)
      %dma_start3A_218 = arith.constant 0 : i32
      %dma_start3A_219 = arith.constant 0 : i32
      %dma_start3A_220 = tpu.memref_slice %arg2[%dma_start3A_218, %dma_start3A_219] : memref<20000x128xf32, #tpu.memory_space<hbm>> -> memref<20000x128xf32, #tpu.memory_space<hbm>>
      tpu.enqueue_indirect_dma source(%dma_start3A_220 : memref<20000x128xf32, #tpu.memory_space<hbm>>) target(%arg11 : memref<88x128xf32, #tpu.memory_space<vmem>>) offsets(%arg7 : memref<88xi32, #tpu.memory_space<vmem>>) semaphore(%arg18 : memref<!tpu.dma_semaphore, #tpu.memory_space<semaphore_mem>>)
      %sub3A_221 = arith.constant 1 : i32
      %sub3A_222 = arith.subi %add3A_196, %sub3A_221 : i32
      %dma_wait3A_223 = arith.constant 0 : i32
      %dma_wait3A_224 = arith.constant 0 : i32
      %dma_wait3A_225 = tpu.memref_slice %arg2[%dma_wait3A_223, %dma_wait3A_224] : memref<20000x128xf32, #tpu.memory_space<hbm>> -> memref<20000x128xf32, #tpu.memory_space<hbm>>
      tpu.wait_indirect_dma semaphore(%arg20 : memref<!tpu.dma_semaphore, #tpu.memory_space<semaphore_mem>>) src(%dma_wait3A_225 : memref<20000x128xf32, #tpu.memory_space<hbm>>) dst(%arg13 : memref<88x128xf32, #tpu.memory_space<vmem>>)
      %sub3A_226 = arith.constant 1 : i32
      %sub3A_227 = arith.subi %add3A_196, %sub3A_226 : i32
      %dma_start3A_228 = arith.constant 0 : i32
      %dma_start3A_229 = tpu.memref_slice %arg10[%sub3A_227, %dma_start3A_228] : memref<114x88xi32, #tpu.memory_space<vmem>> -> memref<1x88xi32, #tpu.memory_space<vmem>>
      %dma_start3A_230 = tpu.memref_squeeze %dma_start3A_229 : memref<1x88xi32, #tpu.memory_space<vmem>> -> memref<88xi32, #tpu.memory_space<vmem>>
      %dma_start3A_231 = arith.constant 0 : i32
      %dma_start3A_232 = arith.constant 0 : i32
      %dma_start3A_233 = tpu.memref_slice %arg14[%dma_start3A_231, %dma_start3A_232] : memref<10008x128xf32, #tpu.memory_space<vmem_shared>> -> memref<10008x128xf32, #tpu.memory_space<vmem_shared>>
      tpu.enqueue_indirect_dma source(%arg13 : memref<88x128xf32, #tpu.memory_space<vmem>>) target(%dma_start3A_233 : memref<10008x128xf32, #tpu.memory_space<vmem_shared>>) offsets(%dma_start3A_230 : memref<88xi32, #tpu.memory_space<vmem>>) semaphore(%arg23 : memref<!tpu.dma_semaphore, #tpu.memory_space<semaphore_mem>>) {add = true}
      %add3A_234 = arith.constant 2 : i32
      %add3A_235 = arith.addi %add3A_196, %add3A_234 : i32
      %dma_start3A_236 = arith.constant 0 : i32
      %dma_start3A_237 = arith.constant 0 : i32
      %dma_start3A_238 = tpu.memref_slice %arg3[%add3A, %dma_start3A_236, %dma_start3A_237] : memref<32x114x88xi32, #tpu.memory_space<hbm>> -> memref<1x114x88xi32, #tpu.memory_space<hbm>>
      %dma_start3A_239 = tpu.memref_squeeze %dma_start3A_238 : memref<1x114x88xi32, #tpu.memory_space<hbm>> -> memref<114x88xi32, #tpu.memory_space<hbm>>
      %dma_start3A_240 = arith.constant 0 : i32
      %dma_start3A_241 = tpu.memref_slice %dma_start3A_239[%add3A_235, %dma_start3A_240] : memref<114x88xi32, #tpu.memory_space<hbm>> -> memref<1x88xi32, #tpu.memory_space<hbm>>
      %dma_start3A_242 = tpu.memref_squeeze %dma_start3A_241 : memref<1x88xi32, #tpu.memory_space<hbm>> -> memref<88xi32, #tpu.memory_space<hbm>>
      %dma_start3A_243 = arith.constant 0 : i32
      %dma_start3A_244 = arith.constant 0 : i32
      %dma_start3A_245 = tpu.memref_slice %arg3[%add3A, %dma_start3A_243, %dma_start3A_244] : memref<32x114x88xi32, #tpu.memory_space<hbm>> -> memref<1x114x88xi32, #tpu.memory_space<hbm>>
      %dma_start3A_246 = tpu.memref_squeeze %dma_start3A_245 : memref<1x114x88xi32, #tpu.memory_space<hbm>> -> memref<114x88xi32, #tpu.memory_space<hbm>>
      %dma_start3A_247 = arith.constant 0 : i32
      %dma_start3A_248 = tpu.memref_slice %dma_start3A_246[%add3A_235, %dma_start3A_247] : memref<114x88xi32, #tpu.memory_space<hbm>> -> memref<1x88xi32, #tpu.memory_space<hbm>>
      %dma_start3A_249 = tpu.memref_squeeze %dma_start3A_248 : memref<1x88xi32, #tpu.memory_space<hbm>> -> memref<88xi32, #tpu.memory_space<hbm>>
      tpu.enqueue_dma source(%dma_start3A_249 : memref<88xi32, #tpu.memory_space<hbm>>) target(%arg9 : memref<88xi32, #tpu.memory_space<vmem>>) target_semaphore(%arg17 : memref<!tpu.dma_semaphore, #tpu.memory_space<semaphore_mem>>)
      %mul3A_250 = arith.constant 3 : i32
      %mul3A_251 = arith.muli %mul3A_250, %scan3A_192 : i32
      %add3A_252 = arith.constant 1 : i32
      %add3A_253 = arith.addi %mul3A_251, %add3A_252 : i32
      %dma_wait3A_254 = arith.constant 0 : i32
      %dma_wait3A_255 = arith.constant 0 : i32
      %dma_wait3A_256 = tpu.memref_slice %arg3[%add3A, %dma_wait3A_254, %dma_wait3A_255] : memref<32x114x88xi32, #tpu.memory_space<hbm>> -> memref<1x114x88xi32, #tpu.memory_space<hbm>>
      %dma_wait3A_257 = tpu.memref_squeeze %dma_wait3A_256 : memref<1x114x88xi32, #tpu.memory_space<hbm>> -> memref<114x88xi32, #tpu.memory_space<hbm>>
      %dma_wait3A_258 = arith.constant 0 : i32
      %dma_wait3A_259 = tpu.memref_slice %dma_wait3A_257[%add3A_253, %dma_wait3A_258] : memref<114x88xi32, #tpu.memory_space<hbm>> -> memref<1x88xi32, #tpu.memory_space<hbm>>
      %dma_wait3A_260 = tpu.memref_squeeze %dma_wait3A_259 : memref<1x88xi32, #tpu.memory_space<hbm>> -> memref<88xi32, #tpu.memory_space<hbm>>
      %dma_wait3A_261 = arith.constant 0 : i32
      %dma_wait3A_262 = arith.constant 0 : i32
      %dma_wait3A_263 = tpu.memref_slice %arg3[%add3A, %dma_wait3A_261, %dma_wait3A_262] : memref<32x114x88xi32, #tpu.memory_space<hbm>> -> memref<1x114x88xi32, #tpu.memory_space<hbm>>
      %dma_wait3A_264 = tpu.memref_squeeze %dma_wait3A_263 : memref<1x114x88xi32, #tpu.memory_space<hbm>> -> memref<114x88xi32, #tpu.memory_space<hbm>>
      %dma_wait3A_265 = arith.constant 0 : i32
      %dma_wait3A_266 = tpu.memref_slice %dma_wait3A_264[%add3A_253, %dma_wait3A_265] : memref<114x88xi32, #tpu.memory_space<hbm>> -> memref<1x88xi32, #tpu.memory_space<hbm>>
      %dma_wait3A_267 = tpu.memref_squeeze %dma_wait3A_266 : memref<1x88xi32, #tpu.memory_space<hbm>> -> memref<88xi32, #tpu.memory_space<hbm>>
      tpu.wait_dma2 semaphore(%arg16 : memref<!tpu.dma_semaphore, #tpu.memory_space<semaphore_mem>>) src(%dma_wait3A_267 : memref<88xi32, #tpu.memory_space<hbm>>) dst(%arg8 : memref<88xi32, #tpu.memory_space<vmem>>)
      %sub3A_268 = arith.constant 3 : i32
      %sub3A_269 = arith.subi %add3A_253, %sub3A_268 : i32
      %dma_wait3A_270 = arith.constant 0 : i32
      %dma_wait3A_271 = tpu.memref_slice %arg10[%sub3A_269, %dma_wait3A_270] : memref<114x88xi32, #tpu.memory_space<vmem>> -> memref<1x88xi32, #tpu.memory_space<vmem>>
      %dma_wait3A_272 = tpu.memref_squeeze %dma_wait3A_271 : memref<1x88xi32, #tpu.memory_space<vmem>> -> memref<88xi32, #tpu.memory_space<vmem>>
      %dma_wait3A_273 = arith.constant 0 : i32
      %dma_wait3A_274 = arith.constant 0 : i32
      %dma_wait3A_275 = tpu.memref_slice %arg14[%dma_wait3A_273, %dma_wait3A_274] : memref<10008x128xf32, #tpu.memory_space<vmem_shared>> -> memref<10008x128xf32, #tpu.memory_space<vmem_shared>>
      tpu.wait_indirect_dma semaphore(%arg22 : memref<!tpu.dma_semaphore, #tpu.memory_space<semaphore_mem>>) src(%arg12 : memref<88x128xf32, #tpu.memory_space<vmem>>) dst(%dma_wait3A_275 : memref<10008x128xf32, #tpu.memory_space<vmem_shared>>)
      %dma_start3A_276 = arith.constant 0 : i32
      %dma_start3A_277 = arith.constant 0 : i32
      %dma_start3A_278 = tpu.memref_slice %arg2[%dma_start3A_276, %dma_start3A_277] : memref<20000x128xf32, #tpu.memory_space<hbm>> -> memref<20000x128xf32, #tpu.memory_space<hbm>>
      tpu.enqueue_indirect_dma source(%dma_start3A_278 : memref<20000x128xf32, #tpu.memory_space<hbm>>) target(%arg12 : memref<88x128xf32, #tpu.memory_space<vmem>>) offsets(%arg8 : memref<88xi32, #tpu.memory_space<vmem>>) semaphore(%arg19 : memref<!tpu.dma_semaphore, #tpu.memory_space<semaphore_mem>>)
      %sub3A_279 = arith.constant 1 : i32
      %sub3A_280 = arith.subi %add3A_253, %sub3A_279 : i32
      %dma_wait3A_281 = arith.constant 0 : i32
      %dma_wait3A_282 = arith.constant 0 : i32
      %dma_wait3A_283 = tpu.memref_slice %arg2[%dma_wait3A_281, %dma_wait3A_282] : memref<20000x128xf32, #tpu.memory_space<hbm>> -> memref<20000x128xf32, #tpu.memory_space<hbm>>
      tpu.wait_indirect_dma semaphore(%arg18 : memref<!tpu.dma_semaphore, #tpu.memory_space<semaphore_mem>>) src(%dma_wait3A_283 : memref<20000x128xf32, #tpu.memory_space<hbm>>) dst(%arg11 : memref<88x128xf32, #tpu.memory_space<vmem>>)
      %sub3A_284 = arith.constant 1 : i32
      %sub3A_285 = arith.subi %add3A_253, %sub3A_284 : i32
      %dma_start3A_286 = arith.constant 0 : i32
      %dma_start3A_287 = tpu.memref_slice %arg10[%sub3A_285, %dma_start3A_286] : memref<114x88xi32, #tpu.memory_space<vmem>> -> memref<1x88xi32, #tpu.memory_space<vmem>>
      %dma_start3A_288 = tpu.memref_squeeze %dma_start3A_287 : memref<1x88xi32, #tpu.memory_space<vmem>> -> memref<88xi32, #tpu.memory_space<vmem>>
      %dma_start3A_289 = arith.constant 0 : i32
      %dma_start3A_290 = arith.constant 0 : i32
      %dma_start3A_291 = tpu.memref_slice %arg14[%dma_start3A_289, %dma_start3A_290] : memref<10008x128xf32, #tpu.memory_space<vmem_shared>> -> memref<10008x128xf32, #tpu.memory_space<vmem_shared>>
      tpu.enqueue_indirect_dma source(%arg11 : memref<88x128xf32, #tpu.memory_space<vmem>>) target(%dma_start3A_291 : memref<10008x128xf32, #tpu.memory_space<vmem_shared>>) offsets(%dma_start3A_288 : memref<88xi32, #tpu.memory_space<vmem>>) semaphore(%arg21 : memref<!tpu.dma_semaphore, #tpu.memory_space<semaphore_mem>>) {add = true}
      %lt3A_292 = arith.constant 37 : i32
      %lt3A_293 = arith.cmpi slt, %scan3A_192, %lt3A_292 : i32
      %convert_element_type3A_294 = arith.extui %lt3A_293 : i1 to i32
      %cond3A_295 = arith.constant 0 : i32
      %cond3A_296 = arith.cmpi ne, %convert_element_type3A_294, %cond3A_295 : i32
      scf.if %cond3A_296 {
        %add3A_344 = arith.constant 2 : i32
        %add3A_345 = arith.addi %add3A_253, %add3A_344 : i32
        %dma_start3A_346 = arith.constant 0 : i32
        %dma_start3A_347 = arith.constant 0 : i32
        %dma_start3A_348 = tpu.memref_slice %arg3[%add3A, %dma_start3A_346, %dma_start3A_347] : memref<32x114x88xi32, #tpu.memory_space<hbm>> -> memref<1x114x88xi32, #tpu.memory_space<hbm>>
        %dma_start3A_349 = tpu.memref_squeeze %dma_start3A_348 : memref<1x114x88xi32, #tpu.memory_space<hbm>> -> memref<114x88xi32, #tpu.memory_space<hbm>>
        %dma_start3A_350 = arith.constant 0 : i32
        %dma_start3A_351 = tpu.memref_slice %dma_start3A_349[%add3A_345, %dma_start3A_350] : memref<114x88xi32, #tpu.memory_space<hbm>> -> memref<1x88xi32, #tpu.memory_space<hbm>>
        %dma_start3A_352 = tpu.memref_squeeze %dma_start3A_351 : memref<1x88xi32, #tpu.memory_space<hbm>> -> memref<88xi32, #tpu.memory_space<hbm>>
        %dma_start3A_353 = arith.constant 0 : i32
        %dma_start3A_354 = arith.constant 0 : i32
        %dma_start3A_355 = tpu.memref_slice %arg3[%add3A, %dma_start3A_353, %dma_start3A_354] : memref<32x114x88xi32, #tpu.memory_space<hbm>> -> memref<1x114x88xi32, #tpu.memory_space<hbm>>
        %dma_start3A_356 = tpu.memref_squeeze %dma_start3A_355 : memref<1x114x88xi32, #tpu.memory_space<hbm>> -> memref<114x88xi32, #tpu.memory_space<hbm>>
        %dma_start3A_357 = arith.constant 0 : i32
        %dma_start3A_358 = tpu.memref_slice %dma_start3A_356[%add3A_345, %dma_start3A_357] : memref<114x88xi32, #tpu.memory_space<hbm>> -> memref<1x88xi32, #tpu.memory_space<hbm>>
        %dma_start3A_359 = tpu.memref_squeeze %dma_start3A_358 : memref<1x88xi32, #tpu.memory_space<hbm>> -> memref<88xi32, #tpu.memory_space<hbm>>
        tpu.enqueue_dma source(%dma_start3A_359 : memref<88xi32, #tpu.memory_space<hbm>>) target(%arg7 : memref<88xi32, #tpu.memory_space<vmem>>) target_semaphore(%arg15 : memref<!tpu.dma_semaphore, #tpu.memory_space<semaphore_mem>>)
      } else {
      }
      %mul3A_297 = arith.constant 3 : i32
      %mul3A_298 = arith.muli %mul3A_297, %scan3A_192 : i32
      %add3A_299 = arith.constant 2 : i32
      %add3A_300 = arith.addi %mul3A_298, %add3A_299 : i32
      %dma_wait3A_301 = arith.constant 0 : i32
      %dma_wait3A_302 = arith.constant 0 : i32
      %dma_wait3A_303 = tpu.memref_slice %arg3[%add3A, %dma_wait3A_301, %dma_wait3A_302] : memref<32x114x88xi32, #tpu.memory_space<hbm>> -> memref<1x114x88xi32, #tpu.memory_space<hbm>>
      %dma_wait3A_304 = tpu.memref_squeeze %dma_wait3A_303 : memref<1x114x88xi32, #tpu.memory_space<hbm>> -> memref<114x88xi32, #tpu.memory_space<hbm>>
      %dma_wait3A_305 = arith.constant 0 : i32
      %dma_wait3A_306 = tpu.memref_slice %dma_wait3A_304[%add3A_300, %dma_wait3A_305] : memref<114x88xi32, #tpu.memory_space<hbm>> -> memref<1x88xi32, #tpu.memory_space<hbm>>
      %dma_wait3A_307 = tpu.memref_squeeze %dma_wait3A_306 : memref<1x88xi32, #tpu.memory_space<hbm>> -> memref<88xi32, #tpu.memory_space<hbm>>
      %dma_wait3A_308 = arith.constant 0 : i32
      %dma_wait3A_309 = arith.constant 0 : i32
      %dma_wait3A_310 = tpu.memref_slice %arg3[%add3A, %dma_wait3A_308, %dma_wait3A_309] : memref<32x114x88xi32, #tpu.memory_space<hbm>> -> memref<1x114x88xi32, #tpu.memory_space<hbm>>
      %dma_wait3A_311 = tpu.memref_squeeze %dma_wait3A_310 : memref<1x114x88xi32, #tpu.memory_space<hbm>> -> memref<114x88xi32, #tpu.memory_space<hbm>>
      %dma_wait3A_312 = arith.constant 0 : i32
      %dma_wait3A_313 = tpu.memref_slice %dma_wait3A_311[%add3A_300, %dma_wait3A_312] : memref<114x88xi32, #tpu.memory_space<hbm>> -> memref<1x88xi32, #tpu.memory_space<hbm>>
      %dma_wait3A_314 = tpu.memref_squeeze %dma_wait3A_313 : memref<1x88xi32, #tpu.memory_space<hbm>> -> memref<88xi32, #tpu.memory_space<hbm>>
      tpu.wait_dma2 semaphore(%arg17 : memref<!tpu.dma_semaphore, #tpu.memory_space<semaphore_mem>>) src(%dma_wait3A_314 : memref<88xi32, #tpu.memory_space<hbm>>) dst(%arg9 : memref<88xi32, #tpu.memory_space<vmem>>)
      %sub3A_315 = arith.constant 3 : i32
      %sub3A_316 = arith.subi %add3A_300, %sub3A_315 : i32
      %dma_wait3A_317 = arith.constant 0 : i32
      %dma_wait3A_318 = tpu.memref_slice %arg10[%sub3A_316, %dma_wait3A_317] : memref<114x88xi32, #tpu.memory_space<vmem>> -> memref<1x88xi32, #tpu.memory_space<vmem>>
      %dma_wait3A_319 = tpu.memref_squeeze %dma_wait3A_318 : memref<1x88xi32, #tpu.memory_space<vmem>> -> memref<88xi32, #tpu.memory_space<vmem>>
      %dma_wait3A_320 = arith.constant 0 : i32
      %dma_wait3A_321 = arith.constant 0 : i32
      %dma_wait3A_322 = tpu.memref_slice %arg14[%dma_wait3A_320, %dma_wait3A_321] : memref<10008x128xf32, #tpu.memory_space<vmem_shared>> -> memref<10008x128xf32, #tpu.memory_space<vmem_shared>>
      tpu.wait_indirect_dma semaphore(%arg23 : memref<!tpu.dma_semaphore, #tpu.memory_space<semaphore_mem>>) src(%arg13 : memref<88x128xf32, #tpu.memory_space<vmem>>) dst(%dma_wait3A_322 : memref<10008x128xf32, #tpu.memory_space<vmem_shared>>)
      %dma_start3A_323 = arith.constant 0 : i32
      %dma_start3A_324 = arith.constant 0 : i32
      %dma_start3A_325 = tpu.memref_slice %arg2[%dma_start3A_323, %dma_start3A_324] : memref<20000x128xf32, #tpu.memory_space<hbm>> -> memref<20000x128xf32, #tpu.memory_space<hbm>>
      tpu.enqueue_indirect_dma source(%dma_start3A_325 : memref<20000x128xf32, #tpu.memory_space<hbm>>) target(%arg13 : memref<88x128xf32, #tpu.memory_space<vmem>>) offsets(%arg9 : memref<88xi32, #tpu.memory_space<vmem>>) semaphore(%arg20 : memref<!tpu.dma_semaphore, #tpu.memory_space<semaphore_mem>>)
      %sub3A_326 = arith.constant 1 : i32
      %sub3A_327 = arith.subi %add3A_300, %sub3A_326 : i32
      %dma_wait3A_328 = arith.constant 0 : i32
      %dma_wait3A_329 = arith.constant 0 : i32
      %dma_wait3A_330 = tpu.memref_slice %arg2[%dma_wait3A_328, %dma_wait3A_329] : memref<20000x128xf32, #tpu.memory_space<hbm>> -> memref<20000x128xf32, #tpu.memory_space<hbm>>
      tpu.wait_indirect_dma semaphore(%arg19 : memref<!tpu.dma_semaphore, #tpu.memory_space<semaphore_mem>>) src(%dma_wait3A_330 : memref<20000x128xf32, #tpu.memory_space<hbm>>) dst(%arg12 : memref<88x128xf32, #tpu.memory_space<vmem>>)
      %sub3A_331 = arith.constant 1 : i32
      %sub3A_332 = arith.subi %add3A_300, %sub3A_331 : i32
      %dma_start3A_333 = arith.constant 0 : i32
      %dma_start3A_334 = tpu.memref_slice %arg10[%sub3A_332, %dma_start3A_333] : memref<114x88xi32, #tpu.memory_space<vmem>> -> memref<1x88xi32, #tpu.memory_space<vmem>>
      %dma_start3A_335 = tpu.memref_squeeze %dma_start3A_334 : memref<1x88xi32, #tpu.memory_space<vmem>> -> memref<88xi32, #tpu.memory_space<vmem>>
      %dma_start3A_336 = arith.constant 0 : i32
      %dma_start3A_337 = arith.constant 0 : i32
      %dma_start3A_338 = tpu.memref_slice %arg14[%dma_start3A_336, %dma_start3A_337] : memref<10008x128xf32, #tpu.memory_space<vmem_shared>> -> memref<10008x128xf32, #tpu.memory_space<vmem_shared>>
      tpu.enqueue_indirect_dma source(%arg12 : memref<88x128xf32, #tpu.memory_space<vmem>>) target(%dma_start3A_338 : memref<10008x128xf32, #tpu.memory_space<vmem_shared>>) offsets(%dma_start3A_335 : memref<88xi32, #tpu.memory_space<vmem>>) semaphore(%arg22 : memref<!tpu.dma_semaphore, #tpu.memory_space<semaphore_mem>>) {add = true}
      %lt3A_339 = arith.constant 37 : i32
      %lt3A_340 = arith.cmpi slt, %scan3A_192, %lt3A_339 : i32
      %convert_element_type3A_341 = arith.extui %lt3A_340 : i1 to i32
      %cond3A_342 = arith.constant 0 : i32
      %cond3A_343 = arith.cmpi ne, %convert_element_type3A_341, %cond3A_342 : i32
      scf.if %cond3A_343 {
        %add3A_344 = arith.constant 2 : i32
        %add3A_345 = arith.addi %add3A_300, %add3A_344 : i32
        %dma_start3A_346 = arith.constant 0 : i32
        %dma_start3A_347 = arith.constant 0 : i32
        %dma_start3A_348 = tpu.memref_slice %arg3[%add3A, %dma_start3A_346, %dma_start3A_347] : memref<32x114x88xi32, #tpu.memory_space<hbm>> -> memref<1x114x88xi32, #tpu.memory_space<hbm>>
        %dma_start3A_349 = tpu.memref_squeeze %dma_start3A_348 : memref<1x114x88xi32, #tpu.memory_space<hbm>> -> memref<114x88xi32, #tpu.memory_space<hbm>>
        %dma_start3A_350 = arith.constant 0 : i32
        %dma_start3A_351 = tpu.memref_slice %dma_start3A_349[%add3A_345, %dma_start3A_350] : memref<114x88xi32, #tpu.memory_space<hbm>> -> memref<1x88xi32, #tpu.memory_space<hbm>>
        %dma_start3A_352 = tpu.memref_squeeze %dma_start3A_351 : memref<1x88xi32, #tpu.memory_space<hbm>> -> memref<88xi32, #tpu.memory_space<hbm>>
        %dma_start3A_353 = arith.constant 0 : i32
        %dma_start3A_354 = arith.constant 0 : i32
        %dma_start3A_355 = tpu.memref_slice %arg3[%add3A, %dma_start3A_353, %dma_start3A_354] : memref<32x114x88xi32, #tpu.memory_space<hbm>> -> memref<1x114x88xi32, #tpu.memory_space<hbm>>
        %dma_start3A_356 = tpu.memref_squeeze %dma_start3A_355 : memref<1x114x88xi32, #tpu.memory_space<hbm>> -> memref<114x88xi32, #tpu.memory_space<hbm>>
        %dma_start3A_357 = arith.constant 0 : i32
        %dma_start3A_358 = tpu.memref_slice %dma_start3A_356[%add3A_345, %dma_start3A_357] : memref<114x88xi32, #tpu.memory_space<hbm>> -> memref<1x88xi32, #tpu.memory_space<hbm>>
        %dma_start3A_359 = tpu.memref_squeeze %dma_start3A_358 : memref<1x88xi32, #tpu.memory_space<hbm>> -> memref<88xi32, #tpu.memory_space<hbm>>
        tpu.enqueue_dma source(%dma_start3A_359 : memref<88xi32, #tpu.memory_space<hbm>>) target(%arg8 : memref<88xi32, #tpu.memory_space<vmem>>) target_semaphore(%arg16 : memref<!tpu.dma_semaphore, #tpu.memory_space<semaphore_mem>>)
      } else {
      }
    }
    %scan3A_154 = arith.constant 37 : i32
    %dma_wait3A_155 = arith.constant 0 : i32
    %dma_wait3A_156 = arith.constant 0 : i32
    %dma_wait3A_157 = tpu.memref_slice %arg2[%dma_wait3A_155, %dma_wait3A_156] : memref<20000x128xf32, #tpu.memory_space<hbm>> -> memref<20000x128xf32, #tpu.memory_space<hbm>>
    tpu.wait_indirect_dma semaphore(%arg20 : memref<!tpu.dma_semaphore, #tpu.memory_space<semaphore_mem>>) src(%dma_wait3A_157 : memref<20000x128xf32, #tpu.memory_space<hbm>>) dst(%arg13 : memref<88x128xf32, #tpu.memory_space<vmem>>)
    %dma_start3A_158 = arith.constant 113 : i32
    %dma_start3A_159 = arith.constant 0 : i32
    %dma_start3A_160 = tpu.memref_slice %arg10[%dma_start3A_158, %dma_start3A_159] : memref<114x88xi32, #tpu.memory_space<vmem>> -> memref<1x88xi32, #tpu.memory_space<vmem>>
    %dma_start3A_161 = tpu.memref_squeeze %dma_start3A_160 : memref<1x88xi32, #tpu.memory_space<vmem>> -> memref<88xi32, #tpu.memory_space<vmem>>
    %dma_start3A_162 = arith.constant 0 : i32
    %dma_start3A_163 = arith.constant 0 : i32
    %dma_start3A_164 = tpu.memref_slice %arg14[%dma_start3A_162, %dma_start3A_163] : memref<10008x128xf32, #tpu.memory_space<vmem_shared>> -> memref<10008x128xf32, #tpu.memory_space<vmem_shared>>
    tpu.enqueue_indirect_dma source(%arg13 : memref<88x128xf32, #tpu.memory_space<vmem>>) target(%dma_start3A_164 : memref<10008x128xf32, #tpu.memory_space<vmem_shared>>) offsets(%dma_start3A_161 : memref<88xi32, #tpu.memory_space<vmem>>) semaphore(%arg23 : memref<!tpu.dma_semaphore, #tpu.memory_space<semaphore_mem>>) {add = true}
    %dma_wait3A_165 = arith.constant 111 : i32
    %dma_wait3A_166 = arith.constant 0 : i32
    %dma_wait3A_167 = tpu.memref_slice %arg10[%dma_wait3A_165, %dma_wait3A_166] : memref<114x88xi32, #tpu.memory_space<vmem>> -> memref<1x88xi32, #tpu.memory_space<vmem>>
    %dma_wait3A_168 = tpu.memref_squeeze %dma_wait3A_167 : memref<1x88xi32, #tpu.memory_space<vmem>> -> memref<88xi32, #tpu.memory_space<vmem>>
    %dma_wait3A_169 = arith.constant 0 : i32
    %dma_wait3A_170 = arith.constant 0 : i32
    %dma_wait3A_171 = tpu.memref_slice %arg14[%dma_wait3A_169, %dma_wait3A_170] : memref<10008x128xf32, #tpu.memory_space<vmem_shared>> -> memref<10008x128xf32, #tpu.memory_space<vmem_shared>>
    tpu.wait_indirect_dma semaphore(%arg21 : memref<!tpu.dma_semaphore, #tpu.memory_space<semaphore_mem>>) src(%arg11 : memref<88x128xf32, #tpu.memory_space<vmem>>) dst(%dma_wait3A_171 : memref<10008x128xf32, #tpu.memory_space<vmem_shared>>)
    %dma_wait3A_172 = arith.constant 112 : i32
    %dma_wait3A_173 = arith.constant 0 : i32
    %dma_wait3A_174 = tpu.memref_slice %arg10[%dma_wait3A_172, %dma_wait3A_173] : memref<114x88xi32, #tpu.memory_space<vmem>> -> memref<1x88xi32, #tpu.memory_space<vmem>>
    %dma_wait3A_175 = tpu.memref_squeeze %dma_wait3A_174 : memref<1x88xi32, #tpu.memory_space<vmem>> -> memref<88xi32, #tpu.memory_space<vmem>>
    %dma_wait3A_176 = arith.constant 0 : i32
    %dma_wait3A_177 = arith.constant 0 : i32
    %dma_wait3A_178 = tpu.memref_slice %arg14[%dma_wait3A_176, %dma_wait3A_177] : memref<10008x128xf32, #tpu.memory_space<vmem_shared>> -> memref<10008x128xf32, #tpu.memory_space<vmem_shared>>
    tpu.wait_indirect_dma semaphore(%arg22 : memref<!tpu.dma_semaphore, #tpu.memory_space<semaphore_mem>>) src(%arg12 : memref<88x128xf32, #tpu.memory_space<vmem>>) dst(%dma_wait3A_178 : memref<10008x128xf32, #tpu.memory_space<vmem_shared>>)
    %dma_wait3A_179 = arith.constant 113 : i32
    %dma_wait3A_180 = arith.constant 0 : i32
    %dma_wait3A_181 = tpu.memref_slice %arg10[%dma_wait3A_179, %dma_wait3A_180] : memref<114x88xi32, #tpu.memory_space<vmem>> -> memref<1x88xi32, #tpu.memory_space<vmem>>
    %dma_wait3A_182 = tpu.memref_squeeze %dma_wait3A_181 : memref<1x88xi32, #tpu.memory_space<vmem>> -> memref<88xi32, #tpu.memory_space<vmem>>
    %dma_wait3A_183 = arith.constant 0 : i32
    %dma_wait3A_184 = arith.constant 0 : i32
    %dma_wait3A_185 = tpu.memref_slice %arg14[%dma_wait3A_183, %dma_wait3A_184] : memref<10008x128xf32, #tpu.memory_space<vmem_shared>> -> memref<10008x128xf32, #tpu.memory_space<vmem_shared>>
    tpu.wait_indirect_dma semaphore(%arg23 : memref<!tpu.dma_semaphore, #tpu.memory_space<semaphore_mem>>) src(%arg13 : memref<88x128xf32, #tpu.memory_space<vmem>>) dst(%dma_wait3A_185 : memref<10008x128xf32, #tpu.memory_space<vmem_shared>>)
    %barrier3A_186 = arith.constant 0 : index
    tpu.barrier barrier_id(%barrier3A_186)
    %lt3A_187 = arith.constant 10 : i32
    %lt3A_188 = arith.cmpi slt, %arg1, %lt3A_187 : i32
    %convert_element_type3A_189 = arith.extui %lt3A_188 : i1 to i32
    %cond3A_190 = arith.constant 0 : i32
    %cond3A_191 = arith.cmpi ne, %convert_element_type3A_189, %cond3A_190 : i32
    scf.if %cond3A_191 {
      %mul3A_192 = arith.constant 1000 : i32
      %mul3A_193 = arith.muli %arg1, %mul3A_192 : i32
      %mul3A_194 = arith.constant 10000 : i32
      %mul3A_195 = arith.muli %arg0, %mul3A_194 : i32
      %mul3A_196 = arith.constant 1000 : i32
      %mul3A_197 = arith.muli %arg1, %mul3A_196 : i32
      %add3A_198 = arith.addi %mul3A_195, %mul3A_197 : i32
      "tpu.region"() ({
        %run_scoped3A = tpu.sem_alloc : memref<!tpu.dma_semaphore, #tpu.memory_space<semaphore_mem>>
        %dma_start3A_199 = arith.constant 0 : i32
        %dma_start3A_200 = tpu.memref_slice %arg6[%add3A_198, %dma_start3A_199] : memref<20000x128xf32, #tpu.memory_space<hbm>> -> memref<1000x128xf32, #tpu.memory_space<hbm>>
        %dma_start3A_201 = arith.constant 0 : i32
        %dma_start3A_202 = tpu.memref_slice %arg14[%mul3A_193, %dma_start3A_201] : memref<10008x128xf32, #tpu.memory_space<vmem_shared>> -> memref<1000x128xf32, #tpu.memory_space<vmem_shared>>
        tpu.enqueue_dma source(%dma_start3A_202 : memref<1000x128xf32, #tpu.memory_space<vmem_shared>>) target(%dma_start3A_200 : memref<1000x128xf32, #tpu.memory_space<hbm>>) target_semaphore(%run_scoped3A : memref<!tpu.dma_semaphore, #tpu.memory_space<semaphore_mem>>)
        %dma_wait3A_203 = arith.constant 0 : i32
        %dma_wait3A_204 = tpu.memref_slice %arg6[%add3A_198, %dma_wait3A_203] : memref<20000x128xf32, #tpu.memory_space<hbm>> -> memref<1000x128xf32, #tpu.memory_space<hbm>>
        %dma_wait3A_205 = arith.constant 0 : i32
        %dma_wait3A_206 = tpu.memref_slice %arg14[%mul3A_193, %dma_wait3A_205] : memref<10008x128xf32, #tpu.memory_space<vmem_shared>> -> memref<1000x128xf32, #tpu.memory_space<vmem_shared>>
        tpu.wait_dma2 semaphore(%run_scoped3A : memref<!tpu.dma_semaphore, #tpu.memory_space<semaphore_mem>>) src(%dma_wait3A_206 : memref<1000x128xf32, #tpu.memory_space<vmem_shared>>) dst(%dma_wait3A_204 : memref<1000x128xf32, #tpu.memory_space<hbm>>)
        tpu.yield
      }) : () -> ()
    } else {
    }
    return
  }
}

#map = affine_map<(d0, d1) -> (0, 0, 0)>
#map1 = affine_map<(d0, d1) -> (0, 0)>
module attributes {stable_mosaic.version = 14 : i64} {
  func.func @body(%arg0: i32, %arg1: i32, %arg2: memref<32x50x100xi32, #tpu.memory_space<hbm>>, %arg3: memref<100x128xf32, #tpu.memory_space<hbm>>, %arg4: memref<10000x128xf32, #tpu.memory_space<hbm>>, %arg5: memref<20000x128xf32, #tpu.memory_space<hbm>>, %arg6: memref<50x100xi32, #tpu.memory_space<vmem>>, %arg7: memref<100x128xf32, #tpu.memory_space<vmem>>, %arg8: memref<10000x128xf32, #tpu.memory_space<vmem_shared>>, %arg9: memref<!tpu.dma_semaphore, #tpu.memory_space<semaphore_mem>>) attributes {dimension_semantics = [#tpu.dimension_semantics<core_parallel>, #tpu.dimension_semantics<subcore_parallel>], iteration_bounds = array<i64: 2, 16>, scalar_prefetch = 0 : i64, scratch_operands = 4 : i64, tpu.core_type = #tpu.core_type<sc_vector_subcore>, window_params = [{transform_indices = #map}, {transform_indices = #map1}, {transform_indices = #map1}, {transform_indices = #map1}]} {
    %lt3A = arith.constant 10 : i32
    %lt3A_0 = arith.cmpi slt, %arg1, %lt3A : i32
    %convert_element_type3A = arith.extui %lt3A_0 : i1 to i32
    %cond3A = arith.constant 0 : i32
    %cond3A_1 = arith.cmpi ne, %convert_element_type3A, %cond3A : i32
    scf.if %cond3A_1 {
      %mul3A_20 = arith.constant 1000 : i32
      %mul3A_21 = arith.muli %arg1, %mul3A_20 : i32
      %mul3A_22 = arith.constant 1000 : i32
      %mul3A_23 = arith.muli %arg1, %mul3A_22 : i32
      "tpu.region"() ({
        %run_scoped3A = tpu.sem_alloc : memref<!tpu.dma_semaphore, #tpu.memory_space<semaphore_mem>>
        %dma_start3A = arith.constant 0 : i32
        %dma_start3A_24 = tpu.memref_slice %arg8[%mul3A_23, %dma_start3A] : memref<10000x128xf32, #tpu.memory_space<vmem_shared>> -> memref<1000x128xf32, #tpu.memory_space<vmem_shared>>
        %dma_start3A_25 = arith.constant 0 : i32
        %dma_start3A_26 = tpu.memref_slice %arg4[%mul3A_21, %dma_start3A_25] : memref<10000x128xf32, #tpu.memory_space<hbm>> -> memref<1000x128xf32, #tpu.memory_space<hbm>>
        tpu.enqueue_dma source(%dma_start3A_26 : memref<1000x128xf32, #tpu.memory_space<hbm>>) target(%dma_start3A_24 : memref<1000x128xf32, #tpu.memory_space<vmem_shared>>) target_semaphore(%run_scoped3A : memref<!tpu.dma_semaphore, #tpu.memory_space<semaphore_mem>>)
        %dma_wait3A = arith.constant 0 : i32
        %dma_wait3A_27 = tpu.memref_slice %arg8[%mul3A_23, %dma_wait3A] : memref<10000x128xf32, #tpu.memory_space<vmem_shared>> -> memref<1000x128xf32, #tpu.memory_space<vmem_shared>>
        %dma_wait3A_28 = arith.constant 0 : i32
        %dma_wait3A_29 = tpu.memref_slice %arg4[%mul3A_21, %dma_wait3A_28] : memref<10000x128xf32, #tpu.memory_space<hbm>> -> memref<1000x128xf32, #tpu.memory_space<hbm>>
        tpu.wait_dma2 semaphore(%run_scoped3A : memref<!tpu.dma_semaphore, #tpu.memory_space<semaphore_mem>>) src(%dma_wait3A_29 : memref<1000x128xf32, #tpu.memory_space<hbm>>) dst(%dma_wait3A_27 : memref<1000x128xf32, #tpu.memory_space<vmem_shared>>)
        tpu.yield
      }) : () -> ()
    } else {
    }
    "tpu.region"() ({
      %run_scoped3A = tpu.sem_alloc : memref<!tpu.dma_semaphore, #tpu.memory_space<semaphore_mem>>
      tpu.enqueue_dma source(%arg3 : memref<100x128xf32, #tpu.memory_space<hbm>>) target(%arg7 : memref<100x128xf32, #tpu.memory_space<vmem>>) target_semaphore(%run_scoped3A : memref<!tpu.dma_semaphore, #tpu.memory_space<semaphore_mem>>)
      tpu.wait_dma2 semaphore(%run_scoped3A : memref<!tpu.dma_semaphore, #tpu.memory_space<semaphore_mem>>) src(%arg3 : memref<100x128xf32, #tpu.memory_space<hbm>>) dst(%arg7 : memref<100x128xf32, #tpu.memory_space<vmem>>)
      tpu.yield
    }) : () -> ()
    %mul3A = arith.constant 16 : i32
    %mul3A_2 = arith.muli %arg0, %mul3A : i32
    %add3A = arith.addi %mul3A_2, %arg1 : i32
    "tpu.region"() ({
      %run_scoped3A = tpu.sem_alloc : memref<!tpu.dma_semaphore, #tpu.memory_space<semaphore_mem>>
      %dma_start3A = arith.constant 0 : i32
      %dma_start3A_20 = arith.constant 0 : i32
      %dma_start3A_21 = tpu.memref_slice %arg2[%add3A, %dma_start3A, %dma_start3A_20] : memref<32x50x100xi32, #tpu.memory_space<hbm>> -> memref<1x50x100xi32, #tpu.memory_space<hbm>>
      %dma_start3A_22 = tpu.memref_squeeze %dma_start3A_21 : memref<1x50x100xi32, #tpu.memory_space<hbm>> -> memref<50x100xi32, #tpu.memory_space<hbm>>
      %dma_start3A_23 = arith.constant 0 : i32
      %dma_start3A_24 = arith.constant 0 : i32
      %dma_start3A_25 = tpu.memref_slice %arg2[%add3A, %dma_start3A_23, %dma_start3A_24] : memref<32x50x100xi32, #tpu.memory_space<hbm>> -> memref<1x50x100xi32, #tpu.memory_space<hbm>>
      %dma_start3A_26 = tpu.memref_squeeze %dma_start3A_25 : memref<1x50x100xi32, #tpu.memory_space<hbm>> -> memref<50x100xi32, #tpu.memory_space<hbm>>
      tpu.enqueue_dma source(%dma_start3A_26 : memref<50x100xi32, #tpu.memory_space<hbm>>) target(%arg6 : memref<50x100xi32, #tpu.memory_space<vmem>>) target_semaphore(%run_scoped3A : memref<!tpu.dma_semaphore, #tpu.memory_space<semaphore_mem>>)
      %dma_wait3A = arith.constant 0 : i32
      %dma_wait3A_27 = arith.constant 0 : i32
      %dma_wait3A_28 = tpu.memref_slice %arg2[%add3A, %dma_wait3A, %dma_wait3A_27] : memref<32x50x100xi32, #tpu.memory_space<hbm>> -> memref<1x50x100xi32, #tpu.memory_space<hbm>>
      %dma_wait3A_29 = tpu.memref_squeeze %dma_wait3A_28 : memref<1x50x100xi32, #tpu.memory_space<hbm>> -> memref<50x100xi32, #tpu.memory_space<hbm>>
      %dma_wait3A_30 = arith.constant 0 : i32
      %dma_wait3A_31 = arith.constant 0 : i32
      %dma_wait3A_32 = tpu.memref_slice %arg2[%add3A, %dma_wait3A_30, %dma_wait3A_31] : memref<32x50x100xi32, #tpu.memory_space<hbm>> -> memref<1x50x100xi32, #tpu.memory_space<hbm>>
      %dma_wait3A_33 = tpu.memref_squeeze %dma_wait3A_32 : memref<1x50x100xi32, #tpu.memory_space<hbm>> -> memref<50x100xi32, #tpu.memory_space<hbm>>
      tpu.wait_dma2 semaphore(%run_scoped3A : memref<!tpu.dma_semaphore, #tpu.memory_space<semaphore_mem>>) src(%dma_wait3A_33 : memref<50x100xi32, #tpu.memory_space<hbm>>) dst(%arg6 : memref<50x100xi32, #tpu.memory_space<vmem>>)
      tpu.yield
    }) : () -> ()
    %barrier3A = arith.constant 0 : index
    tpu.barrier barrier_id(%barrier3A)
    %scan3A = arith.constant 0 : i32
    %scan3A_3 = arith.constant 0 : i32
    %scan3A_4 = arith.constant 50 : i32
    %scan3A_5 = arith.addi %scan3A_3, %scan3A_4 : i32
    %scan3A_6 = arith.constant 1 : i32
    scf.for %scan3A_20 = %scan3A_3 to %scan3A_5 step %scan3A_6  : i32 {
      %dma_start3A = arith.constant 0 : i32
      %dma_start3A_21 = tpu.memref_slice %arg6[%scan3A_20, %dma_start3A] : memref<50x100xi32, #tpu.memory_space<vmem>> -> memref<1x100xi32, #tpu.memory_space<vmem>>
      %dma_start3A_22 = tpu.memref_squeeze %dma_start3A_21 : memref<1x100xi32, #tpu.memory_space<vmem>> -> memref<100xi32, #tpu.memory_space<vmem>>
      %dma_start3A_23 = arith.constant 0 : i32
      %dma_start3A_24 = arith.constant 0 : i32
      %dma_start3A_25 = tpu.memref_slice %arg8[%dma_start3A_23, %dma_start3A_24] : memref<10000x128xf32, #tpu.memory_space<vmem_shared>> -> memref<10000x128xf32, #tpu.memory_space<vmem_shared>>
      tpu.enqueue_indirect_dma source(%arg7 : memref<100x128xf32, #tpu.memory_space<vmem>>) target(%dma_start3A_25 : memref<10000x128xf32, #tpu.memory_space<vmem_shared>>) offsets(%dma_start3A_22 : memref<100xi32, #tpu.memory_space<vmem>>) semaphore(%arg9 : memref<!tpu.dma_semaphore, #tpu.memory_space<semaphore_mem>>) {add = true}
    }
    %scan3A_7 = arith.constant 50 : i32
    %scan3A_8 = arith.constant 0 : i32
    %scan3A_9 = arith.constant 0 : i32
    %scan3A_10 = arith.constant 50 : i32
    %scan3A_11 = arith.addi %scan3A_9, %scan3A_10 : i32
    %scan3A_12 = arith.constant 1 : i32
    scf.for %scan3A_20 = %scan3A_9 to %scan3A_11 step %scan3A_12  : i32 {
      %dma_wait3A = arith.constant 0 : i32
      %dma_wait3A_21 = tpu.memref_slice %arg6[%scan3A_20, %dma_wait3A] : memref<50x100xi32, #tpu.memory_space<vmem>> -> memref<1x100xi32, #tpu.memory_space<vmem>>
      %dma_wait3A_22 = tpu.memref_squeeze %dma_wait3A_21 : memref<1x100xi32, #tpu.memory_space<vmem>> -> memref<100xi32, #tpu.memory_space<vmem>>
      %dma_wait3A_23 = arith.constant 0 : i32
      %dma_wait3A_24 = arith.constant 0 : i32
      %dma_wait3A_25 = tpu.memref_slice %arg8[%dma_wait3A_23, %dma_wait3A_24] : memref<10000x128xf32, #tpu.memory_space<vmem_shared>> -> memref<10000x128xf32, #tpu.memory_space<vmem_shared>>
      tpu.wait_indirect_dma semaphore(%arg9 : memref<!tpu.dma_semaphore, #tpu.memory_space<semaphore_mem>>) src(%arg7 : memref<100x128xf32, #tpu.memory_space<vmem>>) dst(%dma_wait3A_25 : memref<10000x128xf32, #tpu.memory_space<vmem_shared>>)
    }
    %scan3A_13 = arith.constant 50 : i32
    %barrier3A_14 = arith.constant 0 : index
    tpu.barrier barrier_id(%barrier3A_14)
    %lt3A_15 = arith.constant 10 : i32
    %lt3A_16 = arith.cmpi slt, %arg1, %lt3A_15 : i32
    %convert_element_type3A_17 = arith.extui %lt3A_16 : i1 to i32
    %cond3A_18 = arith.constant 0 : i32
    %cond3A_19 = arith.cmpi ne, %convert_element_type3A_17, %cond3A_18 : i32
    scf.if %cond3A_19 {
      %mul3A_20 = arith.constant 1000 : i32
      %mul3A_21 = arith.muli %arg1, %mul3A_20 : i32
      %mul3A_22 = arith.constant 10000 : i32
      %mul3A_23 = arith.muli %arg0, %mul3A_22 : i32
      %mul3A_24 = arith.constant 1000 : i32
      %mul3A_25 = arith.muli %arg1, %mul3A_24 : i32
      %add3A_26 = arith.addi %mul3A_23, %mul3A_25 : i32
      "tpu.region"() ({
        %run_scoped3A = tpu.sem_alloc : memref<!tpu.dma_semaphore, #tpu.memory_space<semaphore_mem>>
        %dma_start3A = arith.constant 0 : i32
        %dma_start3A_27 = tpu.memref_slice %arg5[%add3A_26, %dma_start3A] : memref<20000x128xf32, #tpu.memory_space<hbm>> -> memref<1000x128xf32, #tpu.memory_space<hbm>>
        %dma_start3A_28 = arith.constant 0 : i32
        %dma_start3A_29 = tpu.memref_slice %arg8[%mul3A_21, %dma_start3A_28] : memref<10000x128xf32, #tpu.memory_space<vmem_shared>> -> memref<1000x128xf32, #tpu.memory_space<vmem_shared>>
        tpu.enqueue_dma source(%dma_start3A_29 : memref<1000x128xf32, #tpu.memory_space<vmem_shared>>) target(%dma_start3A_27 : memref<1000x128xf32, #tpu.memory_space<hbm>>) target_semaphore(%run_scoped3A : memref<!tpu.dma_semaphore, #tpu.memory_space<semaphore_mem>>)
        %dma_wait3A = arith.constant 0 : i32
        %dma_wait3A_30 = tpu.memref_slice %arg5[%add3A_26, %dma_wait3A] : memref<20000x128xf32, #tpu.memory_space<hbm>> -> memref<1000x128xf32, #tpu.memory_space<hbm>>
        %dma_wait3A_31 = arith.constant 0 : i32
        %dma_wait3A_32 = tpu.memref_slice %arg8[%mul3A_21, %dma_wait3A_31] : memref<10000x128xf32, #tpu.memory_space<vmem_shared>> -> memref<1000x128xf32, #tpu.memory_space<vmem_shared>>
        tpu.wait_dma2 semaphore(%run_scoped3A : memref<!tpu.dma_semaphore, #tpu.memory_space<semaphore_mem>>) src(%dma_wait3A_32 : memref<1000x128xf32, #tpu.memory_space<vmem_shared>>) dst(%dma_wait3A_30 : memref<1000x128xf32, #tpu.memory_space<hbm>>)
        tpu.yield
      }) : () -> ()
    } else {
    }
    return
  }
}

module attributes {stable_mosaic.version = 14 : i64} {
  func.func @_k1a_body(%arg0: i32, %arg1: memref<2000x256xf32, #tpu.memory_space<vmem>>, %arg2: memref<256x256xf32, #tpu.memory_space<vmem>>, %arg3: memref<2000x256xf32, #tpu.memory_space<vmem>>) attributes {dimension_semantics = [#tpu.dimension_semantics<arbitrary>], iteration_bounds = array<i64: 5>, scalar_prefetch = 0 : i64, scratch_operands = 0 : i64, tpu.core_type = #tpu.core_type<tc>, window_params = [{transform_indices = @transform_0, window_bounds = array<i64: 2000, 256>}, {pipeline_mode = #tpu.pipeline_mode<synchronous>, transform_indices = @transform_1, window_bounds = array<i64: 256, 256>}, {transform_indices = @transform_2, window_bounds = array<i64: 2000, 256>}]} {
    %get3A = arith.constant 0 : index
    %get3A_0 = arith.constant 0 : index
    %get3A_1 = vector.load %arg1[%get3A, %get3A_0] : memref<2000x256xf32, #tpu.memory_space<vmem>>, vector<2000x256xf32>
    %get3A_2 = arith.constant 0 : index
    %get3A_3 = arith.constant 0 : index
    %get3A_4 = vector.load %arg2[%get3A_2, %get3A_3] : memref<256x256xf32, #tpu.memory_space<vmem>>, vector<256x256xf32>
    %dot_general3A = arith.constant dense<0.000000e+00> : vector<2000x256xf32>
    %dot_general3A_5 = tpu.matmul %get3A_1, %get3A_4, %dot_general3A {dimension_numbers = #tpu.dot_dimension_numbers<[1], [0], [0], [1], [0, 0, 1, 1], [], []>, transpose_lhs_hint = false} : vector<2000x256xf32>, vector<256x256xf32>, vector<2000x256xf32> -> vector<2000x256xf32>
    %swap3A = arith.constant 0 : index
    %swap3A_6 = arith.constant 0 : index
    %swap3A_7 = vector.load %arg3[%swap3A, %swap3A_6] : memref<2000x256xf32, #tpu.memory_space<vmem>>, vector<2000x256xf32>
    tpu.vector_store %arg3[%swap3A, %swap3A_6], %dot_general3A_5 {strides = array<i32>} : memref<2000x256xf32, #tpu.memory_space<vmem>>, vector<2000x256xf32>,
    return
  }
  func.func @transform_0(%arg0: i32) -> (i32, i32) {
    %c0_i32 = arith.constant 0 : i32
    %c0_i32_0 = arith.constant 0 : i32
    return %arg0, %c0_i32 : i32, i32
  }
  func.func @transform_1(%arg0: i32) -> (i32, i32) {
    %c0_i32 = arith.constant 0 : i32
    %c0_i32_0 = arith.constant 0 : i32
    %c0_i32_1 = arith.constant 0 : i32
    return %c0_i32, %c0_i32_0 : i32, i32
  }
  func.func @transform_2(%arg0: i32) -> (i32, i32) {
    %c0_i32 = arith.constant 0 : i32
    %c0_i32_0 = arith.constant 0 : i32
    return %arg0, %c0_i32 : i32, i32
  }
}

module attributes {stable_mosaic.version = 14 : i64} {
  func.func @_k1b_body(%arg0: i32, %arg1: memref<2000x256xf32, #tpu.memory_space<vmem>>, %arg2: memref<2x2000x128xf32, #tpu.memory_space<vmem>>, %arg3: memref<2x2000x128xf32, #tpu.memory_space<vmem>>) attributes {dimension_semantics = [#tpu.dimension_semantics<arbitrary>], iteration_bounds = array<i64: 5>, scalar_prefetch = 0 : i64, scratch_operands = 0 : i64, tpu.core_type = #tpu.core_type<tc>, window_params = [{transform_indices = @transform_0, window_bounds = array<i64: 2000, 256>}, {transform_indices = @transform_1, window_bounds = array<i64: 2, 2000, 128>}, {transform_indices = @transform_2, window_bounds = array<i64: 2, 2000, 128>}]} {
    %get3A = arith.constant 0 : index
    %get3A_0 = arith.constant 0 : index
    %get3A_1 = arith.constant 0 : index
    %get3A_2 = vector.load %arg2[%get3A, %get3A_0, %get3A_1] : memref<2x2000x128xf32, #tpu.memory_space<vmem>>, vector<2x2000x128xf32>
    %slice3A = vector.extract_strided_slice %get3A_2 {offsets = [0, 0, 0], sizes = [1, 2000, 1], strides = [1, 1, 1]} : vector<2x2000x128xf32> to vector<1x2000x1xf32>
    %squeeze3A = vector.shape_cast %slice3A : vector<1x2000x1xf32> to vector<2000x1xf32>
    %add3A = arith.constant 1.000000e+00 : f32
    %add3A_3 = vector.broadcast %add3A : f32 to vector<2000x1xf32>
    %add3A_4 = arith.addf %add3A_3, %squeeze3A : vector<2000x1xf32>
    %slice3A_5 = vector.extract_strided_slice %get3A_2 {offsets = [1, 0, 0], sizes = [1, 2000, 1], strides = [1, 1, 1]} : vector<2x2000x128xf32> to vector<1x2000x1xf32>
    %squeeze3A_6 = vector.shape_cast %slice3A_5 : vector<1x2000x1xf32> to vector<2000x1xf32>
    %add3A_7 = arith.addf %add3A_4, %squeeze3A_6 : vector<2000x1xf32>
    %rsqrt3A = math.rsqrt %add3A_7 : vector<2000x1xf32>
    %get3A_8 = arith.constant 0 : index
    %get3A_9 = arith.constant 0 : index
    %get3A_10 = vector.load %arg1[%get3A_8, %get3A_9] : memref<2000x256xf32, #tpu.memory_space<vmem>>, vector<2000x256xf32>
    %mul3A = vector.broadcast %rsqrt3A : vector<2000x1xf32> to vector<2000x256xf32>
    %mul3A_11 = arith.mulf %mul3A, %get3A_10 : vector<2000x256xf32>
    %slice3A_12 = vector.extract_strided_slice %mul3A_11 {offsets = [0, 0], sizes = [2000, 128], strides = [1, 1]} : vector<2000x256xf32> to vector<2000x128xf32>
    %swap3A = arith.constant 0 : index
    %swap3A_13 = arith.constant 0 : index
    %swap3A_14 = arith.constant 0 : index
    %swap3A_15 = vector.load %arg3[%swap3A, %swap3A_13, %swap3A_14] : memref<2x2000x128xf32, #tpu.memory_space<vmem>>, vector<1x2000x128xf32>
    %swap3A_16 = vector.shape_cast %swap3A_15 : vector<1x2000x128xf32> to vector<2000x128xf32>
    %swap3A_17 = vector.shape_cast %slice3A_12 : vector<2000x128xf32> to vector<1x2000x128xf32>
    tpu.vector_store %arg3[%swap3A, %swap3A_13, %swap3A_14], %swap3A_17 {strides = array<i32>} : memref<2x2000x128xf32, #tpu.memory_space<vmem>>, vector<1x2000x128xf32>,
    %slice3A_18 = vector.extract_strided_slice %mul3A_11 {offsets = [0, 128], sizes = [2000, 128], strides = [1, 1]} : vector<2000x256xf32> to vector<2000x128xf32>
    %swap3A_19 = arith.constant 1 : index
    %swap3A_20 = arith.constant 0 : index
    %swap3A_21 = arith.constant 0 : index
    %swap3A_22 = vector.load %arg3[%swap3A_19, %swap3A_20, %swap3A_21] : memref<2x2000x128xf32, #tpu.memory_space<vmem>>, vector<1x2000x128xf32>
    %swap3A_23 = vector.shape_cast %swap3A_22 : vector<1x2000x128xf32> to vector<2000x128xf32>
    %swap3A_24 = vector.shape_cast %slice3A_18 : vector<2000x128xf32> to vector<1x2000x128xf32>
    tpu.vector_store %arg3[%swap3A_19, %swap3A_20, %swap3A_21], %swap3A_24 {strides = array<i32>} : memref<2x2000x128xf32, #tpu.memory_space<vmem>>, vector<1x2000x128xf32>,
    return
  }
  func.func @transform_0(%arg0: i32) -> (i32, i32) {
    %c0_i32 = arith.constant 0 : i32
    %c0_i32_0 = arith.constant 0 : i32
    return %arg0, %c0_i32 : i32, i32
  }
  func.func @transform_1(%arg0: i32) -> (i32, i32, i32) {
    %c0_i32 = arith.constant 0 : i32
    %c0_i32_0 = arith.constant 0 : i32
    %c0_i32_1 = arith.constant 0 : i32
    return %c0_i32, %arg0, %c0_i32_0 : i32, i32, i32
  }
  func.func @transform_2(%arg0: i32) -> (i32, i32, i32) {
    %c0_i32 = arith.constant 0 : i32
    %c0_i32_0 = arith.constant 0 : i32
    %c0_i32_1 = arith.constant 0 : i32
    return %c0_i32, %arg0, %c0_i32_0 : i32, i32, i32
  }
}

module attributes {stable_mosaic.version = 14 : i64} {
  func.func @_k2_body(%arg0: i32, %arg1: memref<2000x256xf32, #tpu.memory_space<vmem>>, %arg2: memref<2x2000x128xf32, #tpu.memory_space<vmem>>, %arg3: memref<2x2000x128xf32, #tpu.memory_space<vmem>>, %arg4: memref<1x256xf32, #tpu.memory_space<vmem>>, %arg5: memref<256x256xf32, #tpu.memory_space<vmem>>, %arg6: memref<2000x256xf32, #tpu.memory_space<vmem>>, %arg7: memref<2x2000x128xf32, #tpu.memory_space<vmem>>) attributes {dimension_semantics = [#tpu.dimension_semantics<arbitrary>], iteration_bounds = array<i64: 5>, scalar_prefetch = 0 : i64, scratch_operands = 0 : i64, tpu.core_type = #tpu.core_type<tc>, window_params = [{transform_indices = @transform_0, window_bounds = array<i64: 2000, 256>}, {transform_indices = @transform_1, window_bounds = array<i64: 2, 2000, 128>}, {transform_indices = @transform_2, window_bounds = array<i64: 2, 2000, 128>}, {pipeline_mode = #tpu.pipeline_mode<synchronous>, transform_indices = @transform_3, window_bounds = array<i64: 1, 256>}, {pipeline_mode = #tpu.pipeline_mode<synchronous>, transform_indices = @transform_4, window_bounds = array<i64: 256, 256>}, {transform_indices = @transform_5, window_bounds = array<i64: 2000, 256>}, {transform_indices = @transform_6, window_bounds = array<i64: 2, 2000, 128>}]} {
    %get3A = arith.constant 0 : index
    %get3A_0 = arith.constant 0 : index
    %get3A_1 = arith.constant 0 : index
    %get3A_2 = vector.load %arg2[%get3A, %get3A_0, %get3A_1] : memref<2x2000x128xf32, #tpu.memory_space<vmem>>, vector<1x2000x128xf32>
    %get3A_3 = vector.shape_cast %get3A_2 : vector<1x2000x128xf32> to vector<2000x128xf32>
    %get3A_4 = arith.constant 1 : index
    %get3A_5 = arith.constant 0 : index
    %get3A_6 = arith.constant 0 : index
    %get3A_7 = vector.load %arg2[%get3A_4, %get3A_5, %get3A_6] : memref<2x2000x128xf32, #tpu.memory_space<vmem>>, vector<1x2000x128xf32>
    %get3A_8 = vector.shape_cast %get3A_7 : vector<1x2000x128xf32> to vector<2000x128xf32>
    %concatenate3A = tpu.concatenate %get3A_3, %get3A_8 in 1 : vector<2000x128xf32>, vector<2000x128xf32> -> vector<2000x256xf32>
    %get3A_9 = arith.constant 0 : index
    %get3A_10 = arith.constant 0 : index
    %get3A_11 = arith.constant 0 : index
    %get3A_12 = vector.load %arg3[%get3A_9, %get3A_10, %get3A_11] : memref<2x2000x128xf32, #tpu.memory_space<vmem>>, vector<2x2000x128xf32>
    %slice3A = vector.extract_strided_slice %get3A_12 {offsets = [0, 0, 0], sizes = [1, 2000, 1], strides = [1, 1, 1]} : vector<2x2000x128xf32> to vector<1x2000x1xf32>
    %squeeze3A = vector.shape_cast %slice3A : vector<1x2000x1xf32> to vector<2000x1xf32>
    %add3A = arith.constant 1.000000e+00 : f32
    %add3A_13 = vector.broadcast %add3A : f32 to vector<2000x1xf32>
    %add3A_14 = arith.addf %add3A_13, %squeeze3A : vector<2000x1xf32>
    %slice3A_15 = vector.extract_strided_slice %get3A_12 {offsets = [1, 0, 0], sizes = [1, 2000, 1], strides = [1, 1, 1]} : vector<2x2000x128xf32> to vector<1x2000x1xf32>
    %squeeze3A_16 = vector.shape_cast %slice3A_15 : vector<1x2000x1xf32> to vector<2000x1xf32>
    %add3A_17 = arith.addf %add3A_14, %squeeze3A_16 : vector<2000x1xf32>
    %rsqrt3A = math.rsqrt %add3A_17 : vector<2000x1xf32>
    %div3A = arith.constant 1.000000e+00 : f32
    %div3A_18 = vector.broadcast %div3A : f32 to vector<2000x1xf32>
    %div3A_19 = arith.divf %div3A_18, %add3A_17 : vector<2000x1xf32>
    %mul3A = vector.broadcast %rsqrt3A : vector<2000x1xf32> to vector<2000x256xf32>
    %mul3A_20 = arith.mulf %mul3A, %concatenate3A : vector<2000x256xf32>
    %get3A_21 = arith.constant 0 : index
    %get3A_22 = arith.constant 0 : index
    %get3A_23 = vector.load %arg1[%get3A_21, %get3A_22] : memref<2000x256xf32, #tpu.memory_space<vmem>>, vector<2000x256xf32>
    %mul3A_24 = vector.broadcast %div3A_19 : vector<2000x1xf32> to vector<2000x256xf32>
    %mul3A_25 = arith.mulf %mul3A_24, %get3A_23 : vector<2000x256xf32>
    %add3A_26 = arith.addf %mul3A_20, %mul3A_25 : vector<2000x256xf32>
    %get3A_27 = arith.constant 0 : index
    %get3A_28 = arith.constant 0 : index
    %get3A_29 = vector.load %arg4[%get3A_27, %get3A_28] : memref<1x256xf32, #tpu.memory_space<vmem>>, vector<1x256xf32>
    %add3A_30 = vector.broadcast %get3A_29 : vector<1x256xf32> to vector<2000x256xf32>
    %add3A_31 = arith.addf %add3A_26, %add3A_30 : vector<2000x256xf32>
    %max3A = arith.constant 0.000000e+00 : f32
    %max3A_32 = vector.broadcast %max3A : f32 to vector<2000x256xf32>
    %max3A_33 = arith.maximumf %add3A_31, %max3A_32 : vector<2000x256xf32>
    %get3A_34 = arith.constant 0 : index
    %get3A_35 = arith.constant 0 : index
    %get3A_36 = vector.load %arg5[%get3A_34, %get3A_35] : memref<256x256xf32, #tpu.memory_space<vmem>>, vector<256x256xf32>
    %dot_general3A = arith.constant dense<0.000000e+00> : vector<2000x256xf32>
    %dot_general3A_37 = tpu.matmul %max3A_33, %get3A_36, %dot_general3A {dimension_numbers = #tpu.dot_dimension_numbers<[1], [0], [0], [1], [0, 0, 1, 1], [], []>, transpose_lhs_hint = false} : vector<2000x256xf32>, vector<256x256xf32>, vector<2000x256xf32> -> vector<2000x256xf32>
    %swap3A = arith.constant 0 : index
    %swap3A_38 = arith.constant 0 : index
    %swap3A_39 = vector.load %arg6[%swap3A, %swap3A_38] : memref<2000x256xf32, #tpu.memory_space<vmem>>, vector<2000x256xf32>
    tpu.vector_store %arg6[%swap3A, %swap3A_38], %dot_general3A_37 {strides = array<i32>} : memref<2000x256xf32, #tpu.memory_space<vmem>>, vector<2000x256xf32>,
    %mul3A_40 = vector.broadcast %rsqrt3A : vector<2000x1xf32> to vector<2000x256xf32>
    %mul3A_41 = arith.mulf %mul3A_40, %dot_general3A_37 : vector<2000x256xf32>
    %slice3A_42 = vector.extract_strided_slice %mul3A_41 {offsets = [0, 0], sizes = [2000, 128], strides = [1, 1]} : vector<2000x256xf32> to vector<2000x128xf32>
    %swap3A_43 = arith.constant 0 : index
    %swap3A_44 = arith.constant 0 : index
    %swap3A_45 = arith.constant 0 : index
    %swap3A_46 = vector.load %arg7[%swap3A_43, %swap3A_44, %swap3A_45] : memref<2x2000x128xf32, #tpu.memory_space<vmem>>, vector<1x2000x128xf32>
    %swap3A_47 = vector.shape_cast %swap3A_46 : vector<1x2000x128xf32> to vector<2000x128xf32>
    %swap3A_48 = vector.shape_cast %slice3A_42 : vector<2000x128xf32> to vector<1x2000x128xf32>
    tpu.vector_store %arg7[%swap3A_43, %swap3A_44, %swap3A_45], %swap3A_48 {strides = array<i32>} : memref<2x2000x128xf32, #tpu.memory_space<vmem>>, vector<1x2000x128xf32>,
    %slice3A_49 = vector.extract_strided_slice %mul3A_41 {offsets = [0, 128], sizes = [2000, 128], strides = [1, 1]} : vector<2000x256xf32> to vector<2000x128xf32>
    %swap3A_50 = arith.constant 1 : index
    %swap3A_51 = arith.constant 0 : index
    %swap3A_52 = arith.constant 0 : index
    %swap3A_53 = vector.load %arg7[%swap3A_50, %swap3A_51, %swap3A_52] : memref<2x2000x128xf32, #tpu.memory_space<vmem>>, vector<1x2000x128xf32>
    %swap3A_54 = vector.shape_cast %swap3A_53 : vector<1x2000x128xf32> to vector<2000x128xf32>
    %swap3A_55 = vector.shape_cast %slice3A_49 : vector<2000x128xf32> to vector<1x2000x128xf32>
    tpu.vector_store %arg7[%swap3A_50, %swap3A_51, %swap3A_52], %swap3A_55 {strides = array<i32>} : memref<2x2000x128xf32, #tpu.memory_space<vmem>>, vector<1x2000x128xf32>,
    return
  }
  func.func @transform_0(%arg0: i32) -> (i32, i32) {
    %c0_i32 = arith.constant 0 : i32
    %c0_i32_0 = arith.constant 0 : i32
    return %arg0, %c0_i32 : i32, i32
  }
  func.func @transform_1(%arg0: i32) -> (i32, i32, i32) {
    %c0_i32 = arith.constant 0 : i32
    %c0_i32_0 = arith.constant 0 : i32
    %c0_i32_1 = arith.constant 0 : i32
    return %c0_i32, %arg0, %c0_i32_0 : i32, i32, i32
  }
  func.func @transform_2(%arg0: i32) -> (i32, i32, i32) {
    %c0_i32 = arith.constant 0 : i32
    %c0_i32_0 = arith.constant 0 : i32
    %c0_i32_1 = arith.constant 0 : i32
    return %c0_i32, %arg0, %c0_i32_0 : i32, i32, i32
  }
  func.func @transform_3(%arg0: i32) -> (i32, i32) {
    %c0_i32 = arith.constant 0 : i32
    %c0_i32_0 = arith.constant 0 : i32
    %c0_i32_1 = arith.constant 0 : i32
    return %c0_i32, %c0_i32_0 : i32, i32
  }
  func.func @transform_4(%arg0: i32) -> (i32, i32) {
    %c0_i32 = arith.constant 0 : i32
    %c0_i32_0 = arith.constant 0 : i32
    %c0_i32_1 = arith.constant 0 : i32
    return %c0_i32, %c0_i32_0 : i32, i32
  }
  func.func @transform_5(%arg0: i32) -> (i32, i32) {
    %c0_i32 = arith.constant 0 : i32
    %c0_i32_0 = arith.constant 0 : i32
    return %arg0, %c0_i32 : i32, i32
  }
  func.func @transform_6(%arg0: i32) -> (i32, i32, i32) {
    %c0_i32 = arith.constant 0 : i32
    %c0_i32_0 = arith.constant 0 : i32
    %c0_i32_1 = arith.constant 0 : i32
    return %c0_i32, %arg0, %c0_i32_0 : i32, i32, i32
  }
}

module attributes {stable_mosaic.version = 14 : i64} {
  func.func @_k3_body(%arg0: i32, %arg1: memref<2000x256xf32, #tpu.memory_space<vmem>>, %arg2: memref<2x2000x128xf32, #tpu.memory_space<vmem>>, %arg3: memref<2x2000x128xf32, #tpu.memory_space<vmem>>, %arg4: memref<1x256xf32, #tpu.memory_space<vmem>>, %arg5: memref<256x1xf32, #tpu.memory_space<vmem>>, %arg6: memref<1x1xf32, #tpu.memory_space<vmem>>, %arg7: memref<2000x256xf32, #tpu.memory_space<vmem>>, %arg8: memref<2000x1xf32, #tpu.memory_space<vmem>>) attributes {dimension_semantics = [#tpu.dimension_semantics<arbitrary>], iteration_bounds = array<i64: 5>, scalar_prefetch = 0 : i64, scratch_operands = 0 : i64, tpu.core_type = #tpu.core_type<tc>, window_params = [{transform_indices = @transform_0, window_bounds = array<i64: 2000, 256>}, {transform_indices = @transform_1, window_bounds = array<i64: 2, 2000, 128>}, {transform_indices = @transform_2, window_bounds = array<i64: 2, 2000, 128>}, {pipeline_mode = #tpu.pipeline_mode<synchronous>, transform_indices = @transform_3, window_bounds = array<i64: 1, 256>}, {pipeline_mode = #tpu.pipeline_mode<synchronous>, transform_indices = @transform_4, window_bounds = array<i64: 256, 1>}, {pipeline_mode = #tpu.pipeline_mode<synchronous>, transform_indices = @transform_5, window_bounds = array<i64: 1, 1>}, {transform_indices = @transform_6, window_bounds = array<i64: 2000, 256>}, {transform_indices = @transform_7, window_bounds = array<i64: 2000, 1>}]} {
    %get3A = arith.constant 0 : index
    %get3A_0 = arith.constant 0 : index
    %get3A_1 = arith.constant 0 : index
    %get3A_2 = vector.load %arg2[%get3A, %get3A_0, %get3A_1] : memref<2x2000x128xf32, #tpu.memory_space<vmem>>, vector<1x2000x128xf32>
    %get3A_3 = vector.shape_cast %get3A_2 : vector<1x2000x128xf32> to vector<2000x128xf32>
    %get3A_4 = arith.constant 1 : index
    %get3A_5 = arith.constant 0 : index
    %get3A_6 = arith.constant 0 : index
    %get3A_7 = vector.load %arg2[%get3A_4, %get3A_5, %get3A_6] : memref<2x2000x128xf32, #tpu.memory_space<vmem>>, vector<1x2000x128xf32>
    %get3A_8 = vector.shape_cast %get3A_7 : vector<1x2000x128xf32> to vector<2000x128xf32>
    %concatenate3A = tpu.concatenate %get3A_3, %get3A_8 in 1 : vector<2000x128xf32>, vector<2000x128xf32> -> vector<2000x256xf32>
    %get3A_9 = arith.constant 0 : index
    %get3A_10 = arith.constant 0 : index
    %get3A_11 = arith.constant 0 : index
    %get3A_12 = vector.load %arg3[%get3A_9, %get3A_10, %get3A_11] : memref<2x2000x128xf32, #tpu.memory_space<vmem>>, vector<2x2000x128xf32>
    %slice3A = vector.extract_strided_slice %get3A_12 {offsets = [0, 0, 0], sizes = [1, 2000, 1], strides = [1, 1, 1]} : vector<2x2000x128xf32> to vector<1x2000x1xf32>
    %squeeze3A = vector.shape_cast %slice3A : vector<1x2000x1xf32> to vector<2000x1xf32>
    %add3A = arith.constant 1.000000e+00 : f32
    %add3A_13 = vector.broadcast %add3A : f32 to vector<2000x1xf32>
    %add3A_14 = arith.addf %add3A_13, %squeeze3A : vector<2000x1xf32>
    %slice3A_15 = vector.extract_strided_slice %get3A_12 {offsets = [1, 0, 0], sizes = [1, 2000, 1], strides = [1, 1, 1]} : vector<2x2000x128xf32> to vector<1x2000x1xf32>
    %squeeze3A_16 = vector.shape_cast %slice3A_15 : vector<1x2000x1xf32> to vector<2000x1xf32>
    %add3A_17 = arith.addf %add3A_14, %squeeze3A_16 : vector<2000x1xf32>
    %rsqrt3A = math.rsqrt %add3A_17 : vector<2000x1xf32>
    %div3A = arith.constant 1.000000e+00 : f32
    %div3A_18 = vector.broadcast %div3A : f32 to vector<2000x1xf32>
    %div3A_19 = arith.divf %div3A_18, %add3A_17 : vector<2000x1xf32>
    %mul3A = vector.broadcast %rsqrt3A : vector<2000x1xf32> to vector<2000x256xf32>
    %mul3A_20 = arith.mulf %mul3A, %concatenate3A : vector<2000x256xf32>
    %get3A_21 = arith.constant 0 : index
    %get3A_22 = arith.constant 0 : index
    %get3A_23 = vector.load %arg1[%get3A_21, %get3A_22] : memref<2000x256xf32, #tpu.memory_space<vmem>>, vector<2000x256xf32>
    %mul3A_24 = vector.broadcast %div3A_19 : vector<2000x1xf32> to vector<2000x256xf32>
    %mul3A_25 = arith.mulf %mul3A_24, %get3A_23 : vector<2000x256xf32>
    %add3A_26 = arith.addf %mul3A_20, %mul3A_25 : vector<2000x256xf32>
    %get3A_27 = arith.constant 0 : index
    %get3A_28 = arith.constant 0 : index
    %get3A_29 = vector.load %arg4[%get3A_27, %get3A_28] : memref<1x256xf32, #tpu.memory_space<vmem>>, vector<1x256xf32>
    %add3A_30 = vector.broadcast %get3A_29 : vector<1x256xf32> to vector<2000x256xf32>
    %add3A_31 = arith.addf %add3A_26, %add3A_30 : vector<2000x256xf32>
    %swap3A = arith.constant 0 : index
    %swap3A_32 = arith.constant 0 : index
    %swap3A_33 = vector.load %arg7[%swap3A, %swap3A_32] : memref<2000x256xf32, #tpu.memory_space<vmem>>, vector<2000x256xf32>
    tpu.vector_store %arg7[%swap3A, %swap3A_32], %add3A_31 {strides = array<i32>} : memref<2000x256xf32, #tpu.memory_space<vmem>>, vector<2000x256xf32>,
    %get3A_34 = arith.constant 0 : index
    %get3A_35 = arith.constant 0 : index
    %get3A_36 = vector.load %arg5[%get3A_34, %get3A_35] : memref<256x1xf32, #tpu.memory_space<vmem>>, vector<256x1xf32>
    %dot_general3A = arith.constant dense<0.000000e+00> : vector<2000x1xf32>
    %dot_general3A_37 = tpu.matmul %add3A_31, %get3A_36, %dot_general3A {dimension_numbers = #tpu.dot_dimension_numbers<[1], [0], [0], [1], [0, 0, 1, 1], [], []>, transpose_lhs_hint = false} : vector<2000x256xf32>, vector<256x1xf32>, vector<2000x1xf32> -> vector<2000x1xf32>
    %get3A_38 = arith.constant 0 : index
    %get3A_39 = arith.constant 0 : index
    %get3A_40 = vector.load %arg6[%get3A_38, %get3A_39] : memref<1x1xf32, #tpu.memory_space<vmem>>, vector<1x1xf32>
    %add3A_41 = vector.broadcast %get3A_40 : vector<1x1xf32> to vector<2000x1xf32>
    %add3A_42 = arith.addf %dot_general3A_37, %add3A_41 : vector<2000x1xf32>
    %swap3A_43 = arith.constant 0 : index
    %swap3A_44 = arith.constant 0 : index
    %swap3A_45 = vector.load %arg8[%swap3A_43, %swap3A_44] : memref<2000x1xf32, #tpu.memory_space<vmem>>, vector<2000x1xf32>
    tpu.vector_store %arg8[%swap3A_43, %swap3A_44], %add3A_42 {strides = array<i32>} : memref<2000x1xf32, #tpu.memory_space<vmem>>, vector<2000x1xf32>,
    return
  }
  func.func @transform_0(%arg0: i32) -> (i32, i32) {
    %c0_i32 = arith.constant 0 : i32
    %c0_i32_0 = arith.constant 0 : i32
    return %arg0, %c0_i32 : i32, i32
  }
  func.func @transform_1(%arg0: i32) -> (i32, i32, i32) {
    %c0_i32 = arith.constant 0 : i32
    %c0_i32_0 = arith.constant 0 : i32
    %c0_i32_1 = arith.constant 0 : i32
    return %c0_i32, %arg0, %c0_i32_0 : i32, i32, i32
  }
  func.func @transform_2(%arg0: i32) -> (i32, i32, i32) {
    %c0_i32 = arith.constant 0 : i32
    %c0_i32_0 = arith.constant 0 : i32
    %c0_i32_1 = arith.constant 0 : i32
    return %c0_i32, %arg0, %c0_i32_0 : i32, i32, i32
  }
  func.func @transform_3(%arg0: i32) -> (i32, i32) {
    %c0_i32 = arith.constant 0 : i32
    %c0_i32_0 = arith.constant 0 : i32
    %c0_i32_1 = arith.constant 0 : i32
    return %c0_i32, %c0_i32_0 : i32, i32
  }
  func.func @transform_4(%arg0: i32) -> (i32, i32) {
    %c0_i32 = arith.constant 0 : i32
    %c0_i32_0 = arith.constant 0 : i32
    %c0_i32_1 = arith.constant 0 : i32
    return %c0_i32, %c0_i32_0 : i32, i32
  }
  func.func @transform_5(%arg0: i32) -> (i32, i32) {
    %c0_i32 = arith.constant 0 : i32
    %c0_i32_0 = arith.constant 0 : i32
    %c0_i32_1 = arith.constant 0 : i32
    return %c0_i32, %c0_i32_0 : i32, i32
  }
  func.func @transform_6(%arg0: i32) -> (i32, i32) {
    %c0_i32 = arith.constant 0 : i32
    %c0_i32_0 = arith.constant 0 : i32
    return %arg0, %c0_i32 : i32, i32
  }
  func.func @transform_7(%arg0: i32) -> (i32, i32) {
    %c0_i32 = arith.constant 0 : i32
    %c0_i32_0 = arith.constant 0 : i32
    return %arg0, %c0_i32 : i32, i32
  }
}

</mosaic_0001>

<sc_bundles>
// kernel: kernel.12.cloned.1.call-start
scs
__scs_entry_jumppad:
0x0: {  	(pc) =	sbr.rel $0x88, $3  }
0x1: {  	(tag) =	ssettag $0x0;
	lr =	simm.s32 $0x1  }
0x2: {  	[smem:$0x3F99] =	sst lr;
	_ =	strace $0xD0000000  }
0x3: {  	_ = 	snop  }
0x4: {  	_ = 	snop  }
0x5: {  	_ = 	snop  }
0x6: {  	_ = 	snop  }
0x7: {  	_ = 	snop  }
__scs_overlays_trampoline_lowered:
0x8: {  	[smem:$0x3FA8] =	sst s0  }
0x9: {  	[smem:$0x3FA9] =	sst s1  }
0xa: {  	[smem:$0x3FAA] =	sst s2  }
0xb: {  	[smem:$0x3FAB] =	sst s3  }
0xc: {  	[smem:$0x3FAC] =	sst s4  }
0xd: {  	[smem:$0x3FAD] =	sst s5  }
0xe: {  	[smem:$0x3FAE] =	sst s6  }
0xf: {  	[smem:$0x3FAF] =	sst s7  }
0x10: {  	[smem:$0x3FB0] =	sst s8  }
0x11: {  	[smem:$0x3FB1] =	sst s9;
	s0 =	simm.s32 @!p0 $0x0  }
0x12: {  	s1 =	sld [smem:$0x3F97];
	s0 =	simm.s32 @p0 $0x1  }
0x13: {  	[smem:$0x3FB2] =	sst s0;
	s0 =	simm.s32 @!p1 $0x0  }
0x14: {  	s2 =	sld [smem:$0x3F96];
	s0 =	simm.s32 @p1 $0x1  }
0x15: {  	[smem:$0x3FB3] =	sst s0;
	s0 =	simm.s32 @!p2 $0x0  }
0x16: {  	s3 =	sld [smem:$0x3FDB];
	s0 =	simm.s32 @p2 $0x1  }
0x17: {  	s4 =	simm.s32 $0x1BF5;
	[smem:$0x3FB5] =	sst s0  }
0x18: {  	s0 =	sld [smem:$0x3F98];
	_ =	swait.ge [sflag:s4], $0x0  }
0x19: {  	s7 =	sld [smem:$0x3F99]  }
0x1a: {  	s8 =	sadd.s32 $0xFFFFE003, lr  }
0x1b: {  	s9 =	sadd.s32 $0xFFFFFEF7, lr;
	s5 =	simm.s32 $0xFFFFFFFF;
	p2 =	slt.u32 s8, $0xFFFFF086  }
0x1c: {  	p1 =	slt.u32 s9, $0xF7A;
	s5 =	simm.s32 @!p2 $0x0  }
0x1d: {  	s5 =	simm.s32 @p1 $0x1;
	p0 =	seq.s32 s7, s2  }
0x1e: {  	s7 =	smul.u32 @!p0 $0xF7A, s2;
	p2 =	seq.s32 @!p0 s5, $0x0  }
0x1f: {  	s9 =	smul.u32 $0xF7A, s1;
	s8 =	simm.s32 @!p0 $0x1BF5;
	p2 =	por !p2, p0  }
0x20: {  	[sflag:s8] =	ssyncset.s32 @!p0 $0xFFFFF086;
	s6 =	sadd.s32 @!p0 s3, s7;
	s7 =	simm.s32 @!p0 $0x108  }
0x21: {  	s3 =	sadd.s32 s3, s9;
	s6 =	sadd.s32 @!p0 $0x88, s6;
	s7 =	simm.s32 @p2 $0x1082  }
0x22: {  	[simem:s7], [sflag:s8] =	dma.local @!p0 [hbm:s6], $0xF7A  }
0x23: {  	s9 =	sor.u32 $0xD0000000, s2;
	s6 =	simm.s32 $0x108;
	_ =	swait.ge @!p0 [sflag:s8], $0x0  }
0x24: {  	s3 =	sadd.s32 $0x88, s3;
	s6 =	simm.s32 @!p1 $0x1082;
	[sflag:s4] =	ssyncset.s32 $0xFFFFF086  }
0x25: {  	[simem:s6], [sflag:s4] =	dma.local [hbm:s3], $0xF7A  }
0x26: {  	[smem:$0x3F99] =	sst s1;
	(tag) =	ssettag s2;
	_ =	strace s9  }
0x27: {  	s1 =	sld [smem:$0x3FA9]  }
0x28: {  	s2 =	sld [smem:$0x3FAA]  }
0x29: {  	s4 =	sld [smem:$0x3FAC]  }
0x2a: {  	p0 =	seq.s32 s5, $0x0;
	s5 =	sld [smem:$0x3FAD]  }
0x2b: {  	s6 =	sld [smem:$0x3FAE]  }
0x2c: {  	s7 =	sld [smem:$0x3FAF]  }
0x2d: {  	s3 =	simm.s32 $0x108;
	s8 =	sld [smem:$0x3FB0]  }
0x2e: {  	s3 =	simm.s32 @!p0 $0x1082;
	s9 =	sld [smem:$0x3FB1]  }
0x2f: {  	lr =	sadd.s32 s0, s3;
	s0 =	sld [smem:$0x3FA8]  }
0x30: {  	s3 =	sld [smem:$0x3FAB]  }
0x31: {  	[smem:$0x3FB4] =	sst s10  }
0x32: {  	s10 =	sld [smem:$0x3FB2];
	_ =	sdelay $0x3  }
0x33: {  	p0 =	seq.s32 s10, $0x1;
	s10 =	sld [smem:$0x3FB4];
	_ =	sdelay $0x3  }
0x34: {  	[smem:$0x3FB4] =	sst s10  }
0x35: {  	s10 =	sld [smem:$0x3FB3];
	_ =	sdelay $0x3  }
0x36: {  	p1 =	seq.s32 s10, $0x1;
	s10 =	sld [smem:$0x3FB4];
	_ =	sdelay $0x3  }
0x37: {  	[smem:$0x3FB4] =	sst s10  }
0x38: {  	s10 =	sld [smem:$0x3FB5]  }
0x39: {  	_ = 	snop;
	(pc) =	sbr.ind lr, $3  }
0x3a: {  	_ = 	snop  }
0x3b: {  	_ = 	snop  }
0x3c: {  	p2 =	seq.s32 s10, $0x1;
	s10 =	sld [smem:$0x3FB4]  }
0x3d: {  	_ =	shalt  }
0x3e: {  	_ =	shalt  }
0x3f: {  	_ =	shalt  }
0x40: {  	_ =	shalt  }
0x41: {  	_ =	shalt  }
0x42: {  	_ =	shalt  }
0x43: {  	_ =	shalt  }
0x44: {  	_ =	shalt  }
0x45: {  	_ =	shalt  }
0x46: {  	_ =	shalt  }
0x47: {  	_ =	shalt  }
0x48: {  	_ =	shalt  }
0x49: {  	_ =	shalt  }
0x4a: {  	_ =	shalt  }
0x4b: {  	_ =	shalt  }
0x4c: {  	_ =	shalt  }
0x4d: {  	_ =	shalt  }
0x4e: {  	_ =	shalt  }
0x4f: {  	_ =	shalt  }
0x50: {  	_ =	shalt  }
0x51: {  	_ =	shalt  }
0x52: {  	_ =	shalt  }
0x53: {  	_ =	shalt  }
0x54: {  	_ =	shalt  }
0x55: {  	_ =	shalt  }
0x56: {  	_ =	shalt  }
0x57: {  	_ =	shalt  }
0x58: {  	_ =	shalt  }
0x59: {  	_ =	shalt  }
0x5a: {  	_ =	shalt  }
0x5b: {  	_ =	shalt  }
0x5c: {  	_ =	shalt  }
0x5d: {  	_ =	shalt  }
0x5e: {  	_ =	shalt  }
0x5f: {  	_ =	shalt  }
0x60: {  	_ =	shalt  }
0x61: {  	_ =	shalt  }
0x62: {  	_ =	shalt  }
0x63: {  	_ =	shalt  }
0x64: {  	_ =	shalt  }
0x65: {  	_ =	shalt  }
0x66: {  	_ =	shalt  }
0x67: {  	_ =	shalt  }
0x68: {  	_ =	shalt  }
0x69: {  	_ =	shalt  }
0x6a: {  	_ =	shalt  }
0x6b: {  	_ =	shalt  }
0x6c: {  	_ =	shalt  }
0x6d: {  	_ =	shalt  }
0x6e: {  	_ =	shalt  }
0x6f: {  	_ =	shalt  }
0x70: {  	_ =	shalt  }
0x71: {  	_ =	shalt  }
0x72: {  	_ =	shalt  }
0x73: {  	_ =	shalt  }
0x74: {  	_ =	shalt  }
0x75: {  	_ =	shalt  }
0x76: {  	_ =	shalt  }
0x77: {  	_ =	shalt  }
0x78: {  	_ =	shalt  }
0x79: {  	_ =	shalt  }
0x7a: {  	_ =	shalt  }
0x7b: {  	_ =	shalt  }
0x7c: {  	_ =	shalt  }
0x7d: {  	_ =	shalt  }
0x7e: {  	_ =	shalt  }
0x7f: {  	_ =	shalt  }
0x80: {  	_ =	shalt  }
0x81: {  	_ =	shalt  }
0x82: {  	_ =	shalt  }
0x83: {  	_ =	shalt  }
0x84: {  	_ =	shalt  }
0x85: {  	_ =	shalt  }
0x86: {  	_ =	shalt  }
0x87: {  	_ =	shalt  }
.Lfunc_end0:
.L_simem_size_0:
called_computation.1_lowered:
.L_overlay_start_0:
0x88: {  	s2 =	sld [smem:$0x3FD9]  }
0x89: {  	s3 =	sld [smem:$0x3FFE];
	_ =	sdelay $0x1  }
0x8a: {  	s1 =	srdreg.scid  }
0x8b: {  	s0 =	sand.u32 $0x1, s1  }
0x8c: {  	s16 =	sshll.u32 s0, $0xA;
	s2 =	sadd.s32 s3, s2  }
0x8d: {  	s2 =	sadd.s32 s2, s16  }
0x8e: {  	[smem:$0x3FC0] =	sst s2  }
0x8f: {  	_ = 	snop  }
0x90: {  	(tm) =	ssettm $0x1  }
0x91: {  	s17 =	sld [smem:$0x3FFB];
	_ =	sdelay $0x3  }
0x92: {  	_ =	strace s17  }
0x93: {  	s2 =	sld [smem:$0x3FFC];
	_ =	sdelay $0x3  }
0x94: {  	_ =	strace s2  }
0x95: {  	s2 =	sld [smem:$0x3FFD];
	_ =	sdelay $0x3  }
0x96: {  	_ =	strace s2  }
0x97: {  	_ =	strace $0x8FFFFFFF  }
0x98: {  	s18 =	sld [smem:$0x3FDB];
	_ =	sdelay $0x1  }
0x99: {  	s19 =	simm.s32 $_scs_section_size  }
0x9a: {  	s4 =	simm.s32 $_size__tile_overlayer_lowered;
	s5 =	simm.s32 $_tile_overlayer_lowered  }
0x9b: {  	s22 =	simm.s32 $0x1BFF;
	s21 =	sshll.u32 s5, $0x1;
	s2 =	sadd.s32 s19, s18  }
0x9c: {  	s6 =	simm.s32 $0x0;
	s20 =	sshll.u32 s4, $0x1;
	s4 =	sadd.s32 s21, s2  }
0x9d: {  	[timem:s6], [sflag:s22] =	dma.local [hbm:s4], s20  }
0x9e: {  	_ =	swait.ge [sflag:s22], s20  }
0x9f: {  	s3 =	ssub.s32 $0x0, s20;
	[sflag:s22] =	ssyncset.done $0x0  }
0xa0: {  	[sflag:s22] =	ssyncadd.s32 s3;
	_ =	sdelay $0x1  }
0xa1: {  	s23 =	simm.s32 $0x1B8B  }
0xa2: {  	_ =	swait.ge [sflag:s23], $0x1  }
0xa3: {  	[sflag:s23] =	ssyncset.done $0x0  }
0xa4: {  	s25 =	simm.s32 $0x1B8E;
	s24 =	sld [smem:$0x3FFE];
	[sflag:s23] =	ssyncadd.s32 $0xFFFFFFFF  }
0xa5: {  	s26 =	simm.s32 $execute0_lowered;
	[smem:$0x3FD2] =	sst s25  }
0xa6: {  	s4 =	sshll.u32 s26, $0x1;
	_ =	strace $0x80000049;
	[dreg:$0x1] =	wrdreg $0xFFFFFFFF  }
0xa7: {  	s28 =	simm.s32 $_size_execute0_lowered;
	s2 =	sadd.s32 s2, s4;
	[dreg:$0x0] =	wrdreg $0x0  }
0xa8: {  	s4 =	sshll.u32 s28, $0x1;
	[dreg:$0x2] =	wrdreg s2  }
0xa9: {  	[dreg:$0x3] =	wrdreg s4  }
0xaa: {  	[dreg:$0x4] =	wrdreg $0xC0  }
0xab: {  	_ =	task [dreg:s6], $0x5FFFF  }
0xac: {  	[dreg:$0x1] =	wrdreg $0xFFFFFFFF  }
0xad: {  	[dreg:$0x0] =	wrdreg $0x60  }
0xae: {  	[dreg:$0x2] =	wrdreg s24  }
0xaf: {  	[dreg:$0x3] =	wrdreg $0xC1800  }
0xb0: {  	[dreg:$0x4] =	wrdreg $0x9  }
0xb1: {  	_ =	task.clear_ibuf [dreg:s6], $0x5FFFF;
	_ =	strace $0x90000049  }
0xb2: {  	s29 =	simm.s32 $0x9;
	_ =	strace $0x8000004B  }
0xb3: {  	_ =	swait.ge [sflag:s29], $0x1  }
0xb4: {  	[sflag:s29] =	ssyncadd.s32 $0xFFFFFFFF  }
0xb5: {  	_ =	strace $0x9000004B  }
0xb6: {  	_ =	sfence  }
0xb7: {  	s30 =	sld [smem:$0x0];
	_ =	sdelay $0x2  }
0xb8: {  	s31 =	sshll.u32 s1, $0xD;
	s1 =	sshrl.u32 s1, $0x2  }
0xb9: {  	s3 =	sand.u32 $0x4000, s31;
	s1 =	sadd.s32 s1, s30  }
0xba: {  	s0 =	sor.u32 s3, s0;
	s1 =	sshll.u32 s1, $0x11  }
0xbb: {  	s0 =	sor.u32 s1, s0  }
0xbc: {  	s0 =	sadd.s32 $0x8F2B, s0  }
0xbd: {  	[sflag:s0] =	ssyncadd.remote.s32 $0x1  }
0xbe: {  	_ =	sfence.sel $0xFFFF  }
0xbf: {  	[dreg:$0x0] =	wrdreg $0xFFFFFFFF;
	(pc) =	sbr.abs _section_cstart, $3  }
0xc0: {  	[dreg:$0x1] =	wrdreg $0xFFFFFFFF  }
0xc1: {  	_ =	task.clear_ibuf [dreg:s6], $0x2FFFF;
	_ =	strace $0x9FFFFFFF  }
0xc2: {  	(tm) =	ssettm $0x7FFFFFFF  }
0xc3: {  	_ =	shalt  }
tec
execute0_lowered:
.L_overlay_start_1:
0x0: {  	(tag) =	ssettag $0x1  }
0x1: {  	s0 =	srdreg.scid;
	s1 =	rddreg [dreg:$0x0]  }
0x2: {  	s12 =	stileid.u32;
	s2 =	rddreg [dreg:$0x1];
	s13 =	simm.s32 $0xA  }
0x3: {  	s15 =	simm.s32 $0x80;
	s16 =	simm.s32 $0x1;
	s17 =	simm.s32 $0x58  }
0x4: {  	s18 =	simm.s32 $0x3D80;
	s20 =	simm.s32 $0x100;
	s21 =	simm.s32 $0x2  }
0x5: {  	s22 =	simm.s32 $0x6980;
	s23 =	simm.s32 $0x4;
	s28 =	simm.s32 $0x5  }
0x6: {  	s30 =	simm.s32 $0x7;
	s31 =	simm.s32 $0x6;
	s6 =	smul.u32 $0x780, s12  }
0x7: {  	s29 =	simm.s32 $0x0;
	s0 =	sand.u32 $0x1, s0;
	s7 =	smul.u32 $0x3E80, s12  }
0x8: {  	s9 =	smul.u32 $0x7D000, s12;
	p0 =	sgt.u32 s12, $0x9;
	s3 =	sshll.u32 s0, $0x4  }
0x9: {  	s8 =	smul.u32 $0x27100, s0;
	s0 =	ssub.s32 $0x2, s0;
	s4 =	sor.u32 s12, s3  }
0xa: {  	s3 =	simm.s32 $0x0;
	s6 =	sadd.s32 s6, s1;
	s10 =	sadd.s32 s7, s1  }
0xb: {  	s24 =	sshrl.u32 s0, $0x1;
	s25 =	sshrl.u32 s9, $0x2;
	s5 =	smul.u32 $0x780, s4  }
0xc: {  	[smem:$0x7FF] =	sst s3;
	s4 =	sadd.s32 $0x95A00, s1;
	s7 =	sadd.s32 s7, s8  }
0xd: {  	s0 =	ssub.s32 s0, s24;
	s11 =	sadd.s32 s25, s2;
	s26 =	sadd.s32 $0x9600, s10  }
0xe: {  	s6 =	sadd.s32 $0x8E200, s6;
	_ =	strace $0x8000004A;
	[dreg:$0x3] =	wrdreg s26  }
0xf: {  	s25 =	simm.s32 $0x3;
	[dreg:$0x4] =	wrdreg s6;
	s0 =	smax.u32 s0, $0x1  }
0x10: {  	s11 =	sshrl.u32 @!p0 s11, $0x3;
	s26 =	simm.s32 $0x9580;
	s5 =	sadd.s32 s5, s1  }
0x11: {  	s1 =	sadd.s32 s7, s1;
	[dreg:$0x6] =	wrdreg s0;
	s0 =	simm.s32 $0x9  }
0x12: {  	s7 =	sadd.s32 $0x7F200, s5;
	s5 =	sshll.u32 @!p0 s12, $0x6;
	s1 =	sadd.s32 $0xE3C00, s1  }
0x13: {  	[dreg:$0x5] =	wrdreg s1;
	s10 =	sor.u32 @!p0 $0x1C0A, s5;
	s14 =	sadd.s32 $0x10, s7  }
0x14: {  	s19 =	sadd.s32 $0x20, s7;
	s24 =	sadd.s32 $0x30, s7;
	s1 =	simm.s32 $0x8  }
.LBB2_1:
0x15: {  	s5 =	rddreg [dreg:$0x3]  }
0x16: {  	[spmem:s11], [sflag:s10] =	dma.local @!p0 [hbm:s5], $0x3E80  }
0x17: {  	s5 =	simm.s32 @!p0 $0xA  }
0x18: {  	_ =	swait.ge @!p0 [sflag:s5], $0x3E80  }
0x19: {  	[sflag:s5] =	ssyncset.done @!p0 $0x0  }
0x1a: {  	s6 =	simm.s32 $0x180;
	s12 =	rddreg [dreg:$0x4];
	[sflag:s5] =	ssyncadd.s32 @!p0 $0xFFFFC180  }
0x1b: {  	[tilespmem:s6], [sflag:$0xA] =	stream.linear.gather [hbm4b:s12+s3], $0x3900, $0x38;
	[tilespmem:$0x1FA40] =	vst v63  }
0x1c: {  	_ =	swait.ge [sflag:s13], $0x3900  }
0x1d: {  	[sflag:s13] =	ssyncset.done $0x0  }
0x1e: {  	[sflag:s13] =	ssyncadd.s32 $0xFFFFC700  }
0x1f: {  	[bflag:$0x0] =	sbarrier.arrive $0xFFFF  }
0x20: {  	[tilespmem:s3], [sflag:$0x1] =	stream.linear.gather [hbm4b:s7+s3], $0x80, $0x38;
	[tilespmem:$0x1FA40] =	vst v63  }
0x21: {  	_ = 	snop  }
0x22: {  	[tilespmem:s15], [sflag:$0x2] =	stream.linear.gather [hbm4b:s14+s3], $0x80, $0x38;
	[tilespmem:$0x1FA40] =	vst v63  }
0x23: {  	_ =	swait.ge [sflag:s16], $0x80  }
0x24: {  	[sflag:s16] =	ssyncset.done $0x0  }
0x25: {  	[sflag:s16] =	ssyncadd.s32 $0xFFFFFF80  }
0x26: {  	[tilespmem:s18], [sflag:$0x4] =	stream.indirect.gather [hbm4b:s4+s17], $0x80, s3, s17, $0xb8;
	[tilespmem:$0x1FA40] =	vst v63  }
0x27: {  	_ = 	snop  }
0x28: {  	[tilespmem:s20], [sflag:$0x3] =	stream.linear.gather [hbm4b:s19+s3], $0x80, $0x38;
	[tilespmem:$0x1FA40] =	vst v63  }
0x29: {  	_ =	swait.ge [sflag:s21], $0x80  }
0x2a: {  	[sflag:s21] =	ssyncset.done $0x0  }
0x2b: {  	[sflag:s21] =	ssyncadd.s32 $0xFFFFFF80  }
0x2c: {  	[tilespmem:s22], [sflag:$0x5] =	stream.indirect.gather [hbm4b:s4+s17], $0x80, s15, s17, $0xb8;
	[tilespmem:$0x1FA40] =	vst v63  }
0x2d: {  	_ =	swait.ge [sflag:s23], $0x2C00  }
0x2e: {  	[sflag:s23] =	ssyncset.done $0x0  }
0x2f: {  	[sflag:s23] =	ssyncadd.s32 $0xFFFFD400  }
0x30: {  	[spmem:s2] =	stream.indirect.scatter.add.f32 [tilespmem:s18], [sflag:$0x7], $0x80, s6, s17, $0xb8;
	[tilespmem:$0x1FA40] =	vst v63  }
0x31: {  	_ = 	snop  }
0x32: {  	[tilespmem:s3], [sflag:$0x1] =	stream.linear.gather [hbm4b:s24+s3], $0x80, $0x38;
	[tilespmem:$0x1FA40] =	vst v63  }
0x33: {  	_ =	swait.ge [sflag:s25], $0x80  }
0x34: {  	[sflag:s25] =	ssyncset.done $0x0  }
0x35: {  	[sflag:s25] =	ssyncadd.s32 $0xFFFFFF80  }
0x36: {  	[tilespmem:s26], [sflag:$0x6] =	stream.indirect.gather [hbm4b:s4+s17], $0x80, s20, s17, $0xb8;
	[tilespmem:$0x1FA40] =	vst v63  }
0x37: {  	_ =	swait.ge [sflag:s28], $0x2C00  }
0x38: {  	[sflag:s28] =	ssyncset.done $0x0  }
0x39: {  	s6 =	simm.s32 $0x200;
	[sflag:s28] =	ssyncadd.s32 $0xFFFFD400  }
0x3a: {  	[spmem:s2] =	stream.indirect.scatter.add.f32 [tilespmem:s22], [sflag:$0x8], $0x80, s6, s17, $0xb8;
	[tilespmem:$0x1FA40] =	vst v63  }
0x3b: {  	s8 =	sadd.s32 $0x40, s7  }
0x3c: {  	[tilespmem:s15], [sflag:$0x2] =	stream.linear.gather [hbm4b:s8+s3], $0x80, $0x38;
	[tilespmem:$0x1FA40] =	vst v63  }
0x3d: {  	_ =	swait.ge [sflag:s16], $0x80  }
0x3e: {  	[sflag:s16] =	ssyncset.done $0x0  }
0x3f: {  	[sflag:s16] =	ssyncadd.s32 $0xFFFFFF80  }
0x40: {  	_ =	swait.ge [sflag:s30], $0x2C00  }
0x41: {  	[sflag:s30] =	ssyncset.done $0x0  }
0x42: {  	[sflag:s30] =	ssyncadd.s32 $0xFFFFD400  }
0x43: {  	[tilespmem:s18], [sflag:$0x4] =	stream.indirect.gather [hbm4b:s4+s17], $0x80, s3, s17, $0xb8;
	[tilespmem:$0x1FA40] =	vst v63  }
0x44: {  	_ =	swait.ge [sflag:s31], $0x2C00  }
0x45: {  	[sflag:s31] =	ssyncset.done $0x0  }
0x46: {  	s9 =	simm.s32 $0x280;
	s5 =	sadd.s32 $0x70, s7;
	[sflag:s31] =	ssyncadd.s32 $0xFFFFD400  }
0x47: {  	[spmem:s2] =	stream.indirect.scatter.add.f32 [tilespmem:s26], [sflag:$0x9], $0x80, s9, s17, $0xb8;
	[tilespmem:$0x1FA40] =	vst v63  }
0x48: {  	s12 =	sadd.s32 $0xFFFFFFE0, s5  }
0x49: {  	[tilespmem:s20], [sflag:$0x3] =	stream.linear.gather [hbm4b:s12+s3], $0x80, $0x38;
	[tilespmem:$0x1FA40] =	vst v63  }
0x4a: {  	_ =	swait.ge [sflag:s21], $0x80  }
0x4b: {  	[sflag:s21] =	ssyncset.done $0x0  }
0x4c: {  	[sflag:s21] =	ssyncadd.s32 $0xFFFFFF80  }
0x4d: {  	_ =	swait.ge [sflag:s1], $0x2C00  }
0x4e: {  	[sflag:s1] =	ssyncset.done $0x0  }
0x4f: {  	[sflag:s1] =	ssyncadd.s32 $0xFFFFD400  }
0x50: {  	[tilespmem:s22], [sflag:$0x5] =	stream.indirect.gather [hbm4b:s4+s17], $0x80, s15, s17, $0xb8;
	[tilespmem:$0x1FA40] =	vst v63  }
0x51: {  	_ =	swait.ge [sflag:s23], $0x2C00  }
0x52: {  	[sflag:s23] =	ssyncset.done $0x0  }
0x53: {  	s8 =	simm.s32 $0x300;
	[sflag:s23] =	ssyncadd.s32 $0xFFFFD400  }
0x54: {  	[spmem:s2] =	stream.indirect.scatter.add.f32 [tilespmem:s18], [sflag:$0x7], $0x80, s8, s17, $0xb8;
	[tilespmem:$0x1FA40] =	vst v63  }
0x55: {  	s9 =	sadd.s32 $0xFFFFFFF0, s5  }
0x56: {  	[tilespmem:s3], [sflag:$0x1] =	stream.linear.gather [hbm4b:s9+s3], $0x80, $0x38;
	[tilespmem:$0x1FA40] =	vst v63  }
0x57: {  	_ =	swait.ge [sflag:s25], $0x80  }
0x58: {  	[sflag:s25] =	ssyncset.done $0x0  }
0x59: {  	[sflag:s25] =	ssyncadd.s32 $0xFFFFFF80  }
0x5a: {  	_ =	swait.ge [sflag:s0], $0x2C00  }
0x5b: {  	[sflag:s0] =	ssyncset.done $0x0  }
0x5c: {  	[sflag:s0] =	ssyncadd.s32 $0xFFFFD400  }
0x5d: {  	[tilespmem:s26], [sflag:$0x6] =	stream.indirect.gather [hbm4b:s4+s17], $0x80, s20, s17, $0xb8;
	[tilespmem:$0x1FA40] =	vst v63  }
0x5e: {  	_ =	swait.ge [sflag:s28], $0x2C00  }
0x5f: {  	[sflag:s28] =	ssyncset.done $0x0  }
0x60: {  	s12 =	simm.s32 $0x380;
	[sflag:s28] =	ssyncadd.s32 $0xFFFFD400  }
0x61: {  	[spmem:s2] =	stream.indirect.scatter.add.f32 [tilespmem:s22], [sflag:$0x8], $0x80, s12, s17, $0xb8;
	[tilespmem:$0x1FA40] =	vst v63  }
0x62: {  	s6 =	simm.s32 $0x600;
	s12 =	sadd.s32 $0x30, s5  }
.LBB2_2:
0x63: {  	[tilespmem:s15], [sflag:$0x2] =	stream.linear.gather [hbm4b:s5+s3], $0x80, $0x38;
	[tilespmem:$0x1FA40] =	vst v63  }
0x64: {  	s8 =	smov.u32 s6;
	s5 =	smov.u32 s12  }
0x65: {  	p1 =	sne.s32 s6, $0xD200;
	s6 =	sadd.s32 $0x600, s6;
	_ =	swait.ge [sflag:s16], $0x80  }
0x66: {  	[sflag:s16] =	ssyncset.done $0x0  }
0x67: {  	[sflag:s16] =	ssyncadd.s32 $0xFFFFFF80  }
0x68: {  	_ =	swait.ge [sflag:s30], $0x2C00  }
0x69: {  	[sflag:s30] =	ssyncset.done $0x0  }
0x6a: {  	[sflag:s30] =	ssyncadd.s32 $0xFFFFD400  }
0x6b: {  	[tilespmem:s18], [sflag:$0x4] =	stream.indirect.gather [hbm4b:s4+s17], $0x80, s3, s17, $0xb8;
	[tilespmem:$0x1FA40] =	vst v63  }
0x6c: {  	_ =	swait.ge [sflag:s31], $0x2C00  }
0x6d: {  	s8 =	sshra.s32 s8, $0x2;
	[sflag:s31] =	ssyncset.done $0x0  }
0x6e: {  	s9 =	sadd.s32 $0x280, s8;
	[sflag:s31] =	ssyncadd.s32 $0xFFFFD400  }
0x6f: {  	[spmem:s2] =	stream.indirect.scatter.add.f32 [tilespmem:s26], [sflag:$0x9], $0x80, s9, s17, $0xb8;
	[tilespmem:$0x1FA40] =	vst v63  }
0x70: {  	s9 =	sadd.s32 $0xFFFFFFE0, s12  }
0x71: {  	[tilespmem:s20], [sflag:$0x3] =	stream.linear.gather [hbm4b:s9+s3], $0x80, $0x38;
	[tilespmem:$0x1FA40] =	vst v63  }
0x72: {  	_ =	swait.ge [sflag:s21], $0x80  }
0x73: {  	[sflag:s21] =	ssyncset.done $0x0  }
0x74: {  	[sflag:s21] =	ssyncadd.s32 $0xFFFFFF80  }
0x75: {  	_ =	swait.ge [sflag:s1], $0x2C00  }
0x76: {  	[sflag:s1] =	ssyncset.done $0x0  }
0x77: {  	[sflag:s1] =	ssyncadd.s32 $0xFFFFD400  }
0x78: {  	[tilespmem:s22], [sflag:$0x5] =	stream.indirect.gather [hbm4b:s4+s17], $0x80, s15, s17, $0xb8;
	[tilespmem:$0x1FA40] =	vst v63  }
0x79: {  	_ =	swait.ge [sflag:s23], $0x2C00  }
0x7a: {  	[sflag:s23] =	ssyncset.done $0x0  }
0x7b: {  	s9 =	sadd.s32 $0x300, s8;
	[sflag:s23] =	ssyncadd.s32 $0xFFFFD400  }
0x7c: {  	[spmem:s2] =	stream.indirect.scatter.add.f32 [tilespmem:s18], [sflag:$0x7], $0x80, s9, s17, $0xb8;
	[tilespmem:$0x1FA40] =	vst v63  }
0x7d: {  	s9 =	sadd.s32 $0xFFFFFFF0, s12  }
0x7e: {  	[tilespmem:s3], [sflag:$0x1] =	stream.linear.gather [hbm4b:s9+s3], $0x80, $0x38;
	[tilespmem:$0x1FA40] =	vst v63  }
0x7f: {  	_ =	swait.ge [sflag:s25], $0x80  }
0x80: {  	[sflag:s25] =	ssyncset.done $0x0  }
0x81: {  	[sflag:s25] =	ssyncadd.s32 $0xFFFFFF80  }
0x82: {  	_ =	swait.ge [sflag:s0], $0x2C00  }
0x83: {  	[sflag:s0] =	ssyncset.done $0x0  }
0x84: {  	[sflag:s0] =	ssyncadd.s32 $0xFFFFD400  }
0x85: {  	[tilespmem:s26], [sflag:$0x6] =	stream.indirect.gather [hbm4b:s4+s17], $0x80, s20, s17, $0xb8;
	[tilespmem:$0x1FA40] =	vst v63  }
.Ltmp0:
0x86: {  	_ =	swait.ge [sflag:s28], $0x2C00;
	(pc) =	sbr.rel @p1 .LBB2_2-.Ltmp0, $4  }
0x87: {  	[sflag:s28] =	ssyncset.done $0x0  }
0x88: {  	s8 =	sadd.s32 $0x380, s8;
	[sflag:s28] =	ssyncadd.s32 $0xFFFFD400  }
0x89: {  	[spmem:s2] =	stream.indirect.scatter.add.f32 [tilespmem:s22], [sflag:$0x8], $0x80, s8, s17, $0xb8;
	[tilespmem:$0x1FA40] =	vst v63  }
0x8a: {  	s12 =	sadd.s32 $0x30, s12  }
0x8b: {  	[tilespmem:s15], [sflag:$0x2] =	stream.linear.gather [hbm4b:s5+s3], $0x80, $0x38;
	[tilespmem:$0x1FA40] =	vst v63  }
0x8c: {  	_ =	swait.ge [sflag:s16], $0x80  }
0x8d: {  	[sflag:s16] =	ssyncset.done $0x0  }
0x8e: {  	[sflag:s16] =	ssyncadd.s32 $0xFFFFFF80  }
0x8f: {  	_ =	swait.ge [sflag:s30], $0x2C00  }
0x90: {  	[sflag:s30] =	ssyncset.done $0x0  }
0x91: {  	[sflag:s30] =	ssyncadd.s32 $0xFFFFD400  }
0x92: {  	[tilespmem:s18], [sflag:$0x4] =	stream.indirect.gather [hbm4b:s4+s17], $0x80, s3, s17, $0xb8;
	[tilespmem:$0x1FA40] =	vst v63  }
0x93: {  	_ =	swait.ge [sflag:s31], $0x2C00  }
0x94: {  	[sflag:s31] =	ssyncset.done $0x0  }
0x95: {  	s12 =	simm.s32 $0x3880;
	[sflag:s31] =	ssyncadd.s32 $0xFFFFD400  }
0x96: {  	[spmem:s2] =	stream.indirect.scatter.add.f32 [tilespmem:s26], [sflag:$0x9], $0x80, s12, s17, $0xb8;
	[tilespmem:$0x1FA40] =	vst v63  }
0x97: {  	s6 =	sadd.s32 $0x710, s7  }
0x98: {  	[tilespmem:s20], [sflag:$0x3] =	stream.linear.gather [hbm4b:s6+s3], $0x80, $0x38;
	[tilespmem:$0x1FA40] =	vst v63  }
0x99: {  	_ =	swait.ge [sflag:s21], $0x80  }
0x9a: {  	[sflag:s21] =	ssyncset.done $0x0  }
0x9b: {  	[sflag:s21] =	ssyncadd.s32 $0xFFFFFF80  }
0x9c: {  	_ =	swait.ge [sflag:s1], $0x2C00  }
0x9d: {  	[sflag:s1] =	ssyncset.done $0x0  }
0x9e: {  	[sflag:s1] =	ssyncadd.s32 $0xFFFFD400  }
0x9f: {  	[tilespmem:s22], [sflag:$0x5] =	stream.indirect.gather [hbm4b:s4+s17], $0x80, s15, s17, $0xb8;
	[tilespmem:$0x1FA40] =	vst v63  }
0xa0: {  	_ =	swait.ge [sflag:s23], $0x2C00  }
0xa1: {  	[sflag:s23] =	ssyncset.done $0x0  }
0xa2: {  	s8 =	simm.s32 $0x3900;
	[sflag:s23] =	ssyncadd.s32 $0xFFFFD400  }
0xa3: {  	[spmem:s2] =	stream.indirect.scatter.add.f32 [tilespmem:s18], [sflag:$0x7], $0x80, s8, s17, $0xb8;
	[tilespmem:$0x1FA40] =	vst v63  }
0xa4: {  	_ =	swait.ge [sflag:s25], $0x80  }
0xa5: {  	[sflag:s25] =	ssyncset.done $0x0  }
0xa6: {  	[sflag:s25] =	ssyncadd.s32 $0xFFFFFF80  }
0xa7: {  	_ =	swait.ge [sflag:s0], $0x2C00  }
0xa8: {  	[sflag:s0] =	ssyncset.done $0x0  }
0xa9: {  	[sflag:s0] =	ssyncadd.s32 $0xFFFFD400  }
0xaa: {  	[tilespmem:s26], [sflag:$0x6] =	stream.indirect.gather [hbm4b:s4+s17], $0x80, s20, s17, $0xb8;
	[tilespmem:$0x1FA40] =	vst v63  }
0xab: {  	_ =	swait.ge [sflag:s28], $0x2C00  }
0xac: {  	[sflag:s28] =	ssyncset.done $0x0  }
0xad: {  	s9 =	simm.s32 $0x3980;
	[sflag:s28] =	ssyncadd.s32 $0xFFFFD400  }
0xae: {  	[spmem:s2] =	stream.indirect.scatter.add.f32 [tilespmem:s22], [sflag:$0x8], $0x80, s9, s17, $0xb8;
	[tilespmem:$0x1FA40] =	vst v63  }
0xaf: {  	_ =	swait.ge [sflag:s31], $0x2C00  }
0xb0: {  	[sflag:s31] =	ssyncset.done $0x0  }
0xb1: {  	s12 =	simm.s32 $0x3A00;
	[sflag:s31] =	ssyncadd.s32 $0xFFFFD400  }
0xb2: {  	[spmem:s2] =	stream.indirect.scatter.add.f32 [tilespmem:s26], [sflag:$0x9], $0x80, s12, s17, $0xb8;
	[tilespmem:$0x1FA40] =	vst v63  }
0xb3: {  	_ =	swait.ge [sflag:s30], $0x2C00  }
0xb4: {  	[sflag:s30] =	ssyncset.done $0x0  }
0xb5: {  	[sflag:s30] =	ssyncadd.s32 $0xFFFFD400  }
0xb6: {  	_ =	swait.ge [sflag:s1], $0x2C00  }
0xb7: {  	[sflag:s1] =	ssyncset.done $0x0  }
0xb8: {  	[sflag:s1] =	ssyncadd.s32 $0xFFFFD400  }
0xb9: {  	_ =	swait.ge [sflag:s0], $0x2C00  }
0xba: {  	[sflag:s0] =	ssyncset.done $0x0  }
0xbb: {  	[sflag:s0] =	ssyncadd.s32 $0xFFFFD400  }
0xbc: {  	[bflag:$0x0] =	sbarrier.arrive $0xFFFF  }
0xbd: {  	s5 =	rddreg [dreg:$0x5]  }
0xbe: {  	[hbm:s5], [sflag:s10] =	dma.local @!p0 [spmem:s11], $0x3E80  }
0xbf: {  	s5 =	simm.s32 @!p0 $0xA  }
0xc0: {  	_ =	swait.ge @!p0 [sflag:s5], $0x3E80  }
0xc1: {  	s29 =	sadd.s32 $0x1, s29;
	s6 =	rddreg [dreg:$0x6]  }
0xc2: {  	p1 =	sne.s32 s29, s6  }
.Ltmp1:
0xc3: {  	_ = 	snop;
	(pc) =	sbr.rel @p1 .LBB2_1-.Ltmp1, $3  }
0xc4: {  	_ =	sdelay $0x1  }
0xc5: {  	[sflag:s5] =	ssyncset.done @!p0 $0x0  }
0xc6: {  	[sflag:s5] =	ssyncadd.s32 @!p0 $0xFFFFC180  }
0xc7: {  	_ =	sfence.sel $0x180000  }
0xc8: {  	[bflag:$0x0] =	sbarrier.arrive $0xFFFF  }
0xc9: {  	_ =	strace $0x9000004A  }
0xca: {  	s0 =	stileid.u32;
	[bflag:$0x2] =	sbarrier.arrive $0xFFFF  }
0xcb: {  	p0 =	sne.s32 s0, $0x0;
	s0 =	rddreg [dreg:$0x2]  }
0xcc: {  	s0 =	sadd.s32 @!p0 $0x100000, s0  }
0xcd: {  	[sflag:s0] =	ssyncadd.tile.s32 @!p0 $0x1;
	_ =	shalt  }
.Lfunc_end2:
_tile_overlayer_lowered:
.L_overlay_start_2:
0xce: {  	(tag) =	ssettag $0x2  }
0xcf: {  	s0 =	rddreg [dreg:$0x0];
	s2 =	stileid.u32  }
0xd0: {  	s1 =	rddreg [dreg:$0x1];
	p0 =	sne.s32 s2, $0x0  }
0xd1: {  	s3 =	rddreg [dreg:$0x2];
	[bflag:$0x3] =	sbarrier.arrive $0xFFFF;
	s2 =	simm.s32 @!p0 $0x1C0A  }
0xd2: {  	[timem:s3], [sflag:s2] =	dma.local @!p0 [hbm:s0], s1  }
0xd3: {  	s0 =	simm.s32 @!p0 $0xA  }
0xd4: {  	_ =	swait.ge @!p0 [sflag:s0], s1  }
0xd5: {  	s1 =	ssub.s32 @!p0 $0x0, s1;
	[sflag:s0] =	ssyncset.done @!p0 $0x0  }
0xd6: {  	[sflag:s0] =	ssyncadd.s32 @!p0 s1  }
0xd7: {  	[bflag:$0x3] =	sbarrier.arrive $0xFFFF  }
0xd8: {  	_ =	shalt  }

// kernel: kernel.15.cloned.1.call-start
scs
__scs_entry_jumppad:
0x0: {  	(pc) =	sbr.rel $0x88, $3  }
0x1: {  	(tag) =	ssettag $0x0;
	lr =	simm.s32 $0x1  }
0x2: {  	[smem:$0x3F99] =	sst lr;
	_ =	strace $0xD0000000  }
0x3: {  	_ = 	snop  }
0x4: {  	_ = 	snop  }
0x5: {  	_ = 	snop  }
0x6: {  	_ = 	snop  }
0x7: {  	_ = 	snop  }
__scs_overlays_trampoline_lowered:
0x8: {  	[smem:$0x3FA8] =	sst s0  }
0x9: {  	[smem:$0x3FA9] =	sst s1  }
0xa: {  	[smem:$0x3FAA] =	sst s2  }
0xb: {  	[smem:$0x3FAB] =	sst s3  }
0xc: {  	[smem:$0x3FAC] =	sst s4  }
0xd: {  	[smem:$0x3FAD] =	sst s5  }
0xe: {  	[smem:$0x3FAE] =	sst s6  }
0xf: {  	[smem:$0x3FAF] =	sst s7  }
0x10: {  	[smem:$0x3FB0] =	sst s8  }
0x11: {  	[smem:$0x3FB1] =	sst s9;
	s0 =	simm.s32 @!p0 $0x0  }
0x12: {  	s1 =	sld [smem:$0x3F97];
	s0 =	simm.s32 @p0 $0x1  }
0x13: {  	[smem:$0x3FB2] =	sst s0;
	s0 =	simm.s32 @!p1 $0x0  }
0x14: {  	s2 =	sld [smem:$0x3F96];
	s0 =	simm.s32 @p1 $0x1  }
0x15: {  	[smem:$0x3FB3] =	sst s0;
	s0 =	simm.s32 @!p2 $0x0  }
0x16: {  	s3 =	sld [smem:$0x3FDB];
	s0 =	simm.s32 @p2 $0x1  }
0x17: {  	s4 =	simm.s32 $0x1BF5;
	[smem:$0x3FB5] =	sst s0  }
0x18: {  	s0 =	sld [smem:$0x3F98];
	_ =	swait.ge [sflag:s4], $0x0  }
0x19: {  	s7 =	sld [smem:$0x3F99]  }
0x1a: {  	s8 =	sadd.s32 $0xFFFFE003, lr  }
0x1b: {  	s9 =	sadd.s32 $0xFFFFFEF7, lr;
	s5 =	simm.s32 $0xFFFFFFFF;
	p2 =	slt.u32 s8, $0xFFFFF086  }
0x1c: {  	p1 =	slt.u32 s9, $0xF7A;
	s5 =	simm.s32 @!p2 $0x0  }
0x1d: {  	s5 =	simm.s32 @p1 $0x1;
	p0 =	seq.s32 s7, s2  }
0x1e: {  	s7 =	smul.u32 @!p0 $0xF7A, s2;
	p2 =	seq.s32 @!p0 s5, $0x0  }
0x1f: {  	s9 =	smul.u32 $0xF7A, s1;
	s8 =	simm.s32 @!p0 $0x1BF5;
	p2 =	por !p2, p0  }
0x20: {  	[sflag:s8] =	ssyncset.s32 @!p0 $0xFFFFF086;
	s6 =	sadd.s32 @!p0 s3, s7;
	s7 =	simm.s32 @!p0 $0x108  }
0x21: {  	s3 =	sadd.s32 s3, s9;
	s6 =	sadd.s32 @!p0 $0x88, s6;
	s7 =	simm.s32 @p2 $0x1082  }
0x22: {  	[simem:s7], [sflag:s8] =	dma.local @!p0 [hbm:s6], $0xF7A  }
0x23: {  	s9 =	sor.u32 $0xD0000000, s2;
	s6 =	simm.s32 $0x108;
	_ =	swait.ge @!p0 [sflag:s8], $0x0  }
0x24: {  	s3 =	sadd.s32 $0x88, s3;
	s6 =	simm.s32 @!p1 $0x1082;
	[sflag:s4] =	ssyncset.s32 $0xFFFFF086  }
0x25: {  	[simem:s6], [sflag:s4] =	dma.local [hbm:s3], $0xF7A  }
0x26: {  	[smem:$0x3F99] =	sst s1;
	(tag) =	ssettag s2;
	_ =	strace s9  }
0x27: {  	s1 =	sld [smem:$0x3FA9]  }
0x28: {  	s2 =	sld [smem:$0x3FAA]  }
0x29: {  	s4 =	sld [smem:$0x3FAC]  }
0x2a: {  	p0 =	seq.s32 s5, $0x0;
	s5 =	sld [smem:$0x3FAD]  }
0x2b: {  	s6 =	sld [smem:$0x3FAE]  }
0x2c: {  	s7 =	sld [smem:$0x3FAF]  }
0x2d: {  	s3 =	simm.s32 $0x108;
	s8 =	sld [smem:$0x3FB0]  }
0x2e: {  	s3 =	simm.s32 @!p0 $0x1082;
	s9 =	sld [smem:$0x3FB1]  }
0x2f: {  	lr =	sadd.s32 s0, s3;
	s0 =	sld [smem:$0x3FA8]  }
0x30: {  	s3 =	sld [smem:$0x3FAB]  }
0x31: {  	[smem:$0x3FB4] =	sst s10  }
0x32: {  	s10 =	sld [smem:$0x3FB2];
	_ =	sdelay $0x3  }
0x33: {  	p0 =	seq.s32 s10, $0x1;
	s10 =	sld [smem:$0x3FB4];
	_ =	sdelay $0x3  }
0x34: {  	[smem:$0x3FB4] =	sst s10  }
0x35: {  	s10 =	sld [smem:$0x3FB3];
	_ =	sdelay $0x3  }
0x36: {  	p1 =	seq.s32 s10, $0x1;
	s10 =	sld [smem:$0x3FB4];
	_ =	sdelay $0x3  }
0x37: {  	[smem:$0x3FB4] =	sst s10  }
0x38: {  	s10 =	sld [smem:$0x3FB5]  }
0x39: {  	_ = 	snop;
	(pc) =	sbr.ind lr, $3  }
0x3a: {  	_ = 	snop  }
0x3b: {  	_ = 	snop  }
0x3c: {  	p2 =	seq.s32 s10, $0x1;
	s10 =	sld [smem:$0x3FB4]  }
0x3d: {  	_ =	shalt  }
0x3e: {  	_ =	shalt  }
0x3f: {  	_ =	shalt  }
0x40: {  	_ =	shalt  }
0x41: {  	_ =	shalt  }
0x42: {  	_ =	shalt  }
0x43: {  	_ =	shalt  }
0x44: {  	_ =	shalt  }
0x45: {  	_ =	shalt  }
0x46: {  	_ =	shalt  }
0x47: {  	_ =	shalt  }
0x48: {  	_ =	shalt  }
0x49: {  	_ =	shalt  }
0x4a: {  	_ =	shalt  }
0x4b: {  	_ =	shalt  }
0x4c: {  	_ =	shalt  }
0x4d: {  	_ =	shalt  }
0x4e: {  	_ =	shalt  }
0x4f: {  	_ =	shalt  }
0x50: {  	_ =	shalt  }
0x51: {  	_ =	shalt  }
0x52: {  	_ =	shalt  }
0x53: {  	_ =	shalt  }
0x54: {  	_ =	shalt  }
0x55: {  	_ =	shalt  }
0x56: {  	_ =	shalt  }
0x57: {  	_ =	shalt  }
0x58: {  	_ =	shalt  }
0x59: {  	_ =	shalt  }
0x5a: {  	_ =	shalt  }
0x5b: {  	_ =	shalt  }
0x5c: {  	_ =	shalt  }
0x5d: {  	_ =	shalt  }
0x5e: {  	_ =	shalt  }
0x5f: {  	_ =	shalt  }
0x60: {  	_ =	shalt  }
0x61: {  	_ =	shalt  }
0x62: {  	_ =	shalt  }
0x63: {  	_ =	shalt  }
0x64: {  	_ =	shalt  }
0x65: {  	_ =	shalt  }
0x66: {  	_ =	shalt  }
0x67: {  	_ =	shalt  }
0x68: {  	_ =	shalt  }
0x69: {  	_ =	shalt  }
0x6a: {  	_ =	shalt  }
0x6b: {  	_ =	shalt  }
0x6c: {  	_ =	shalt  }
0x6d: {  	_ =	shalt  }
0x6e: {  	_ =	shalt  }
0x6f: {  	_ =	shalt  }
0x70: {  	_ =	shalt  }
0x71: {  	_ =	shalt  }
0x72: {  	_ =	shalt  }
0x73: {  	_ =	shalt  }
0x74: {  	_ =	shalt  }
0x75: {  	_ =	shalt  }
0x76: {  	_ =	shalt  }
0x77: {  	_ =	shalt  }
0x78: {  	_ =	shalt  }
0x79: {  	_ =	shalt  }
0x7a: {  	_ =	shalt  }
0x7b: {  	_ =	shalt  }
0x7c: {  	_ =	shalt  }
0x7d: {  	_ =	shalt  }
0x7e: {  	_ =	shalt  }
0x7f: {  	_ =	shalt  }
0x80: {  	_ =	shalt  }
0x81: {  	_ =	shalt  }
0x82: {  	_ =	shalt  }
0x83: {  	_ =	shalt  }
0x84: {  	_ =	shalt  }
0x85: {  	_ =	shalt  }
0x86: {  	_ =	shalt  }
0x87: {  	_ =	shalt  }
.Lfunc_end0:
.L_simem_size_0:
called_computation.2_lowered:
.L_overlay_start_0:
0x88: {  	s2 =	sld [smem:$0x3FD9]  }
0x89: {  	s3 =	sld [smem:$0x3FFE];
	_ =	sdelay $0x1  }
0x8a: {  	s1 =	srdreg.scid  }
0x8b: {  	s0 =	sand.u32 $0x1, s1  }
0x8c: {  	s14 =	sshll.u32 s0, $0xA;
	s2 =	sadd.s32 s3, s2  }
0x8d: {  	s2 =	sadd.s32 s2, s14  }
0x8e: {  	[smem:$0x3FC0] =	sst s2  }
0x8f: {  	_ = 	snop  }
0x90: {  	s2 =	sld [smem:$0x3FD0];
	_ =	sdelay $0x2  }
0x91: {  	s15 =	simm.s32 $0xA;
	s4 =	simm.s32 $0x10  }
0x92: {  	[smem:s4], [sflag:s15] =	dma.local [hbm:s2], $0x1  }
0x93: {  	_ =	swait.eq [sflag:s15], $0x1  }
0x94: {  	[sflag:s15] =	ssyncset.done $0x0  }
0x95: {  	[sflag:s15] =	ssyncadd.s32 $0xFFFFFFFF  }
0x96: {  	s16 =	sld [smem:$0x10];
	(tm) =	ssettm $0x1  }
0x97: {  	s17 =	sld [smem:$0x3FFB];
	_ =	sdelay $0x3  }
0x98: {  	_ =	strace s17  }
0x99: {  	s3 =	sld [smem:$0x3FFC];
	_ =	sdelay $0x3  }
0x9a: {  	_ =	strace s3  }
0x9b: {  	s3 =	sld [smem:$0x3FFD];
	_ =	sdelay $0x3  }
0x9c: {  	_ =	strace s3  }
0x9d: {  	_ =	strace $0x8FFFFFFF  }
0x9e: {  	s18 =	sld [smem:$0x3FDB];
	_ =	sdelay $0x1  }
0x9f: {  	s19 =	simm.s32 $_scs_section_size  }
0xa0: {  	s5 =	simm.s32 $_size__tile_overlayer_lowered;
	s6 =	simm.s32 $_tile_overlayer_lowered  }
0xa1: {  	s22 =	simm.s32 $0x1BFF;
	s21 =	sshll.u32 s6, $0x1;
	s3 =	sadd.s32 s19, s18  }
0xa2: {  	s7 =	simm.s32 $0x0;
	s20 =	sshll.u32 s5, $0x1;
	s5 =	sadd.s32 s21, s3  }
0xa3: {  	[timem:s7], [sflag:s22] =	dma.local [hbm:s5], s20  }
0xa4: {  	_ =	swait.ge [sflag:s22], s20  }
0xa5: {  	s4 =	ssub.s32 $0x0, s20;
	[sflag:s22] =	ssyncset.done $0x0  }
0xa6: {  	[sflag:s22] =	ssyncadd.s32 s4;
	_ =	sdelay $0x1  }
0xa7: {  	s23 =	simm.s32 $0x1B8B  }
0xa8: {  	_ =	swait.ge [sflag:s23], $0x1  }
0xa9: {  	[sflag:s23] =	ssyncset.done $0x0  }
0xaa: {  	s25 =	simm.s32 $0x1B8E;
	s24 =	sld [smem:$0x3FFE];
	[sflag:s23] =	ssyncadd.s32 $0xFFFFFFFF  }
0xab: {  	s26 =	simm.s32 $execute0_lowered;
	[smem:$0x3FD2] =	sst s25  }
0xac: {  	s5 =	sshll.u32 s26, $0x1;
	_ =	strace $0x8000004C;
	[dreg:$0x1] =	wrdreg $0xFFFFFFFF  }
0xad: {  	s28 =	simm.s32 $_size_execute0_lowered;
	s3 =	sadd.s32 s3, s5;
	[dreg:$0x0] =	wrdreg $0x0  }
0xae: {  	s5 =	sshll.u32 s28, $0x1;
	[dreg:$0x2] =	wrdreg s3  }
0xaf: {  	[dreg:$0x3] =	wrdreg s5  }
0xb0: {  	[dreg:$0x4] =	wrdreg $0xC0  }
0xb1: {  	_ =	task [dreg:s7], $0x5FFFF  }
0xb2: {  	[dreg:$0x1] =	wrdreg $0xFFFFFFFF  }
0xb3: {  	[dreg:$0x0] =	wrdreg $0x60  }
0xb4: {  	[dreg:$0x2] =	wrdreg s16  }
0xb5: {  	[dreg:$0x3] =	wrdreg s24  }
0xb6: {  	[dreg:$0x4] =	wrdreg $0xC1800  }
0xb7: {  	[dreg:$0x5] =	wrdreg $0x9  }
0xb8: {  	_ =	task.clear_ibuf [dreg:s7], $0x6FFFF;
	_ =	strace $0x9000004C  }
0xb9: {  	s29 =	simm.s32 $0x9;
	_ =	strace $0x8000004E  }
0xba: {  	_ =	swait.ge [sflag:s29], $0x1  }
0xbb: {  	[sflag:s29] =	ssyncadd.s32 $0xFFFFFFFF  }
0xbc: {  	_ =	strace $0x9000004E  }
0xbd: {  	_ =	sfence  }
0xbe: {  	s30 =	sld [smem:$0x0];
	_ =	sdelay $0x2  }
0xbf: {  	s31 =	sshll.u32 s1, $0xD;
	s1 =	sshrl.u32 s1, $0x2  }
0xc0: {  	s3 =	sand.u32 $0x4000, s31;
	s1 =	sadd.s32 s1, s30  }
0xc1: {  	s0 =	sor.u32 s3, s0;
	s1 =	sshll.u32 s1, $0x11  }
0xc2: {  	s0 =	sor.u32 s1, s0  }
0xc3: {  	s0 =	sadd.s32 $0x8F2B, s0  }
0xc4: {  	[sflag:s0] =	ssyncadd.remote.s32 $0x1  }
0xc5: {  	_ =	sfence.sel $0xFFFF  }
0xc6: {  	[dreg:$0x0] =	wrdreg $0xFFFFFFFF;
	(pc) =	sbr.abs _section_cstart, $3  }
0xc7: {  	[dreg:$0x1] =	wrdreg $0xFFFFFFFF  }
0xc8: {  	_ =	task.clear_ibuf [dreg:s7], $0x2FFFF;
	_ =	strace $0x9FFFFFFF  }
0xc9: {  	(tm) =	ssettm $0x7FFFFFFF  }
tec
execute0_lowered:
.L_overlay_start_1:
0x0: {  	(tag) =	ssettag $0x1  }
0x1: {  	s1 =	rddreg [dreg:$0x0]  }
0x2: {  	s0 =	srdreg.scid;
	s5 =	rddreg [dreg:$0x1]  }
0x3: {  	s12 =	stileid.u32;
	s3 =	rddreg [dreg:$0x2]  }
0x4: {  	s4 =	simm.s32 $0x0;
	s13 =	simm.s32 $0xA;
	s15 =	simm.s32 $0x80  }
0x5: {  	s16 =	simm.s32 $0x1;
	s17 =	simm.s32 $0x58;
	s18 =	simm.s32 $0x3D80  }
0x6: {  	s20 =	simm.s32 $0x100;
	s21 =	simm.s32 $0x2;
	s22 =	simm.s32 $0x6980  }
0x7: {  	s23 =	simm.s32 $0x4;
	s28 =	simm.s32 $0x5;
	s30 =	simm.s32 $0x7  }
0x8: {  	s31 =	simm.s32 $0x6;
	s29 =	simm.s32 $0x0;
	s6 =	smul.u32 $0x780, s12  }
0x9: {  	s0 =	sand.u32 $0x1, s0;
	[smem:$0x7FF] =	sst s4;
	s7 =	smul.u32 $0x3E80, s12  }
0xa: {  	s9 =	smul.u32 $0x7D000, s12;
	p0 =	sgt.u32 s12, $0x9;
	s2 =	sshll.u32 s0, $0x4  }
0xb: {  	_ =	strace $0x8000004D;
	s8 =	smul.u32 $0x27100, s0;
	s0 =	ssub.s32 $0x2, s0  }
0xc: {  	s2 =	sor.u32 s12, s2;
	s6 =	sadd.s32 s6, s5;
	s10 =	sadd.s32 s7, s5  }
0xd: {  	s24 =	sshrl.u32 s0, $0x1;
	s25 =	sshrl.u32 s9, $0x2;
	s2 =	smul.u32 $0x780, s2  }
0xe: {  	s7 =	sadd.s32 s7, s8;
	s0 =	ssub.s32 s0, s24;
	s26 =	sadd.s32 $0x9600, s10  }
0xf: {  	s11 =	sadd.s32 s25, s3;
	s6 =	sadd.s32 $0x8E200, s6;
	[dreg:$0x4] =	wrdreg s26  }
0x10: {  	s25 =	simm.s32 $0x3;
	[dreg:$0x5] =	wrdreg s6;
	s0 =	smax.u32 s0, $0x1  }
0x11: {  	s11 =	sshrl.u32 @!p0 s11, $0x3;
	s26 =	simm.s32 $0x9580;
	s2 =	sadd.s32 s2, s5  }
0x12: {  	s5 =	sadd.s32 s7, s5;
	[dreg:$0x7] =	wrdreg s0;
	s0 =	simm.s32 $0x9  }
0x13: {  	s7 =	sadd.s32 $0x7F200, s2;
	s2 =	sshll.u32 @!p0 s12, $0x6;
	s5 =	sadd.s32 $0x95A00, s5  }
0x14: {  	[dreg:$0x6] =	wrdreg s5;
	s10 =	sor.u32 @!p0 $0x1C0A, s2;
	s14 =	sadd.s32 $0x10, s7  }
0x15: {  	s19 =	sadd.s32 $0x20, s7;
	s24 =	sadd.s32 $0x30, s7;
	s2 =	simm.s32 $0x8  }
.LBB2_1:
0x16: {  	s5 =	rddreg [dreg:$0x4]  }
0x17: {  	[spmem:s11], [sflag:s10] =	dma.local @!p0 [hbm:s5], $0x3E80  }
0x18: {  	s5 =	simm.s32 @!p0 $0xA  }
0x19: {  	_ =	swait.ge @!p0 [sflag:s5], $0x3E80  }
0x1a: {  	[sflag:s5] =	ssyncset.done @!p0 $0x0  }
0x1b: {  	s6 =	simm.s32 $0x180;
	s12 =	rddreg [dreg:$0x5];
	[sflag:s5] =	ssyncadd.s32 @!p0 $0xFFFFC180  }
0x1c: {  	[tilespmem:s6], [sflag:$0xA] =	stream.linear.gather [hbm4b:s12+s4], $0x3900, $0x38;
	[tilespmem:$0x1FA40] =	vst v63  }
0x1d: {  	_ =	swait.ge [sflag:s13], $0x3900  }
0x1e: {  	[sflag:s13] =	ssyncset.done $0x0  }
0x1f: {  	[sflag:s13] =	ssyncadd.s32 $0xFFFFC700  }
0x20: {  	[bflag:$0x0] =	sbarrier.arrive $0xFFFF  }
0x21: {  	[tilespmem:s4], [sflag:$0x1] =	stream.linear.gather [hbm4b:s7+s4], $0x80, $0x38;
	[tilespmem:$0x1FA40] =	vst v63  }
0x22: {  	_ = 	snop  }
0x23: {  	[tilespmem:s15], [sflag:$0x2] =	stream.linear.gather [hbm4b:s14+s4], $0x80, $0x38;
	[tilespmem:$0x1FA40] =	vst v63  }
0x24: {  	_ =	swait.ge [sflag:s16], $0x80  }
0x25: {  	[sflag:s16] =	ssyncset.done $0x0  }
0x26: {  	[sflag:s16] =	ssyncadd.s32 $0xFFFFFF80  }
0x27: {  	[tilespmem:s18], [sflag:$0x4] =	stream.indirect.gather [hbm4b:s1+s17], $0x80, s4, s17, $0xb8;
	[tilespmem:$0x1FA40] =	vst v63  }
0x28: {  	_ = 	snop  }
0x29: {  	[tilespmem:s20], [sflag:$0x3] =	stream.linear.gather [hbm4b:s19+s4], $0x80, $0x38;
	[tilespmem:$0x1FA40] =	vst v63  }
0x2a: {  	_ =	swait.ge [sflag:s21], $0x80  }
0x2b: {  	[sflag:s21] =	ssyncset.done $0x0  }
0x2c: {  	[sflag:s21] =	ssyncadd.s32 $0xFFFFFF80  }
0x2d: {  	[tilespmem:s22], [sflag:$0x5] =	stream.indirect.gather [hbm4b:s1+s17], $0x80, s15, s17, $0xb8;
	[tilespmem:$0x1FA40] =	vst v63  }
0x2e: {  	_ =	swait.ge [sflag:s23], $0x2C00  }
0x2f: {  	[sflag:s23] =	ssyncset.done $0x0  }
0x30: {  	[sflag:s23] =	ssyncadd.s32 $0xFFFFD400  }
0x31: {  	[spmem:s3] =	stream.indirect.scatter.add.f32 [tilespmem:s18], [sflag:$0x7], $0x80, s6, s17, $0xb8;
	[tilespmem:$0x1FA40] =	vst v63  }
0x32: {  	_ = 	snop  }
0x33: {  	[tilespmem:s4], [sflag:$0x1] =	stream.linear.gather [hbm4b:s24+s4], $0x80, $0x38;
	[tilespmem:$0x1FA40] =	vst v63  }
0x34: {  	_ =	swait.ge [sflag:s25], $0x80  }
0x35: {  	[sflag:s25] =	ssyncset.done $0x0  }
0x36: {  	[sflag:s25] =	ssyncadd.s32 $0xFFFFFF80  }
0x37: {  	[tilespmem:s26], [sflag:$0x6] =	stream.indirect.gather [hbm4b:s1+s17], $0x80, s20, s17, $0xb8;
	[tilespmem:$0x1FA40] =	vst v63  }
0x38: {  	_ =	swait.ge [sflag:s28], $0x2C00  }
0x39: {  	[sflag:s28] =	ssyncset.done $0x0  }
0x3a: {  	s6 =	simm.s32 $0x200;
	[sflag:s28] =	ssyncadd.s32 $0xFFFFD400  }
0x3b: {  	[spmem:s3] =	stream.indirect.scatter.add.f32 [tilespmem:s22], [sflag:$0x8], $0x80, s6, s17, $0xb8;
	[tilespmem:$0x1FA40] =	vst v63  }
0x3c: {  	s8 =	sadd.s32 $0x40, s7  }
0x3d: {  	[tilespmem:s15], [sflag:$0x2] =	stream.linear.gather [hbm4b:s8+s4], $0x80, $0x38;
	[tilespmem:$0x1FA40] =	vst v63  }
0x3e: {  	_ =	swait.ge [sflag:s16], $0x80  }
0x3f: {  	[sflag:s16] =	ssyncset.done $0x0  }
0x40: {  	[sflag:s16] =	ssyncadd.s32 $0xFFFFFF80  }
0x41: {  	_ =	swait.ge [sflag:s30], $0x2C00  }
0x42: {  	[sflag:s30] =	ssyncset.done $0x0  }
0x43: {  	[sflag:s30] =	ssyncadd.s32 $0xFFFFD400  }
0x44: {  	[tilespmem:s18], [sflag:$0x4] =	stream.indirect.gather [hbm4b:s1+s17], $0x80, s4, s17, $0xb8;
	[tilespmem:$0x1FA40] =	vst v63  }
0x45: {  	_ =	swait.ge [sflag:s31], $0x2C00  }
0x46: {  	[sflag:s31] =	ssyncset.done $0x0  }
0x47: {  	s9 =	simm.s32 $0x280;
	s5 =	sadd.s32 $0x70, s7;
	[sflag:s31] =	ssyncadd.s32 $0xFFFFD400  }
0x48: {  	[spmem:s3] =	stream.indirect.scatter.add.f32 [tilespmem:s26], [sflag:$0x9], $0x80, s9, s17, $0xb8;
	[tilespmem:$0x1FA40] =	vst v63  }
0x49: {  	s12 =	sadd.s32 $0xFFFFFFE0, s5  }
0x4a: {  	[tilespmem:s20], [sflag:$0x3] =	stream.linear.gather [hbm4b:s12+s4], $0x80, $0x38;
	[tilespmem:$0x1FA40] =	vst v63  }
0x4b: {  	_ =	swait.ge [sflag:s21], $0x80  }
0x4c: {  	[sflag:s21] =	ssyncset.done $0x0  }
0x4d: {  	[sflag:s21] =	ssyncadd.s32 $0xFFFFFF80  }
0x4e: {  	_ =	swait.ge [sflag:s2], $0x2C00  }
0x4f: {  	[sflag:s2] =	ssyncset.done $0x0  }
0x50: {  	[sflag:s2] =	ssyncadd.s32 $0xFFFFD400  }
0x51: {  	[tilespmem:s22], [sflag:$0x5] =	stream.indirect.gather [hbm4b:s1+s17], $0x80, s15, s17, $0xb8;
	[tilespmem:$0x1FA40] =	vst v63  }
0x52: {  	_ =	swait.ge [sflag:s23], $0x2C00  }
0x53: {  	[sflag:s23] =	ssyncset.done $0x0  }
0x54: {  	s8 =	simm.s32 $0x300;
	[sflag:s23] =	ssyncadd.s32 $0xFFFFD400  }
0x55: {  	[spmem:s3] =	stream.indirect.scatter.add.f32 [tilespmem:s18], [sflag:$0x7], $0x80, s8, s17, $0xb8;
	[tilespmem:$0x1FA40] =	vst v63  }
0x56: {  	s9 =	sadd.s32 $0xFFFFFFF0, s5  }
0x57: {  	[tilespmem:s4], [sflag:$0x1] =	stream.linear.gather [hbm4b:s9+s4], $0x80, $0x38;
	[tilespmem:$0x1FA40] =	vst v63  }
0x58: {  	_ =	swait.ge [sflag:s25], $0x80  }
0x59: {  	[sflag:s25] =	ssyncset.done $0x0  }
0x5a: {  	[sflag:s25] =	ssyncadd.s32 $0xFFFFFF80  }
0x5b: {  	_ =	swait.ge [sflag:s0], $0x2C00  }
0x5c: {  	[sflag:s0] =	ssyncset.done $0x0  }
0x5d: {  	[sflag:s0] =	ssyncadd.s32 $0xFFFFD400  }
0x5e: {  	[tilespmem:s26], [sflag:$0x6] =	stream.indirect.gather [hbm4b:s1+s17], $0x80, s20, s17, $0xb8;
	[tilespmem:$0x1FA40] =	vst v63  }
0x5f: {  	_ =	swait.ge [sflag:s28], $0x2C00  }
0x60: {  	[sflag:s28] =	ssyncset.done $0x0  }
0x61: {  	s12 =	simm.s32 $0x380;
	[sflag:s28] =	ssyncadd.s32 $0xFFFFD400  }
0x62: {  	[spmem:s3] =	stream.indirect.scatter.add.f32 [tilespmem:s22], [sflag:$0x8], $0x80, s12, s17, $0xb8;
	[tilespmem:$0x1FA40] =	vst v63  }
0x63: {  	s6 =	simm.s32 $0x600;
	s12 =	sadd.s32 $0x30, s5  }
.LBB2_2:
0x64: {  	[tilespmem:s15], [sflag:$0x2] =	stream.linear.gather [hbm4b:s5+s4], $0x80, $0x38;
	[tilespmem:$0x1FA40] =	vst v63  }
0x65: {  	s8 =	smov.u32 s6;
	s5 =	smov.u32 s12  }
0x66: {  	p1 =	sne.s32 s6, $0xD200;
	s6 =	sadd.s32 $0x600, s6;
	_ =	swait.ge [sflag:s16], $0x80  }
0x67: {  	[sflag:s16] =	ssyncset.done $0x0  }
0x68: {  	[sflag:s16] =	ssyncadd.s32 $0xFFFFFF80  }
0x69: {  	_ =	swait.ge [sflag:s30], $0x2C00  }
0x6a: {  	[sflag:s30] =	ssyncset.done $0x0  }
0x6b: {  	[sflag:s30] =	ssyncadd.s32 $0xFFFFD400  }
0x6c: {  	[tilespmem:s18], [sflag:$0x4] =	stream.indirect.gather [hbm4b:s1+s17], $0x80, s4, s17, $0xb8;
	[tilespmem:$0x1FA40] =	vst v63  }
0x6d: {  	_ =	swait.ge [sflag:s31], $0x2C00  }
0x6e: {  	s8 =	sshra.s32 s8, $0x2;
	[sflag:s31] =	ssyncset.done $0x0  }
0x6f: {  	s9 =	sadd.s32 $0x280, s8;
	[sflag:s31] =	ssyncadd.s32 $0xFFFFD400  }
0x70: {  	[spmem:s3] =	stream.indirect.scatter.add.f32 [tilespmem:s26], [sflag:$0x9], $0x80, s9, s17, $0xb8;
	[tilespmem:$0x1FA40] =	vst v63  }
0x71: {  	s9 =	sadd.s32 $0xFFFFFFE0, s12  }
0x72: {  	[tilespmem:s20], [sflag:$0x3] =	stream.linear.gather [hbm4b:s9+s4], $0x80, $0x38;
	[tilespmem:$0x1FA40] =	vst v63  }
0x73: {  	_ =	swait.ge [sflag:s21], $0x80  }
0x74: {  	[sflag:s21] =	ssyncset.done $0x0  }
0x75: {  	[sflag:s21] =	ssyncadd.s32 $0xFFFFFF80  }
0x76: {  	_ =	swait.ge [sflag:s2], $0x2C00  }
0x77: {  	[sflag:s2] =	ssyncset.done $0x0  }
0x78: {  	[sflag:s2] =	ssyncadd.s32 $0xFFFFD400  }
0x79: {  	[tilespmem:s22], [sflag:$0x5] =	stream.indirect.gather [hbm4b:s1+s17], $0x80, s15, s17, $0xb8;
	[tilespmem:$0x1FA40] =	vst v63  }
0x7a: {  	_ =	swait.ge [sflag:s23], $0x2C00  }
0x7b: {  	[sflag:s23] =	ssyncset.done $0x0  }
0x7c: {  	s9 =	sadd.s32 $0x300, s8;
	[sflag:s23] =	ssyncadd.s32 $0xFFFFD400  }
0x7d: {  	[spmem:s3] =	stream.indirect.scatter.add.f32 [tilespmem:s18], [sflag:$0x7], $0x80, s9, s17, $0xb8;
	[tilespmem:$0x1FA40] =	vst v63  }
0x7e: {  	s9 =	sadd.s32 $0xFFFFFFF0, s12  }
0x7f: {  	[tilespmem:s4], [sflag:$0x1] =	stream.linear.gather [hbm4b:s9+s4], $0x80, $0x38;
	[tilespmem:$0x1FA40] =	vst v63  }
0x80: {  	_ =	swait.ge [sflag:s25], $0x80  }
0x81: {  	[sflag:s25] =	ssyncset.done $0x0  }
0x82: {  	[sflag:s25] =	ssyncadd.s32 $0xFFFFFF80  }
0x83: {  	_ =	swait.ge [sflag:s0], $0x2C00  }
0x84: {  	[sflag:s0] =	ssyncset.done $0x0  }
0x85: {  	[sflag:s0] =	ssyncadd.s32 $0xFFFFD400  }
0x86: {  	[tilespmem:s26], [sflag:$0x6] =	stream.indirect.gather [hbm4b:s1+s17], $0x80, s20, s17, $0xb8;
	[tilespmem:$0x1FA40] =	vst v63  }
.Ltmp0:
0x87: {  	_ =	swait.ge [sflag:s28], $0x2C00;
	(pc) =	sbr.rel @p1 .LBB2_2-.Ltmp0, $4  }
0x88: {  	[sflag:s28] =	ssyncset.done $0x0  }
0x89: {  	s8 =	sadd.s32 $0x380, s8;
	[sflag:s28] =	ssyncadd.s32 $0xFFFFD400  }
0x8a: {  	[spmem:s3] =	stream.indirect.scatter.add.f32 [tilespmem:s22], [sflag:$0x8], $0x80, s8, s17, $0xb8;
	[tilespmem:$0x1FA40] =	vst v63  }
0x8b: {  	s12 =	sadd.s32 $0x30, s12  }
0x8c: {  	[tilespmem:s15], [sflag:$0x2] =	stream.linear.gather [hbm4b:s5+s4], $0x80, $0x38;
	[tilespmem:$0x1FA40] =	vst v63  }
0x8d: {  	_ =	swait.ge [sflag:s16], $0x80  }
0x8e: {  	[sflag:s16] =	ssyncset.done $0x0  }
0x8f: {  	[sflag:s16] =	ssyncadd.s32 $0xFFFFFF80  }
0x90: {  	_ =	swait.ge [sflag:s30], $0x2C00  }
0x91: {  	[sflag:s30] =	ssyncset.done $0x0  }
0x92: {  	[sflag:s30] =	ssyncadd.s32 $0xFFFFD400  }
0x93: {  	[tilespmem:s18], [sflag:$0x4] =	stream.indirect.gather [hbm4b:s1+s17], $0x80, s4, s17, $0xb8;
	[tilespmem:$0x1FA40] =	vst v63  }
0x94: {  	_ =	swait.ge [sflag:s31], $0x2C00  }
0x95: {  	[sflag:s31] =	ssyncset.done $0x0  }
0x96: {  	s12 =	simm.s32 $0x3880;
	[sflag:s31] =	ssyncadd.s32 $0xFFFFD400  }
0x97: {  	[spmem:s3] =	stream.indirect.scatter.add.f32 [tilespmem:s26], [sflag:$0x9], $0x80, s12, s17, $0xb8;
	[tilespmem:$0x1FA40] =	vst v63  }
0x98: {  	s6 =	sadd.s32 $0x710, s7  }
0x99: {  	[tilespmem:s20], [sflag:$0x3] =	stream.linear.gather [hbm4b:s6+s4], $0x80, $0x38;
	[tilespmem:$0x1FA40] =	vst v63  }
0x9a: {  	_ =	swait.ge [sflag:s21], $0x80  }
0x9b: {  	[sflag:s21] =	ssyncset.done $0x0  }
0x9c: {  	[sflag:s21] =	ssyncadd.s32 $0xFFFFFF80  }
0x9d: {  	_ =	swait.ge [sflag:s2], $0x2C00  }
0x9e: {  	[sflag:s2] =	ssyncset.done $0x0  }
0x9f: {  	[sflag:s2] =	ssyncadd.s32 $0xFFFFD400  }
0xa0: {  	[tilespmem:s22], [sflag:$0x5] =	stream.indirect.gather [hbm4b:s1+s17], $0x80, s15, s17, $0xb8;
	[tilespmem:$0x1FA40] =	vst v63  }
0xa1: {  	_ =	swait.ge [sflag:s23], $0x2C00  }
0xa2: {  	[sflag:s23] =	ssyncset.done $0x0  }
0xa3: {  	s8 =	simm.s32 $0x3900;
	[sflag:s23] =	ssyncadd.s32 $0xFFFFD400  }
0xa4: {  	[spmem:s3] =	stream.indirect.scatter.add.f32 [tilespmem:s18], [sflag:$0x7], $0x80, s8, s17, $0xb8;
	[tilespmem:$0x1FA40] =	vst v63  }
0xa5: {  	_ =	swait.ge [sflag:s25], $0x80  }
0xa6: {  	[sflag:s25] =	ssyncset.done $0x0  }
0xa7: {  	[sflag:s25] =	ssyncadd.s32 $0xFFFFFF80  }
0xa8: {  	_ =	swait.ge [sflag:s0], $0x2C00  }
0xa9: {  	[sflag:s0] =	ssyncset.done $0x0  }
0xaa: {  	[sflag:s0] =	ssyncadd.s32 $0xFFFFD400  }
0xab: {  	[tilespmem:s26], [sflag:$0x6] =	stream.indirect.gather [hbm4b:s1+s17], $0x80, s20, s17, $0xb8;
	[tilespmem:$0x1FA40] =	vst v63  }
0xac: {  	_ =	swait.ge [sflag:s28], $0x2C00  }
0xad: {  	[sflag:s28] =	ssyncset.done $0x0  }
0xae: {  	s9 =	simm.s32 $0x3980;
	[sflag:s28] =	ssyncadd.s32 $0xFFFFD400  }
0xaf: {  	[spmem:s3] =	stream.indirect.scatter.add.f32 [tilespmem:s22], [sflag:$0x8], $0x80, s9, s17, $0xb8;
	[tilespmem:$0x1FA40] =	vst v63  }
0xb0: {  	_ =	swait.ge [sflag:s31], $0x2C00  }
0xb1: {  	[sflag:s31] =	ssyncset.done $0x0  }
0xb2: {  	s12 =	simm.s32 $0x3A00;
	[sflag:s31] =	ssyncadd.s32 $0xFFFFD400  }
0xb3: {  	[spmem:s3] =	stream.indirect.scatter.add.f32 [tilespmem:s26], [sflag:$0x9], $0x80, s12, s17, $0xb8;
	[tilespmem:$0x1FA40] =	vst v63  }
0xb4: {  	_ =	swait.ge [sflag:s30], $0x2C00  }
0xb5: {  	[sflag:s30] =	ssyncset.done $0x0  }
0xb6: {  	[sflag:s30] =	ssyncadd.s32 $0xFFFFD400  }
0xb7: {  	_ =	swait.ge [sflag:s2], $0x2C00  }
0xb8: {  	[sflag:s2] =	ssyncset.done $0x0  }
0xb9: {  	[sflag:s2] =	ssyncadd.s32 $0xFFFFD400  }
0xba: {  	_ =	swait.ge [sflag:s0], $0x2C00  }
0xbb: {  	[sflag:s0] =	ssyncset.done $0x0  }
0xbc: {  	[sflag:s0] =	ssyncadd.s32 $0xFFFFD400  }
0xbd: {  	[bflag:$0x0] =	sbarrier.arrive $0xFFFF  }
0xbe: {  	s5 =	rddreg [dreg:$0x6]  }
0xbf: {  	[hbm:s5], [sflag:s10] =	dma.local @!p0 [spmem:s11], $0x3E80  }
0xc0: {  	s5 =	simm.s32 @!p0 $0xA  }
0xc1: {  	_ =	swait.ge @!p0 [sflag:s5], $0x3E80  }
0xc2: {  	s29 =	sadd.s32 $0x1, s29;
	s6 =	rddreg [dreg:$0x7]  }
0xc3: {  	p1 =	sne.s32 s29, s6  }
.Ltmp1:
0xc4: {  	_ = 	snop;
	(pc) =	sbr.rel @p1 .LBB2_1-.Ltmp1, $3  }
0xc5: {  	_ =	sdelay $0x1  }
0xc6: {  	[sflag:s5] =	ssyncset.done @!p0 $0x0  }
0xc7: {  	[sflag:s5] =	ssyncadd.s32 @!p0 $0xFFFFC180  }
0xc8: {  	_ =	sfence.sel $0x180000  }
0xc9: {  	[bflag:$0x0] =	sbarrier.arrive $0xFFFF  }
0xca: {  	_ =	strace $0x9000004D  }
0xcb: {  	s0 =	stileid.u32;
	[bflag:$0x2] =	sbarrier.arrive $0xFFFF  }
0xcc: {  	p0 =	sne.s32 s0, $0x0;
	s0 =	rddreg [dreg:$0x3]  }
0xcd: {  	s0 =	sadd.s32 @!p0 $0x100000, s0  }
0xce: {  	[sflag:s0] =	ssyncadd.tile.s32 @!p0 $0x1;
	_ =	shalt  }
.Lfunc_end2:
_tile_overlayer_lowered:
.L_overlay_start_2:
0xcf: {  	(tag) =	ssettag $0x2  }
0xd0: {  	s0 =	rddreg [dreg:$0x0];
	s2 =	stileid.u32  }
0xd1: {  	s1 =	rddreg [dreg:$0x1];
	p0 =	sne.s32 s2, $0x0  }
0xd2: {  	s3 =	rddreg [dreg:$0x2];
	[bflag:$0x3] =	sbarrier.arrive $0xFFFF;
	s2 =	simm.s32 @!p0 $0x1C0A  }
0xd3: {  	[timem:s3], [sflag:s2] =	dma.local @!p0 [hbm:s0], s1  }
0xd4: {  	s0 =	simm.s32 @!p0 $0xA  }
0xd5: {  	_ =	swait.ge @!p0 [sflag:s0], s1  }
0xd6: {  	s1 =	ssub.s32 @!p0 $0x0, s1;
	[sflag:s0] =	ssyncset.done @!p0 $0x0  }
0xd7: {  	[sflag:s0] =	ssyncadd.s32 @!p0 s1  }
0xd8: {  	[bflag:$0x3] =	sbarrier.arrive $0xFFFF  }
0xd9: {  	_ =	shalt  }

// kernel: kernel.9.cloned.1.call-start
scs
__scs_entry_jumppad:
0x0: {  	(pc) =	sbr.rel $0x88, $3  }
0x1: {  	(tag) =	ssettag $0x0;
	lr =	simm.s32 $0x1  }
0x2: {  	[smem:$0x3F99] =	sst lr;
	_ =	strace $0xD0000000  }
0x3: {  	_ = 	snop  }
0x4: {  	_ = 	snop  }
0x5: {  	_ = 	snop  }
0x6: {  	_ = 	snop  }
0x7: {  	_ = 	snop  }
__scs_overlays_trampoline_lowered:
0x8: {  	[smem:$0x3FA8] =	sst s0  }
0x9: {  	[smem:$0x3FA9] =	sst s1  }
0xa: {  	[smem:$0x3FAA] =	sst s2  }
0xb: {  	[smem:$0x3FAB] =	sst s3  }
0xc: {  	[smem:$0x3FAC] =	sst s4  }
0xd: {  	[smem:$0x3FAD] =	sst s5  }
0xe: {  	[smem:$0x3FAE] =	sst s6  }
0xf: {  	[smem:$0x3FAF] =	sst s7  }
0x10: {  	[smem:$0x3FB0] =	sst s8  }
0x11: {  	[smem:$0x3FB1] =	sst s9;
	s0 =	simm.s32 @!p0 $0x0  }
0x12: {  	s1 =	sld [smem:$0x3F97];
	s0 =	simm.s32 @p0 $0x1  }
0x13: {  	[smem:$0x3FB2] =	sst s0;
	s0 =	simm.s32 @!p1 $0x0  }
0x14: {  	s2 =	sld [smem:$0x3F96];
	s0 =	simm.s32 @p1 $0x1  }
0x15: {  	[smem:$0x3FB3] =	sst s0;
	s0 =	simm.s32 @!p2 $0x0  }
0x16: {  	s3 =	sld [smem:$0x3FDB];
	s0 =	simm.s32 @p2 $0x1  }
0x17: {  	s4 =	simm.s32 $0x1BF5;
	[smem:$0x3FB5] =	sst s0  }
0x18: {  	s0 =	sld [smem:$0x3F98];
	_ =	swait.ge [sflag:s4], $0x0  }
0x19: {  	s7 =	sld [smem:$0x3F99]  }
0x1a: {  	s8 =	sadd.s32 $0xFFFFE003, lr  }
0x1b: {  	s9 =	sadd.s32 $0xFFFFFEF7, lr;
	s5 =	simm.s32 $0xFFFFFFFF;
	p2 =	slt.u32 s8, $0xFFFFF086  }
0x1c: {  	p1 =	slt.u32 s9, $0xF7A;
	s5 =	simm.s32 @!p2 $0x0  }
0x1d: {  	s5 =	simm.s32 @p1 $0x1;
	p0 =	seq.s32 s7, s2  }
0x1e: {  	s7 =	smul.u32 @!p0 $0xF7A, s2;
	p2 =	seq.s32 @!p0 s5, $0x0  }
0x1f: {  	s9 =	smul.u32 $0xF7A, s1;
	s8 =	simm.s32 @!p0 $0x1BF5;
	p2 =	por !p2, p0  }
0x20: {  	[sflag:s8] =	ssyncset.s32 @!p0 $0xFFFFF086;
	s6 =	sadd.s32 @!p0 s3, s7;
	s7 =	simm.s32 @!p0 $0x108  }
0x21: {  	s3 =	sadd.s32 s3, s9;
	s6 =	sadd.s32 @!p0 $0x88, s6;
	s7 =	simm.s32 @p2 $0x1082  }
0x22: {  	[simem:s7], [sflag:s8] =	dma.local @!p0 [hbm:s6], $0xF7A  }
0x23: {  	s9 =	sor.u32 $0xD0000000, s2;
	s6 =	simm.s32 $0x108;
	_ =	swait.ge @!p0 [sflag:s8], $0x0  }
0x24: {  	s3 =	sadd.s32 $0x88, s3;
	s6 =	simm.s32 @!p1 $0x1082;
	[sflag:s4] =	ssyncset.s32 $0xFFFFF086  }
0x25: {  	[simem:s6], [sflag:s4] =	dma.local [hbm:s3], $0xF7A  }
0x26: {  	[smem:$0x3F99] =	sst s1;
	(tag) =	ssettag s2;
	_ =	strace s9  }
0x27: {  	s1 =	sld [smem:$0x3FA9]  }
0x28: {  	s2 =	sld [smem:$0x3FAA]  }
0x29: {  	s4 =	sld [smem:$0x3FAC]  }
0x2a: {  	p0 =	seq.s32 s5, $0x0;
	s5 =	sld [smem:$0x3FAD]  }
0x2b: {  	s6 =	sld [smem:$0x3FAE]  }
0x2c: {  	s7 =	sld [smem:$0x3FAF]  }
0x2d: {  	s3 =	simm.s32 $0x108;
	s8 =	sld [smem:$0x3FB0]  }
0x2e: {  	s3 =	simm.s32 @!p0 $0x1082;
	s9 =	sld [smem:$0x3FB1]  }
0x2f: {  	lr =	sadd.s32 s0, s3;
	s0 =	sld [smem:$0x3FA8]  }
0x30: {  	s3 =	sld [smem:$0x3FAB]  }
0x31: {  	[smem:$0x3FB4] =	sst s10  }
0x32: {  	s10 =	sld [smem:$0x3FB2];
	_ =	sdelay $0x3  }
0x33: {  	p0 =	seq.s32 s10, $0x1;
	s10 =	sld [smem:$0x3FB4];
	_ =	sdelay $0x3  }
0x34: {  	[smem:$0x3FB4] =	sst s10  }
0x35: {  	s10 =	sld [smem:$0x3FB3];
	_ =	sdelay $0x3  }
0x36: {  	p1 =	seq.s32 s10, $0x1;
	s10 =	sld [smem:$0x3FB4];
	_ =	sdelay $0x3  }
0x37: {  	[smem:$0x3FB4] =	sst s10  }
0x38: {  	s10 =	sld [smem:$0x3FB5]  }
0x39: {  	_ = 	snop;
	(pc) =	sbr.ind lr, $3  }
0x3a: {  	_ = 	snop  }
0x3b: {  	_ = 	snop  }
0x3c: {  	p2 =	seq.s32 s10, $0x1;
	s10 =	sld [smem:$0x3FB4]  }
0x3d: {  	_ =	shalt  }
0x3e: {  	_ =	shalt  }
0x3f: {  	_ =	shalt  }
0x40: {  	_ =	shalt  }
0x41: {  	_ =	shalt  }
0x42: {  	_ =	shalt  }
0x43: {  	_ =	shalt  }
0x44: {  	_ =	shalt  }
0x45: {  	_ =	shalt  }
0x46: {  	_ =	shalt  }
0x47: {  	_ =	shalt  }
0x48: {  	_ =	shalt  }
0x49: {  	_ =	shalt  }
0x4a: {  	_ =	shalt  }
0x4b: {  	_ =	shalt  }
0x4c: {  	_ =	shalt  }
0x4d: {  	_ =	shalt  }
0x4e: {  	_ =	shalt  }
0x4f: {  	_ =	shalt  }
0x50: {  	_ =	shalt  }
0x51: {  	_ =	shalt  }
0x52: {  	_ =	shalt  }
0x53: {  	_ =	shalt  }
0x54: {  	_ =	shalt  }
0x55: {  	_ =	shalt  }
0x56: {  	_ =	shalt  }
0x57: {  	_ =	shalt  }
0x58: {  	_ =	shalt  }
0x59: {  	_ =	shalt  }
0x5a: {  	_ =	shalt  }
0x5b: {  	_ =	shalt  }
0x5c: {  	_ =	shalt  }
0x5d: {  	_ =	shalt  }
0x5e: {  	_ =	shalt  }
0x5f: {  	_ =	shalt  }
0x60: {  	_ =	shalt  }
0x61: {  	_ =	shalt  }
0x62: {  	_ =	shalt  }
0x63: {  	_ =	shalt  }
0x64: {  	_ =	shalt  }
0x65: {  	_ =	shalt  }
0x66: {  	_ =	shalt  }
0x67: {  	_ =	shalt  }
0x68: {  	_ =	shalt  }
0x69: {  	_ =	shalt  }
0x6a: {  	_ =	shalt  }
0x6b: {  	_ =	shalt  }
0x6c: {  	_ =	shalt  }
0x6d: {  	_ =	shalt  }
0x6e: {  	_ =	shalt  }
0x6f: {  	_ =	shalt  }
0x70: {  	_ =	shalt  }
0x71: {  	_ =	shalt  }
0x72: {  	_ =	shalt  }
0x73: {  	_ =	shalt  }
0x74: {  	_ =	shalt  }
0x75: {  	_ =	shalt  }
0x76: {  	_ =	shalt  }
0x77: {  	_ =	shalt  }
0x78: {  	_ =	shalt  }
0x79: {  	_ =	shalt  }
0x7a: {  	_ =	shalt  }
0x7b: {  	_ =	shalt  }
0x7c: {  	_ =	shalt  }
0x7d: {  	_ =	shalt  }
0x7e: {  	_ =	shalt  }
0x7f: {  	_ =	shalt  }
0x80: {  	_ =	shalt  }
0x81: {  	_ =	shalt  }
0x82: {  	_ =	shalt  }
0x83: {  	_ =	shalt  }
0x84: {  	_ =	shalt  }
0x85: {  	_ =	shalt  }
0x86: {  	_ =	shalt  }
0x87: {  	_ =	shalt  }
.Lfunc_end0:
.L_simem_size_0:
called_computation_lowered:
.L_overlay_start_0:
0x88: {  	s2 =	sld [smem:$0x3FD9]  }
0x89: {  	s3 =	sld [smem:$0x3FFE];
	_ =	sdelay $0x1  }
0x8a: {  	s1 =	srdreg.scid  }
0x8b: {  	s0 =	sand.u32 $0x1, s1  }
0x8c: {  	s16 =	sshll.u32 s0, $0xA;
	s2 =	sadd.s32 s3, s2  }
0x8d: {  	s2 =	sadd.s32 s2, s16  }
0x8e: {  	[smem:$0x3FC0] =	sst s2  }
0x8f: {  	_ = 	snop  }
0x90: {  	(tm) =	ssettm $0x1  }
0x91: {  	s17 =	sld [smem:$0x3FFB];
	_ =	sdelay $0x3  }
0x92: {  	_ =	strace s17  }
0x93: {  	s2 =	sld [smem:$0x3FFC];
	_ =	sdelay $0x3  }
0x94: {  	_ =	strace s2  }
0x95: {  	s2 =	sld [smem:$0x3FFD];
	_ =	sdelay $0x3  }
0x96: {  	_ =	strace s2  }
0x97: {  	_ =	strace $0x8FFFFFFF  }
0x98: {  	s18 =	sld [smem:$0x3FDB];
	_ =	sdelay $0x1  }
0x99: {  	s19 =	simm.s32 $_scs_section_size  }
0x9a: {  	s4 =	simm.s32 $_size__tile_overlayer_lowered;
	s5 =	simm.s32 $_tile_overlayer_lowered  }
0x9b: {  	s22 =	simm.s32 $0x1BFF;
	s21 =	sshll.u32 s5, $0x1;
	s2 =	sadd.s32 s19, s18  }
0x9c: {  	s6 =	simm.s32 $0x0;
	s20 =	sshll.u32 s4, $0x1;
	s4 =	sadd.s32 s21, s2  }
0x9d: {  	[timem:s6], [sflag:s22] =	dma.local [hbm:s4], s20  }
0x9e: {  	_ =	swait.ge [sflag:s22], s20  }
0x9f: {  	s3 =	ssub.s32 $0x0, s20;
	[sflag:s22] =	ssyncset.done $0x0  }
0xa0: {  	[sflag:s22] =	ssyncadd.s32 s3;
	_ =	sdelay $0x1  }
0xa1: {  	s23 =	simm.s32 $0x1B8B  }
0xa2: {  	_ =	swait.ge [sflag:s23], $0x1  }
0xa3: {  	[sflag:s23] =	ssyncset.done $0x0  }
0xa4: {  	s25 =	simm.s32 $0x1B8E;
	s24 =	sld [smem:$0x3FFE];
	[sflag:s23] =	ssyncadd.s32 $0xFFFFFFFF  }
0xa5: {  	s26 =	simm.s32 $execute0_lowered;
	[smem:$0x3FD2] =	sst s25  }
0xa6: {  	s4 =	sshll.u32 s26, $0x1;
	_ =	strace $0x80000046;
	[dreg:$0x1] =	wrdreg $0xFFFFFFFF  }
0xa7: {  	s28 =	simm.s32 $_size_execute0_lowered;
	s2 =	sadd.s32 s2, s4;
	[dreg:$0x0] =	wrdreg $0x0  }
0xa8: {  	s4 =	sshll.u32 s28, $0x1;
	[dreg:$0x2] =	wrdreg s2  }
0xa9: {  	[dreg:$0x3] =	wrdreg s4  }
0xaa: {  	[dreg:$0x4] =	wrdreg $0xC0  }
0xab: {  	_ =	task [dreg:s6], $0x5FFFF  }
0xac: {  	[dreg:$0x1] =	wrdreg $0xFFFFFFFF  }
0xad: {  	[dreg:$0x0] =	wrdreg $0x60  }
0xae: {  	[dreg:$0x2] =	wrdreg s24  }
0xaf: {  	[dreg:$0x3] =	wrdreg $0x50000  }
0xb0: {  	[dreg:$0x4] =	wrdreg $0x9  }
0xb1: {  	_ =	task.clear_ibuf [dreg:s6], $0x5FFFF;
	_ =	strace $0x90000046  }
0xb2: {  	s29 =	simm.s32 $0x9;
	_ =	strace $0x80000048  }
0xb3: {  	_ =	swait.ge [sflag:s29], $0x1  }
0xb4: {  	[sflag:s29] =	ssyncadd.s32 $0xFFFFFFFF  }
0xb5: {  	_ =	strace $0x90000048  }
0xb6: {  	_ =	sfence  }
0xb7: {  	s30 =	sld [smem:$0x0];
	_ =	sdelay $0x2  }
0xb8: {  	s31 =	sshll.u32 s1, $0xD;
	s1 =	sshrl.u32 s1, $0x2  }
0xb9: {  	s3 =	sand.u32 $0x4000, s31;
	s1 =	sadd.s32 s1, s30  }
0xba: {  	s0 =	sor.u32 s3, s0;
	s1 =	sshll.u32 s1, $0x11  }
0xbb: {  	s0 =	sor.u32 s1, s0  }
0xbc: {  	s0 =	sadd.s32 $0x8F2B, s0  }
0xbd: {  	[sflag:s0] =	ssyncadd.remote.s32 $0x1  }
0xbe: {  	_ =	sfence.sel $0xFFFF  }
0xbf: {  	[dreg:$0x0] =	wrdreg $0xFFFFFFFF;
	(pc) =	sbr.abs _section_cstart, $3  }
0xc0: {  	[dreg:$0x1] =	wrdreg $0xFFFFFFFF  }
0xc1: {  	_ =	task.clear_ibuf [dreg:s6], $0x2FFFF;
	_ =	strace $0x9FFFFFFF  }
0xc2: {  	(tm) =	ssettm $0x7FFFFFFF  }
0xc3: {  	_ =	shalt  }
tec
execute0_lowered:
.L_overlay_start_1:
0x0: {  	(tag) =	ssettag $0x1  }
0x1: {  	s0 =	srdreg.scid;
	s6 =	rddreg [dreg:$0x0]  }
0x2: {  	s2 =	rddreg [dreg:$0x1];
	s5 =	sand.u32 $0x1, s0;
	s0 =	stileid.u32  }
0x3: {  	s3 =	simm.s32 $0x0;
	s13 =	simm.s32 $0x64;
	s7 =	smul.u32 $0x3E80, s0  }
0x4: {  	s14 =	simm.s32 $0x1;
	s15 =	simm.s32 $0x0;
	s8 =	smul.u32 $0x27100, s5  }
0x5: {  	[smem:$0x7FF] =	sst s3;
	s1 =	sshll.u32 s5, $0x4;
	s10 =	smul.u32 $0x7D000, s0  }
0x6: {  	s5 =	ssub.s32 $0x2, s5;
	p0 =	sgt.u32 s0, $0x9;
	s4 =	sor.u32 s0, s1  }
0x7: {  	s1 =	rddreg [dreg:$0x2];
	_ =	strace $0x80000047;
	s29 =	sshrl.u32 s5, $0x1  }
0x8: {  	s4 =	smul.u32 $0x380, s4;
	s11 =	sadd.s32 s7, s6;
	s7 =	sadd.s32 s7, s8  }
0x9: {  	s30 =	sshrl.u32 s10, $0x2;
	s31 =	ssub.s32 s5, s29;
	s7 =	sadd.s32 s7, s6  }
0xa: {  	s12 =	sadd.s32 s30, s2;
	s5 =	sadd.s32 $0x9600, s11;
	s8 =	smax.u32 s31, $0x1  }
0xb: {  	s11 =	simm.s32 $0x1C00;
	s9 =	sadd.s32 s4, s6;
	s4 =	sadd.s32 $0x30800, s6  }
0xc: {  	s7 =	sadd.s32 $0x31000, s7;
	s6 =	sadd.s32 $0x2600, s9;
	s9 =	sshll.u32 @!p0 s0, $0x6  }
0xd: {  	s10 =	sshrl.u32 @!p0 s12, $0x3;
	s12 =	simm.s32 $0x2;
	s9 =	sor.u32 @!p0 $0x1C02, s9  }
.LBB2_1:
0xe: {  	[spmem:s10], [sflag:s9] =	dma.local @!p0 [hbm:s5], $0x3E80  }
0xf: {  	s16 =	simm.s32 @!p0 $0x2  }
0x10: {  	_ =	swait.ge @!p0 [sflag:s16], $0x3E80  }
0x11: {  	[sflag:s16] =	ssyncset.done @!p0 $0x0  }
0x12: {  	[sflag:s16] =	ssyncadd.s32 @!p0 $0xFFFFC180  }
0x13: {  	[tilespmem:s11], [sflag:$0x2] =	stream.linear.gather [hbm4b:s4+s3], $0x3200, $0x38;
	[tilespmem:$0x18880] =	vst v63  }
0x14: {  	_ =	swait.ge [sflag:s12], $0x3200  }
0x15: {  	[sflag:s12] =	ssyncset.done $0x0  }
0x16: {  	[sflag:s12] =	ssyncadd.s32 $0xFFFFCE00  }
0x17: {  	[tilespmem:s3], [sflag:$0x2] =	stream.linear.gather [hbm4b:s6+s3], $0x1900, $0x38;
	[tilespmem:$0x18880] =	vst v63  }
0x18: {  	_ =	swait.ge [sflag:s12], $0x1900  }
0x19: {  	[sflag:s12] =	ssyncset.done $0x0  }
0x1a: {  	[sflag:s12] =	ssyncadd.s32 $0xFFFFE700  }
0x1b: {  	s16 =	simm.s32 $0x0;
	[bflag:$0x0] =	sbarrier.arrive $0xFFFF  }
.LBB2_2:
0x1c: {  	p1 =	sne.s32 s16, $0x6200  }
.Ltmp0:
0x1d: {  	_ = 	snop;
	(pc) =	sbr.rel @p1 .LBB2_2-.Ltmp0, $3  }
0x1e: {  	_ =	sdelay $0x1  }
0x1f: {  	s17 =	sshra.s32 s16, $0x2;
	s16 =	sadd.s32 $0x200, s16  }
0x20: {  	[spmem:s2] =	stream.indirect.scatter.add.f32 [tilespmem:s11], [sflag:$0x1], $0x80, s17, s13, $0xb8;
	[tilespmem:$0x18880] =	vst v63  }
0x21: {  	_ =	swait.ge [sflag:s14], $0x3200  }
0x22: {  	s16 =	simm.s32 $0x31;
	[sflag:s14] =	ssyncset.done $0x0  }
.LBB2_4:
0x23: {  	p1 =	sne.s32 s16, $0x1;
	s16 =	sadd.s32 $0xFFFFFFFF, s16;
	[sflag:s14] =	ssyncadd.s32 $0xFFFFCE00  }
.Ltmp1:
0x24: {  	(pc) =	sbr.rel @p1 .LBB2_4-.Ltmp1, $3  }
0x25: {  	_ =	sdelay $0x1  }
0x26: {  	_ =	swait.ge [sflag:s14], $0x3200  }
0x27: {  	[sflag:s14] =	ssyncset.done $0x0  }
0x28: {  	s15 =	sadd.s32 $0x1, s15  }
0x29: {  	[sflag:s14] =	ssyncadd.s32 $0xFFFFCE00;
	p1 =	sne.s32 s15, s8  }
.Ltmp2:
0x2a: {  	s16 =	simm.s32 @!p0 $0x2;
	[bflag:$0x0] =	sbarrier.arrive $0xFFFF;
	(pc) =	sbr.rel @p1 .LBB2_1-.Ltmp2, $4  }
0x2b: {  	[hbm:s7], [sflag:s9] =	dma.local @!p0 [spmem:s10], $0x3E80  }
0x2c: {  	_ =	swait.ge @!p0 [sflag:s16], $0x3E80  }
0x2d: {  	[sflag:s16] =	ssyncset.done @!p0 $0x0  }
0x2e: {  	[sflag:s16] =	ssyncadd.s32 @!p0 $0xFFFFC180  }
0x2f: {  	_ =	sfence.sel $0x180000  }
0x30: {  	[bflag:$0x0] =	sbarrier.arrive $0xFFFF  }
0x31: {  	p0 =	sne.s32 s0, $0x0;
	_ =	strace $0x90000047  }
0x32: {  	s0 =	sadd.s32 @!p0 $0x100000, s1;
	[bflag:$0x2] =	sbarrier.arrive $0xFFFF  }
0x33: {  	[sflag:s0] =	ssyncadd.tile.s32 @!p0 $0x1;
	_ =	shalt  }
.Lfunc_end2:
_tile_overlayer_lowered:
.L_overlay_start_2:
0x34: {  	(tag) =	ssettag $0x2  }
0x35: {  	s0 =	rddreg [dreg:$0x0];
	s2 =	stileid.u32  }
0x36: {  	s1 =	rddreg [dreg:$0x1];
	p0 =	sne.s32 s2, $0x0  }
0x37: {  	s3 =	rddreg [dreg:$0x2];
	[bflag:$0x3] =	sbarrier.arrive $0xFFFF;
	s2 =	simm.s32 @!p0 $0x1C02  }
0x38: {  	[timem:s3], [sflag:s2] =	dma.local @!p0 [hbm:s0], s1  }
0x39: {  	s0 =	simm.s32 @!p0 $0x2  }
0x3a: {  	_ =	swait.ge @!p0 [sflag:s0], s1  }
0x3b: {  	s1 =	ssub.s32 @!p0 $0x0, s1;
	[sflag:s0] =	ssyncset.done @!p0 $0x0  }
0x3c: {  	[sflag:s0] =	ssyncadd.s32 @!p0 s1  }
0x3d: {  	[bflag:$0x3] =	sbarrier.arrive $0xFFFF  }
0x3e: {  	_ =	shalt  }

</sc_bundles>
